<compile_context>
chip_gen: v7x
topology: tpu7x:2x2x1
jax: 0.10.2.dev20260603
libtpu: 0.0.44.dev20260713+nightly
codegen_flags: <defaults>
</compile_context>

<pallas_src>
import jax
import jax.numpy as jnp
from jax import lax
from jax.experimental import pallas as pl
from jax.experimental.pallas import tpu as pltpu
from jax.experimental.pallas import tpu_sc as plsc

_B = 16384
_L = 50
_D = 64
_VQ = 10000
_NC = 2
_NS = 16
_W = _D // _NS
_BSC = _B // _NC
_TCH = 128
_NTCH = _BSC // _TCH
_RPW = _B // (_NC * _NS)
_PCH = 128
_NSL = _D // 16


def _sc_body(tok, lat_i, lon_i, qtabT, t0, ltab, out,
             tab4, tok_d, poolT, shT, outp, latb, lonb, lli, t0v, sh_pool,
             sem_t0, sem_t1, sem_p0, sem_p1, sem_aux, sem_out):
    sid = lax.axis_index("s")
    cid = lax.axis_index("c")
    rbase_sc = cid * _BSC
    cbase = sid * _W

    pltpu.sync_copy(qtabT.at[pl.ds(cbase, _W), :], tab4)
    pltpu.sync_copy(t0, t0v)

    lanes = lax.broadcasted_iota(jnp.int32, (16,), 0)
    zf = jnp.zeros((16,), jnp.float32)
    zi = jnp.zeros((16,), jnp.int32)
    tsems = (sem_t0, sem_t1)
    psems = (sem_p0, sem_p1)

    for b in range(2):
        pltpu.async_copy(tok.at[:, pl.ds(rbase_sc + b * _TCH, _TCH)],
                         tok_d.at[b], tsems[b])

    t0c = [plsc.load_gather(t0v, [jnp.full((16,), cbase + c, jnp.int32)])
           for c in range(_W)]

    @pl.loop(0, _NTCH // 2)
    def _pair(pp):
        for b in range(2):
            ch = pp * 2 + b
            pltpu.make_async_copy(tok.at[:, pl.ds(0, _TCH)], tok_d.at[b],
                                  tsems[b]).wait()

            @pl.when(pp > 0)
            def _drain():
                for c in range(_W):
                    pltpu.make_async_copy(
                        poolT.at[b, c], sh_pool.at[c, pl.ds(0, _TCH)],
                        psems[b]).wait()

            @pl.loop(0, _TCH // 16)
            def _grp(g):
                def jstep(j, carry):
                    a0, a1, a2, a3, cnt = carry
                    tokv = tok_d[b, j, pl.ds(g * 16, 16)]
                    cnt = cnt + jnp.where(tokv == 0, 1, 0).astype(jnp.int32)
                    accs = (a0, a1, a2, a3)
                    outs = []
                    for c in range(_W):
                        v = plsc.load_gather(
                            tab4, [jnp.full((16,), c, jnp.int32), tokv])
                        outs.append(accs[c] + v)
                    return outs[0], outs[1], outs[2], outs[3], cnt

                a0, a1, a2, a3, cnt = pl.loop(
                    0, _L, init_carry=(zf, zf, zf, zf, zi), unroll=10)(jstep)

                nf = cnt.astype(jnp.float32)
                inv = 1.0 / jnp.maximum(jnp.float32(_L) - nf, 1.0)
                accs = (a0, a1, a2, a3)
                for c in range(_W):
                    poolT[b, c, pl.ds(g * 16, 16)] = \
                        (accs[c] - nf * t0c[c]) * inv

            for c in range(_W):
                pltpu.async_copy(
                    poolT.at[b, c],
                    sh_pool.at[cbase + c, pl.ds(ch * _TCH, _TCH)], psems[b])

            @pl.when(pp < _NTCH // 2 - 1)
            def _pref():
                pltpu.async_copy(
                    tok.at[:, pl.ds(rbase_sc + (ch + 2) * _TCH, _TCH)],
                    tok_d.at[b], tsems[b])

    for b in range(2):
        for c in range(_W):
            pltpu.make_async_copy(
                poolT.at[b, c], sh_pool.at[c, pl.ds(0, _TCH)],
                psems[b]).wait()
    plsc.subcore_barrier()

    base0 = rbase_sc + sid * _RPW

    @pl.loop(0, _RPW // _PCH)
    def _piece(p):
        base = base0 + p * _PCH
        lrow = sid * _RPW + p * _PCH

        pltpu.sync_copy(lat_i.at[pl.ds(base, _PCH)], lli.at[0])
        pltpu.sync_copy(lon_i.at[pl.ds(base, _PCH)], lli.at[1])
        cp_lat = pltpu.async_copy(ltab.at[lli.at[0]], latb, sem_aux)
        cp_lon = pltpu.async_copy(ltab.at[lli.at[1]], lonb, sem_aux)

        pltpu.sync_copy(sh_pool.at[:, pl.ds(lrow, _PCH)], shT)

        @pl.loop(0, _PCH)
        def _tr(r):
            rsp = jnp.full((16,), r, jnp.int32)
            for k in range(_NSL):
                outp[r, pl.ds(k * 16, 16)] = plsc.load_gather(
                    shT, [lanes + k * 16, rsp])

        cp_lat.wait()
        cp_lon.wait()
        o1 = pltpu.async_copy(outp, out.at[pl.ds(base, _PCH), pl.ds(0, _D)],
                              sem_out)
        o2 = pltpu.async_copy(latb, out.at[pl.ds(base, _PCH), pl.ds(_D, _D)],
                              sem_out)
        o3 = pltpu.async_copy(lonb,
                              out.at[pl.ds(base, _PCH), pl.ds(2 * _D, _D)],
                              sem_out)
        o1.wait()
        o2.wait()
        o3.wait()


@jax.jit
def _run(tok, lat_i, lon_i, qtabT, t0, ltab):
    mesh = plsc.VectorSubcoreMesh(core_axis_name="c", subcore_axis_name="s")
    return pl.kernel(
        _sc_body,
        out_type=jax.ShapeDtypeStruct((_B, 3 * _D), jnp.float32),
        mesh=mesh,
        scratch_types=[
            pltpu.VMEM((_W, _VQ), jnp.float32),
            pltpu.VMEM((2, _L, _TCH), jnp.int32),
            pltpu.VMEM((2, _W, _TCH), jnp.float32),
            pltpu.VMEM((_D, _PCH), jnp.float32),
            pltpu.VMEM((_PCH, _D), jnp.float32),
            pltpu.VMEM((_PCH, _D), jnp.float32),
            pltpu.VMEM((_PCH, _D), jnp.float32),
            pltpu.VMEM((2, _PCH), jnp.int32),
            pltpu.VMEM((_D,), jnp.float32),
            pltpu.VMEM_SHARED((_D, _BSC), jnp.float32),
            pltpu.SemaphoreType.DMA,
            pltpu.SemaphoreType.DMA,
            pltpu.SemaphoreType.DMA,
            pltpu.SemaphoreType.DMA,
            pltpu.SemaphoreType.DMA,
            pltpu.SemaphoreType.DMA,
        ],
        compiler_params=pltpu.CompilerParams(use_tc_tiling_on_sc=False,
                                             needs_layout_passes=False),
        name="query_model_sc",
    )(tok, lat_i, lon_i, qtabT, t0, ltab)


def kernel(query_tokens, wh_latitude, wh_longitude, query_table, lonlat_table):
    tok = query_tokens.astype(jnp.int32).T
    lat_i = wh_latitude.astype(jnp.int32)
    lon_i = wh_longitude.astype(jnp.int32)
    qtab = query_table.astype(jnp.float32)
    return _run(tok, lat_i, lon_i, qtab.T, qtab[0],
                lonlat_table.astype(jnp.float32))

# --- scband reference (transcript-rebuilt; emitter-appended) ---
"""Pipeline reference for scband-query-model-85074712199586 (READ-ONLY COPY).

The authoritative reference and input builder live on the scoring server;
editing this copy changes nothing except your own understanding.
"""

import jax, jax.numpy as jnp
import numpy as np

B = 16384
L = 50
VQ = 10000
D = 64
VL = 1001  # len(lon_vocab) + 1 (IntegerLookup OOV row)


def setup_inputs(seed: int = 0) -> dict:
    key = jax.random.key(seed)
    k1, k2, k3, k4, k5 = jax.random.split(key, 5)
    return {
        "query_tokens": jax.random.randint(k1, (B, L), 0, VQ),
        "wh_latitude": jax.random.randint(k2, (B,), 0, VL),
        "wh_longitude": jax.random.randint(k3, (B,), 0, VL),
        "query_table": jax.random.normal(k4, (VQ, D), dtype=jnp.float32) * 0.05,
        "lonlat_table": jax.random.normal(k5, (VL, D), dtype=jnp.float32) * 0.05,
    }


def reference(query_tokens, wh_latitude, wh_longitude, query_table, lonlat_table):
    # query branch: Embedding(mask_zero=True) + GlobalAveragePooling1D (masked mean)
    q = jnp.take(query_table, query_tokens, axis=0)  # [B, L, D]
    mask = (query_tokens != 0).astype(jnp.float32)  # token 0 is masked
    denom = jnp.maximum(jnp.sum(mask, axis=1, keepdims=True), 1.0)
    pooled = jnp.sum(q * mask[..., None], axis=1) / denom  # [B, D]
    # NOTE: original module overwrites self.latitude_embedding, so BOTH lat and lon
    # lookups go through the lon table. Faithful translation: single shared table.
    lat = jnp.take(lonlat_table, wh_latitude, axis=0)  # [B, D]
    lon = jnp.take(lonlat_table, wh_longitude, axis=0)  # [B, D]
    return jnp.concatenate([pooled, lat, lon], axis=1)  # [B, 3*D]

if __name__ == "__main__":
    import jax
    _d = setup_inputs()
    print(jax.jit(kernel)(*tuple(_d.values())))

</pallas_src>

<mosaic_0001>
#map = affine_map<(d0, d1) -> (0, 0)>
#map1 = affine_map<(d0, d1) -> (0)>
module attributes {stable_mosaic.version = 14 : i64} {
  func.func @query_model_sc(%arg0: i32, %arg1: i32, %arg2: memref<50x16384xi32, #tpu.memory_space<hbm>>, %arg3: memref<16384xi32, #tpu.memory_space<hbm>>, %arg4: memref<16384xi32, #tpu.memory_space<hbm>>, %arg5: memref<64x10000xf32, #tpu.memory_space<hbm>>, %arg6: memref<64xf32, #tpu.memory_space<hbm>>, %arg7: memref<1001x64xf32, #tpu.memory_space<hbm>>, %arg8: memref<16384x192xf32, #tpu.memory_space<hbm>>, %arg9: memref<4x10000xf32, #tpu.memory_space<vmem>>, %arg10: memref<2x50x128xi32, #tpu.memory_space<vmem>>, %arg11: memref<2x4x128xf32, #tpu.memory_space<vmem>>, %arg12: memref<64x128xf32, #tpu.memory_space<vmem>>, %arg13: memref<128x64xf32, #tpu.memory_space<vmem>>, %arg14: memref<128x64xf32, #tpu.memory_space<vmem>>, %arg15: memref<128x64xf32, #tpu.memory_space<vmem>>, %arg16: memref<2x128xi32, #tpu.memory_space<vmem>>, %arg17: memref<64xf32, #tpu.memory_space<vmem>>, %arg18: memref<64x8192xf32, #tpu.memory_space<vmem_shared>>, %arg19: memref<!tpu.dma_semaphore, #tpu.memory_space<semaphore_mem>>, %arg20: memref<!tpu.dma_semaphore, #tpu.memory_space<semaphore_mem>>, %arg21: memref<!tpu.dma_semaphore, #tpu.memory_space<semaphore_mem>>, %arg22: memref<!tpu.dma_semaphore, #tpu.memory_space<semaphore_mem>>, %arg23: memref<!tpu.dma_semaphore, #tpu.memory_space<semaphore_mem>>, %arg24: memref<!tpu.dma_semaphore, #tpu.memory_space<semaphore_mem>>) attributes {dimension_semantics = [#tpu.dimension_semantics<core_parallel>, #tpu.dimension_semantics<subcore_parallel>], iteration_bounds = array<i64: 2, 16>, scalar_prefetch = 0 : i64, scratch_operands = 16 : i64, tpu.core_type = #tpu.core_type<sc_vector_subcore>, window_params = [{transform_indices = #map}, {transform_indices = #map1}, {transform_indices = #map1}, {transform_indices = #map}, {transform_indices = #map1}, {transform_indices = #map}, {transform_indices = #map}]} {
    %mul3A = arith.constant 8192 : i32
    %mul3A_0 = arith.muli %arg0, %mul3A : i32
    %mul3A_1 = arith.constant 4 : i32
    %mul3A_2 = arith.muli %arg1, %mul3A_1 : i32
    "tpu.region"() ({
      %run_scoped3A = tpu.sem_alloc : memref<!tpu.dma_semaphore, #tpu.memory_space<semaphore_mem>>
      %dma_start3A_180 = arith.constant 0 : i32
      %dma_start3A_181 = tpu.memref_slice %arg5[%mul3A_2, %dma_start3A_180] : memref<64x10000xf32, #tpu.memory_space<hbm>> -> memref<4x10000xf32, #tpu.memory_space<hbm>>
      %dma_start3A_182 = arith.constant 0 : i32
      %dma_start3A_183 = tpu.memref_slice %arg5[%mul3A_2, %dma_start3A_182] : memref<64x10000xf32, #tpu.memory_space<hbm>> -> memref<4x10000xf32, #tpu.memory_space<hbm>>
      tpu.enqueue_dma source(%dma_start3A_183 : memref<4x10000xf32, #tpu.memory_space<hbm>>) target(%arg9 : memref<4x10000xf32, #tpu.memory_space<vmem>>) target_semaphore(%run_scoped3A : memref<!tpu.dma_semaphore, #tpu.memory_space<semaphore_mem>>)
      %dma_wait3A_184 = arith.constant 0 : i32
      %dma_wait3A_185 = tpu.memref_slice %arg5[%mul3A_2, %dma_wait3A_184] : memref<64x10000xf32, #tpu.memory_space<hbm>> -> memref<4x10000xf32, #tpu.memory_space<hbm>>
      %dma_wait3A_186 = arith.constant 0 : i32
      %dma_wait3A_187 = tpu.memref_slice %arg5[%mul3A_2, %dma_wait3A_186] : memref<64x10000xf32, #tpu.memory_space<hbm>> -> memref<4x10000xf32, #tpu.memory_space<hbm>>
      tpu.wait_dma2 semaphore(%run_scoped3A : memref<!tpu.dma_semaphore, #tpu.memory_space<semaphore_mem>>) src(%dma_wait3A_187 : memref<4x10000xf32, #tpu.memory_space<hbm>>) dst(%arg9 : memref<4x10000xf32, #tpu.memory_space<vmem>>)
      tpu.yield
    }) : () -> ()
    "tpu.region"() ({
      %run_scoped3A = tpu.sem_alloc : memref<!tpu.dma_semaphore, #tpu.memory_space<semaphore_mem>>
      tpu.enqueue_dma source(%arg6 : memref<64xf32, #tpu.memory_space<hbm>>) target(%arg17 : memref<64xf32, #tpu.memory_space<vmem>>) target_semaphore(%run_scoped3A : memref<!tpu.dma_semaphore, #tpu.memory_space<semaphore_mem>>)
      tpu.wait_dma2 semaphore(%run_scoped3A : memref<!tpu.dma_semaphore, #tpu.memory_space<semaphore_mem>>) src(%arg6 : memref<64xf32, #tpu.memory_space<hbm>>) dst(%arg17 : memref<64xf32, #tpu.memory_space<vmem>>)
      tpu.yield
    }) : () -> ()
    %iota3A = tpu.iota {dimensions = array<i32: 0>} : vector<16xi32>
    %broadcast_in_dim3A = arith.constant 0.000000e+00 : f32
    %broadcast_in_dim3A_3 = vector.broadcast %broadcast_in_dim3A : f32 to vector<16xf32>
    %broadcast_in_dim3A_4 = arith.constant 0 : i32
    %broadcast_in_dim3A_5 = vector.broadcast %broadcast_in_dim3A_4 : i32 to vector<16xi32>
    %add3A = arith.constant 0 : i32
    %add3A_6 = arith.addi %mul3A_0, %add3A : i32
    %dma_start3A = arith.constant 0 : i32
    %dma_start3A_7 = arith.constant 0 : i32
    %dma_start3A_8 = arith.constant 0 : i32
    %dma_start3A_9 = tpu.memref_slice %arg10[%dma_start3A, %dma_start3A_7, %dma_start3A_8] : memref<2x50x128xi32, #tpu.memory_space<vmem>> -> memref<1x50x128xi32, #tpu.memory_space<vmem>>
    %dma_start3A_10 = tpu.memref_squeeze %dma_start3A_9 : memref<1x50x128xi32, #tpu.memory_space<vmem>> -> memref<50x128xi32, #tpu.memory_space<vmem>>
    %dma_start3A_11 = arith.constant 0 : i32
    %dma_start3A_12 = tpu.memref_slice %arg2[%dma_start3A_11, %add3A_6] : memref<50x16384xi32, #tpu.memory_space<hbm>> -> memref<50x128xi32, #tpu.memory_space<hbm>>
    %dma_start3A_13 = arith.constant 0 : i32
    %dma_start3A_14 = arith.constant 0 : i32
    %dma_start3A_15 = tpu.memref_slice %arg10[%dma_start3A, %dma_start3A_13, %dma_start3A_14] : memref<2x50x128xi32, #tpu.memory_space<vmem>> -> memref<1x50x128xi32, #tpu.memory_space<vmem>>
    %dma_start3A_16 = tpu.memref_squeeze %dma_start3A_15 : memref<1x50x128xi32, #tpu.memory_space<vmem>> -> memref<50x128xi32, #tpu.memory_space<vmem>>
    %dma_start3A_17 = arith.constant 0 : i32
    %dma_start3A_18 = tpu.memref_slice %arg2[%dma_start3A_17, %add3A_6] : memref<50x16384xi32, #tpu.memory_space<hbm>> -> memref<50x128xi32, #tpu.memory_space<hbm>>
    tpu.enqueue_dma source(%dma_start3A_18 : memref<50x128xi32, #tpu.memory_space<hbm>>) target(%dma_start3A_16 : memref<50x128xi32, #tpu.memory_space<vmem>>) target_semaphore(%arg19 : memref<!tpu.dma_semaphore, #tpu.memory_space<semaphore_mem>>)
    %add3A_19 = arith.constant 128 : i32
    %add3A_20 = arith.addi %mul3A_0, %add3A_19 : i32
    %dma_start3A_21 = arith.constant 1 : i32
    %dma_start3A_22 = arith.constant 0 : i32
    %dma_start3A_23 = arith.constant 0 : i32
    %dma_start3A_24 = tpu.memref_slice %arg10[%dma_start3A_21, %dma_start3A_22, %dma_start3A_23] : memref<2x50x128xi32, #tpu.memory_space<vmem>> -> memref<1x50x128xi32, #tpu.memory_space<vmem>>
    %dma_start3A_25 = tpu.memref_squeeze %dma_start3A_24 : memref<1x50x128xi32, #tpu.memory_space<vmem>> -> memref<50x128xi32, #tpu.memory_space<vmem>>
    %dma_start3A_26 = arith.constant 0 : i32
    %dma_start3A_27 = tpu.memref_slice %arg2[%dma_start3A_26, %add3A_20] : memref<50x16384xi32, #tpu.memory_space<hbm>> -> memref<50x128xi32, #tpu.memory_space<hbm>>
    %dma_start3A_28 = arith.constant 0 : i32
    %dma_start3A_29 = arith.constant 0 : i32
    %dma_start3A_30 = tpu.memref_slice %arg10[%dma_start3A_21, %dma_start3A_28, %dma_start3A_29] : memref<2x50x128xi32, #tpu.memory_space<vmem>> -> memref<1x50x128xi32, #tpu.memory_space<vmem>>
    %dma_start3A_31 = tpu.memref_squeeze %dma_start3A_30 : memref<1x50x128xi32, #tpu.memory_space<vmem>> -> memref<50x128xi32, #tpu.memory_space<vmem>>
    %dma_start3A_32 = arith.constant 0 : i32
    %dma_start3A_33 = tpu.memref_slice %arg2[%dma_start3A_32, %add3A_20] : memref<50x16384xi32, #tpu.memory_space<hbm>> -> memref<50x128xi32, #tpu.memory_space<hbm>>
    tpu.enqueue_dma source(%dma_start3A_33 : memref<50x128xi32, #tpu.memory_space<hbm>>) target(%dma_start3A_31 : memref<50x128xi32, #tpu.memory_space<vmem>>) target_semaphore(%arg20 : memref<!tpu.dma_semaphore, #tpu.memory_space<semaphore_mem>>)
    %add3A_34 = arith.constant 0 : i32
    %add3A_35 = arith.addi %mul3A_2, %add3A_34 : i32
    %broadcast_in_dim3A_36 = vector.broadcast %add3A_35 : i32 to vector<16xi32>
    %gather3A = tpu.vector_load_idx %arg17[%broadcast_in_dim3A_36] : memref<64xf32, #tpu.memory_space<vmem>>[vector<16xi32>], vector<16xf32>,
    %add3A_37 = arith.constant 1 : i32
    %add3A_38 = arith.addi %mul3A_2, %add3A_37 : i32
    %broadcast_in_dim3A_39 = vector.broadcast %add3A_38 : i32 to vector<16xi32>
    %gather3A_40 = tpu.vector_load_idx %arg17[%broadcast_in_dim3A_39] : memref<64xf32, #tpu.memory_space<vmem>>[vector<16xi32>], vector<16xf32>,
    %add3A_41 = arith.constant 2 : i32
    %add3A_42 = arith.addi %mul3A_2, %add3A_41 : i32
    %broadcast_in_dim3A_43 = vector.broadcast %add3A_42 : i32 to vector<16xi32>
    %gather3A_44 = tpu.vector_load_idx %arg17[%broadcast_in_dim3A_43] : memref<64xf32, #tpu.memory_space<vmem>>[vector<16xi32>], vector<16xf32>,
    %add3A_45 = arith.constant 3 : i32
    %add3A_46 = arith.addi %mul3A_2, %add3A_45 : i32
    %broadcast_in_dim3A_47 = vector.broadcast %add3A_46 : i32 to vector<16xi32>
    %gather3A_48 = tpu.vector_load_idx %arg17[%broadcast_in_dim3A_47] : memref<64xf32, #tpu.memory_space<vmem>>[vector<16xi32>], vector<16xf32>,
    %scan3A = arith.constant 0 : i32
    %scan3A_49 = arith.constant 32 : i32
    %scan3A_50 = arith.addi %scan3A, %scan3A_49 : i32
    %scan3A_51 = arith.constant 1 : i32
    scf.for %scan3A_180 = %scan3A to %scan3A_50 step %scan3A_51  : i32 {
      %mul3A_181 = arith.constant 1 : i32
      %mul3A_182 = arith.muli %scan3A_180, %mul3A_181 : i32
      %add3A_183 = arith.constant 0 : i32
      %add3A_184 = arith.addi %add3A_183, %mul3A_182 : i32
      %mul3A_185 = arith.constant 2 : i32
      %mul3A_186 = arith.muli %add3A_184, %mul3A_185 : i32
      %add3A_187 = arith.constant 0 : i32
      %add3A_188 = arith.addi %mul3A_186, %add3A_187 : i32
      %dma_wait3A_189 = arith.constant 0 : i32
      %dma_wait3A_190 = arith.constant 0 : i32
      %dma_wait3A_191 = arith.constant 0 : i32
      %dma_wait3A_192 = tpu.memref_slice %arg10[%dma_wait3A_189, %dma_wait3A_190, %dma_wait3A_191] : memref<2x50x128xi32, #tpu.memory_space<vmem>> -> memref<1x50x128xi32, #tpu.memory_space<vmem>>
      %dma_wait3A_193 = tpu.memref_squeeze %dma_wait3A_192 : memref<1x50x128xi32, #tpu.memory_space<vmem>> -> memref<50x128xi32, #tpu.memory_space<vmem>>
      %dma_wait3A_194 = arith.constant 0 : i32
      %dma_wait3A_195 = arith.constant 0 : i32
      %dma_wait3A_196 = tpu.memref_slice %arg2[%dma_wait3A_194, %dma_wait3A_195] : memref<50x16384xi32, #tpu.memory_space<hbm>> -> memref<50x128xi32, #tpu.memory_space<hbm>>
      %dma_wait3A_197 = arith.constant 0 : i32
      %dma_wait3A_198 = arith.constant 0 : i32
      %dma_wait3A_199 = tpu.memref_slice %arg10[%dma_wait3A_189, %dma_wait3A_197, %dma_wait3A_198] : memref<2x50x128xi32, #tpu.memory_space<vmem>> -> memref<1x50x128xi32, #tpu.memory_space<vmem>>
      %dma_wait3A_200 = tpu.memref_squeeze %dma_wait3A_199 : memref<1x50x128xi32, #tpu.memory_space<vmem>> -> memref<50x128xi32, #tpu.memory_space<vmem>>
      %dma_wait3A_201 = arith.constant 0 : i32
      %dma_wait3A_202 = arith.constant 0 : i32
      %dma_wait3A_203 = tpu.memref_slice %arg2[%dma_wait3A_201, %dma_wait3A_202] : memref<50x16384xi32, #tpu.memory_space<hbm>> -> memref<50x128xi32, #tpu.memory_space<hbm>>
      tpu.wait_dma2 semaphore(%arg19 : memref<!tpu.dma_semaphore, #tpu.memory_space<semaphore_mem>>) src(%dma_wait3A_203 : memref<50x128xi32, #tpu.memory_space<hbm>>) dst(%dma_wait3A_200 : memref<50x128xi32, #tpu.memory_space<vmem>>)
      %gt3A = arith.constant 0 : i32
      %gt3A_204 = arith.cmpi sgt, %add3A_184, %gt3A : i32
      %convert_element_type3A = arith.extui %gt3A_204 : i1 to i32
      %cond3A = arith.constant 0 : i32
      %cond3A_205 = arith.cmpi ne, %convert_element_type3A, %cond3A : i32
      scf.if %cond3A_205 {
        %dma_wait3A_377 = arith.constant 0 : i32
        %dma_wait3A_378 = arith.constant 0 : i32
        %dma_wait3A_379 = arith.constant 0 : i32
        %dma_wait3A_380 = arith.constant 0 : i32
        %dma_wait3A_381 = tpu.memref_slice %arg11[%dma_wait3A_377, %dma_wait3A_378, %dma_wait3A_380] : memref<2x4x128xf32, #tpu.memory_space<vmem>> -> memref<1x1x128xf32, #tpu.memory_space<vmem>>
        %dma_wait3A_382 = tpu.memref_squeeze %dma_wait3A_381 : memref<1x1x128xf32, #tpu.memory_space<vmem>> -> memref<128xf32, #tpu.memory_space<vmem>>
        %dma_wait3A_383 = arith.constant 0 : i32
        %dma_wait3A_384 = tpu.memref_slice %arg18[%dma_wait3A_379, %dma_wait3A_383] : memref<64x8192xf32, #tpu.memory_space<vmem_shared>> -> memref<1x128xf32, #tpu.memory_space<vmem_shared>>
        %dma_wait3A_385 = tpu.memref_squeeze %dma_wait3A_384 : memref<1x128xf32, #tpu.memory_space<vmem_shared>> -> memref<128xf32, #tpu.memory_space<vmem_shared>>
        %dma_wait3A_386 = arith.constant 0 : i32
        %dma_wait3A_387 = tpu.memref_slice %arg18[%dma_wait3A_379, %dma_wait3A_386] : memref<64x8192xf32, #tpu.memory_space<vmem_shared>> -> memref<1x128xf32, #tpu.memory_space<vmem_shared>>
        %dma_wait3A_388 = tpu.memref_squeeze %dma_wait3A_387 : memref<1x128xf32, #tpu.memory_space<vmem_shared>> -> memref<128xf32, #tpu.memory_space<vmem_shared>>
        %dma_wait3A_389 = arith.constant 0 : i32
        %dma_wait3A_390 = tpu.memref_slice %arg11[%dma_wait3A_377, %dma_wait3A_378, %dma_wait3A_389] : memref<2x4x128xf32, #tpu.memory_space<vmem>> -> memref<1x1x128xf32, #tpu.memory_space<vmem>>
        %dma_wait3A_391 = tpu.memref_squeeze %dma_wait3A_390 : memref<1x1x128xf32, #tpu.memory_space<vmem>> -> memref<128xf32, #tpu.memory_space<vmem>>
        tpu.wait_dma2 semaphore(%arg21 : memref<!tpu.dma_semaphore, #tpu.memory_space<semaphore_mem>>) src(%dma_wait3A_391 : memref<128xf32, #tpu.memory_space<vmem>>) dst(%dma_wait3A_388 : memref<128xf32, #tpu.memory_space<vmem_shared>>)
        %dma_wait3A_392 = arith.constant 0 : i32
        %dma_wait3A_393 = arith.constant 1 : i32
        %dma_wait3A_394 = arith.constant 1 : i32
        %dma_wait3A_395 = arith.constant 0 : i32
        %dma_wait3A_396 = tpu.memref_slice %arg11[%dma_wait3A_392, %dma_wait3A_393, %dma_wait3A_395] : memref<2x4x128xf32, #tpu.memory_space<vmem>> -> memref<1x1x128xf32, #tpu.memory_space<vmem>>
        %dma_wait3A_397 = tpu.memref_squeeze %dma_wait3A_396 : memref<1x1x128xf32, #tpu.memory_space<vmem>> -> memref<128xf32, #tpu.memory_space<vmem>>
        %dma_wait3A_398 = arith.constant 0 : i32
        %dma_wait3A_399 = tpu.memref_slice %arg18[%dma_wait3A_394, %dma_wait3A_398] : memref<64x8192xf32, #tpu.memory_space<vmem_shared>> -> memref<1x128xf32, #tpu.memory_space<vmem_shared>>
        %dma_wait3A_400 = tpu.memref_squeeze %dma_wait3A_399 : memref<1x128xf32, #tpu.memory_space<vmem_shared>> -> memref<128xf32, #tpu.memory_space<vmem_shared>>
        %dma_wait3A_401 = arith.constant 0 : i32
        %dma_wait3A_402 = tpu.memref_slice %arg18[%dma_wait3A_394, %dma_wait3A_401] : memref<64x8192xf32, #tpu.memory_space<vmem_shared>> -> memref<1x128xf32, #tpu.memory_space<vmem_shared>>
        %dma_wait3A_403 = tpu.memref_squeeze %dma_wait3A_402 : memref<1x128xf32, #tpu.memory_space<vmem_shared>> -> memref<128xf32, #tpu.memory_space<vmem_shared>>
        %dma_wait3A_404 = arith.constant 0 : i32
        %dma_wait3A_405 = tpu.memref_slice %arg11[%dma_wait3A_392, %dma_wait3A_393, %dma_wait3A_404] : memref<2x4x128xf32, #tpu.memory_space<vmem>> -> memref<1x1x128xf32, #tpu.memory_space<vmem>>
        %dma_wait3A_406 = tpu.memref_squeeze %dma_wait3A_405 : memref<1x1x128xf32, #tpu.memory_space<vmem>> -> memref<128xf32, #tpu.memory_space<vmem>>
        tpu.wait_dma2 semaphore(%arg21 : memref<!tpu.dma_semaphore, #tpu.memory_space<semaphore_mem>>) src(%dma_wait3A_406 : memref<128xf32, #tpu.memory_space<vmem>>) dst(%dma_wait3A_403 : memref<128xf32, #tpu.memory_space<vmem_shared>>)
        %dma_wait3A_407 = arith.constant 0 : i32
        %dma_wait3A_408 = arith.constant 2 : i32
        %dma_wait3A_409 = arith.constant 2 : i32
        %dma_wait3A_410 = arith.constant 0 : i32
        %dma_wait3A_411 = tpu.memref_slice %arg11[%dma_wait3A_407, %dma_wait3A_408, %dma_wait3A_410] : memref<2x4x128xf32, #tpu.memory_space<vmem>> -> memref<1x1x128xf32, #tpu.memory_space<vmem>>
        %dma_wait3A_412 = tpu.memref_squeeze %dma_wait3A_411 : memref<1x1x128xf32, #tpu.memory_space<vmem>> -> memref<128xf32, #tpu.memory_space<vmem>>
        %dma_wait3A_413 = arith.constant 0 : i32
        %dma_wait3A_414 = tpu.memref_slice %arg18[%dma_wait3A_409, %dma_wait3A_413] : memref<64x8192xf32, #tpu.memory_space<vmem_shared>> -> memref<1x128xf32, #tpu.memory_space<vmem_shared>>
        %dma_wait3A_415 = tpu.memref_squeeze %dma_wait3A_414 : memref<1x128xf32, #tpu.memory_space<vmem_shared>> -> memref<128xf32, #tpu.memory_space<vmem_shared>>
        %dma_wait3A_416 = arith.constant 0 : i32
        %dma_wait3A_417 = tpu.memref_slice %arg18[%dma_wait3A_409, %dma_wait3A_416] : memref<64x8192xf32, #tpu.memory_space<vmem_shared>> -> memref<1x128xf32, #tpu.memory_space<vmem_shared>>
        %dma_wait3A_418 = tpu.memref_squeeze %dma_wait3A_417 : memref<1x128xf32, #tpu.memory_space<vmem_shared>> -> memref<128xf32, #tpu.memory_space<vmem_shared>>
        %dma_wait3A_419 = arith.constant 0 : i32
        %dma_wait3A_420 = tpu.memref_slice %arg11[%dma_wait3A_407, %dma_wait3A_408, %dma_wait3A_419] : memref<2x4x128xf32, #tpu.memory_space<vmem>> -> memref<1x1x128xf32, #tpu.memory_space<vmem>>
        %dma_wait3A_421 = tpu.memref_squeeze %dma_wait3A_420 : memref<1x1x128xf32, #tpu.memory_space<vmem>> -> memref<128xf32, #tpu.memory_space<vmem>>
        tpu.wait_dma2 semaphore(%arg21 : memref<!tpu.dma_semaphore, #tpu.memory_space<semaphore_mem>>) src(%dma_wait3A_421 : memref<128xf32, #tpu.memory_space<vmem>>) dst(%dma_wait3A_418 : memref<128xf32, #tpu.memory_space<vmem_shared>>)
        %dma_wait3A_422 = arith.constant 0 : i32
        %dma_wait3A_423 = arith.constant 3 : i32
        %dma_wait3A_424 = arith.constant 3 : i32
        %dma_wait3A_425 = arith.constant 0 : i32
        %dma_wait3A_426 = tpu.memref_slice %arg11[%dma_wait3A_422, %dma_wait3A_423, %dma_wait3A_425] : memref<2x4x128xf32, #tpu.memory_space<vmem>> -> memref<1x1x128xf32, #tpu.memory_space<vmem>>
        %dma_wait3A_427 = tpu.memref_squeeze %dma_wait3A_426 : memref<1x1x128xf32, #tpu.memory_space<vmem>> -> memref<128xf32, #tpu.memory_space<vmem>>
        %dma_wait3A_428 = arith.constant 0 : i32
        %dma_wait3A_429 = tpu.memref_slice %arg18[%dma_wait3A_424, %dma_wait3A_428] : memref<64x8192xf32, #tpu.memory_space<vmem_shared>> -> memref<1x128xf32, #tpu.memory_space<vmem_shared>>
        %dma_wait3A_430 = tpu.memref_squeeze %dma_wait3A_429 : memref<1x128xf32, #tpu.memory_space<vmem_shared>> -> memref<128xf32, #tpu.memory_space<vmem_shared>>
        %dma_wait3A_431 = arith.constant 0 : i32
        %dma_wait3A_432 = tpu.memref_slice %arg18[%dma_wait3A_424, %dma_wait3A_431] : memref<64x8192xf32, #tpu.memory_space<vmem_shared>> -> memref<1x128xf32, #tpu.memory_space<vmem_shared>>
        %dma_wait3A_433 = tpu.memref_squeeze %dma_wait3A_432 : memref<1x128xf32, #tpu.memory_space<vmem_shared>> -> memref<128xf32, #tpu.memory_space<vmem_shared>>
        %dma_wait3A_434 = arith.constant 0 : i32
        %dma_wait3A_435 = tpu.memref_slice %arg11[%dma_wait3A_422, %dma_wait3A_423, %dma_wait3A_434] : memref<2x4x128xf32, #tpu.memory_space<vmem>> -> memref<1x1x128xf32, #tpu.memory_space<vmem>>
        %dma_wait3A_436 = tpu.memref_squeeze %dma_wait3A_435 : memref<1x1x128xf32, #tpu.memory_space<vmem>> -> memref<128xf32, #tpu.memory_space<vmem>>
        tpu.wait_dma2 semaphore(%arg21 : memref<!tpu.dma_semaphore, #tpu.memory_space<semaphore_mem>>) src(%dma_wait3A_436 : memref<128xf32, #tpu.memory_space<vmem>>) dst(%dma_wait3A_433 : memref<128xf32, #tpu.memory_space<vmem_shared>>)
      } else {
      }
      %scan3A_206 = arith.constant 0 : i32
      %scan3A_207 = arith.constant 8 : i32
      %scan3A_208 = arith.addi %scan3A_206, %scan3A_207 : i32
      %scan3A_209 = arith.constant 1 : i32
      scf.for %scan3A_377 = %scan3A_206 to %scan3A_208 step %scan3A_209  : i32 {
        %mul3A_378 = arith.constant 1 : i32
        %mul3A_379 = arith.muli %scan3A_377, %mul3A_378 : i32
        %add3A_380 = arith.constant 0 : i32
        %add3A_381 = arith.addi %add3A_380, %mul3A_379 : i32
        %scan3A_382 = arith.constant 0 : i32
        %scan3A_383 = arith.constant 50 : i32
        %scan3A_384 = arith.addi %scan3A_382, %scan3A_383 : i32
        %scan3A_385 = arith.constant 10 : i32
        %scan3A_386:5 = scf.for %scan3A_438 = %scan3A_382 to %scan3A_384 step %scan3A_385 iter_args(%scan3A_439 = %broadcast_in_dim3A_3, %scan3A_440 = %broadcast_in_dim3A_3, %scan3A_441 = %broadcast_in_dim3A_3, %scan3A_442 = %broadcast_in_dim3A_3, %scan3A_443 = %broadcast_in_dim3A_5) -> (vector<16xf32>, vector<16xf32>, vector<16xf32>, vector<16xf32>, vector<16xi32>)  : i32 {
          %mul3A_444 = arith.constant 1 : i32
          %mul3A_445 = arith.muli %scan3A_438, %mul3A_444 : i32
          %add3A_446 = arith.constant 0 : i32
          %add3A_447 = arith.addi %add3A_446, %mul3A_445 : i32
          %mul3A_448 = arith.constant 16 : i32
          %mul3A_449 = arith.muli %add3A_381, %mul3A_448 : i32
          %get3A = arith.constant 0 : i32
          %get3A_450 = arith.index_cast %get3A : i32 to index
          %get3A_451 = arith.index_cast %add3A_447 : i32 to index
          %get3A_452 = arith.index_cast %mul3A_449 : i32 to index
          %get3A_453 = tpu.vector_load %arg10[%get3A_450, %get3A_451, %get3A_452] {strides = array<i32>} : memref<2x50x128xi32, #tpu.memory_space<vmem>>, vector<16xi32>,
          %eq3A = arith.constant 0 : i32
          %eq3A_454 = vector.broadcast %eq3A : i32 to vector<16xi32>
          %eq3A_455 = arith.cmpi eq, %get3A_453, %eq3A_454 : vector<16xi32>
          %jit3A = arith.constant 1 : i32
          %jit3A_456 = arith.constant 0 : i32
          %broadcast_in_dim3A_457 = vector.broadcast %jit3A : i32 to vector<16xi32>
          %broadcast_in_dim3A_458 = vector.broadcast %jit3A_456 : i32 to vector<16xi32>
          %select_n3A = arith.select %eq3A_455, %broadcast_in_dim3A_457, %broadcast_in_dim3A_458 : vector<16xi1>, vector<16xi32>
          %add3A_459 = arith.addi %scan3A_443, %select_n3A : vector<16xi32>
          %broadcast_in_dim3A_460 = arith.constant 0 : i32
          %broadcast_in_dim3A_461 = vector.broadcast %broadcast_in_dim3A_460 : i32 to vector<16xi32>
          %gather3A_462 = tpu.vector_load_idx %arg9[%broadcast_in_dim3A_461, %get3A_453] : memref<4x10000xf32, #tpu.memory_space<vmem>>[vector<16xi32>, vector<16xi32>], vector<16xf32>,
          %add3A_463 = arith.addf %scan3A_439, %gather3A_462 : vector<16xf32>
          %broadcast_in_dim3A_464 = arith.constant 1 : i32
          %broadcast_in_dim3A_465 = vector.broadcast %broadcast_in_dim3A_464 : i32 to vector<16xi32>
          %gather3A_466 = tpu.vector_load_idx %arg9[%broadcast_in_dim3A_465, %get3A_453] : memref<4x10000xf32, #tpu.memory_space<vmem>>[vector<16xi32>, vector<16xi32>], vector<16xf32>,
          %add3A_467 = arith.addf %scan3A_440, %gather3A_466 : vector<16xf32>
          %broadcast_in_dim3A_468 = arith.constant 2 : i32
          %broadcast_in_dim3A_469 = vector.broadcast %broadcast_in_dim3A_468 : i32 to vector<16xi32>
          %gather3A_470 = tpu.vector_load_idx %arg9[%broadcast_in_dim3A_469, %get3A_453] : memref<4x10000xf32, #tpu.memory_space<vmem>>[vector<16xi32>, vector<16xi32>], vector<16xf32>,
          %add3A_471 = arith.addf %scan3A_441, %gather3A_470 : vector<16xf32>
          %broadcast_in_dim3A_472 = arith.constant 3 : i32
          %broadcast_in_dim3A_473 = vector.broadcast %broadcast_in_dim3A_472 : i32 to vector<16xi32>
          %gather3A_474 = tpu.vector_load_idx %arg9[%broadcast_in_dim3A_473, %get3A_453] : memref<4x10000xf32, #tpu.memory_space<vmem>>[vector<16xi32>, vector<16xi32>], vector<16xf32>,
          %add3A_475 = arith.addf %scan3A_442, %gather3A_474 : vector<16xf32>
          %scan3A_476 = arith.constant 1 : i32
          %scan3A_477 = arith.addi %scan3A_438, %scan3A_476 : i32
          %mul3A_478 = arith.constant 1 : i32
          %mul3A_479 = arith.muli %scan3A_477, %mul3A_478 : i32
          %add3A_480 = arith.constant 0 : i32
          %add3A_481 = arith.addi %add3A_480, %mul3A_479 : i32
          %mul3A_482 = arith.constant 16 : i32
          %mul3A_483 = arith.muli %add3A_381, %mul3A_482 : i32
          %get3A_484 = arith.constant 0 : i32
          %get3A_485 = arith.index_cast %get3A_484 : i32 to index
          %get3A_486 = arith.index_cast %add3A_481 : i32 to index
          %get3A_487 = arith.index_cast %mul3A_483 : i32 to index
          %get3A_488 = tpu.vector_load %arg10[%get3A_485, %get3A_486, %get3A_487] {strides = array<i32>} : memref<2x50x128xi32, #tpu.memory_space<vmem>>, vector<16xi32>,
          %eq3A_489 = arith.constant 0 : i32
          %eq3A_490 = vector.broadcast %eq3A_489 : i32 to vector<16xi32>
          %eq3A_491 = arith.cmpi eq, %get3A_488, %eq3A_490 : vector<16xi32>
          %jit3A_492 = arith.constant 1 : i32
          %jit3A_493 = arith.constant 0 : i32
          %broadcast_in_dim3A_494 = vector.broadcast %jit3A_492 : i32 to vector<16xi32>
          %broadcast_in_dim3A_495 = vector.broadcast %jit3A_493 : i32 to vector<16xi32>
          %select_n3A_496 = arith.select %eq3A_491, %broadcast_in_dim3A_494, %broadcast_in_dim3A_495 : vector<16xi1>, vector<16xi32>
          %add3A_497 = arith.addi %add3A_459, %select_n3A_496 : vector<16xi32>
          %broadcast_in_dim3A_498 = arith.constant 0 : i32
          %broadcast_in_dim3A_499 = vector.broadcast %broadcast_in_dim3A_498 : i32 to vector<16xi32>
          %gather3A_500 = tpu.vector_load_idx %arg9[%broadcast_in_dim3A_499, %get3A_488] : memref<4x10000xf32, #tpu.memory_space<vmem>>[vector<16xi32>, vector<16xi32>], vector<16xf32>,
          %add3A_501 = arith.addf %add3A_463, %gather3A_500 : vector<16xf32>
          %broadcast_in_dim3A_502 = arith.constant 1 : i32
          %broadcast_in_dim3A_503 = vector.broadcast %broadcast_in_dim3A_502 : i32 to vector<16xi32>
          %gather3A_504 = tpu.vector_load_idx %arg9[%broadcast_in_dim3A_503, %get3A_488] : memref<4x10000xf32, #tpu.memory_space<vmem>>[vector<16xi32>, vector<16xi32>], vector<16xf32>,
          %add3A_505 = arith.addf %add3A_467, %gather3A_504 : vector<16xf32>
          %broadcast_in_dim3A_506 = arith.constant 2 : i32
          %broadcast_in_dim3A_507 = vector.broadcast %broadcast_in_dim3A_506 : i32 to vector<16xi32>
          %gather3A_508 = tpu.vector_load_idx %arg9[%broadcast_in_dim3A_507, %get3A_488] : memref<4x10000xf32, #tpu.memory_space<vmem>>[vector<16xi32>, vector<16xi32>], vector<16xf32>,
          %add3A_509 = arith.addf %add3A_471, %gather3A_508 : vector<16xf32>
          %broadcast_in_dim3A_510 = arith.constant 3 : i32
          %broadcast_in_dim3A_511 = vector.broadcast %broadcast_in_dim3A_510 : i32 to vector<16xi32>
          %gather3A_512 = tpu.vector_load_idx %arg9[%broadcast_in_dim3A_511, %get3A_488] : memref<4x10000xf32, #tpu.memory_space<vmem>>[vector<16xi32>, vector<16xi32>], vector<16xf32>,
          %add3A_513 = arith.addf %add3A_475, %gather3A_512 : vector<16xf32>
          %scan3A_514 = arith.constant 2 : i32
          %scan3A_515 = arith.addi %scan3A_438, %scan3A_514 : i32
          %mul3A_516 = arith.constant 1 : i32
          %mul3A_517 = arith.muli %scan3A_515, %mul3A_516 : i32
          %add3A_518 = arith.constant 0 : i32
          %add3A_519 = arith.addi %add3A_518, %mul3A_517 : i32
          %mul3A_520 = arith.constant 16 : i32
          %mul3A_521 = arith.muli %add3A_381, %mul3A_520 : i32
          %get3A_522 = arith.constant 0 : i32
          %get3A_523 = arith.index_cast %get3A_522 : i32 to index
          %get3A_524 = arith.index_cast %add3A_519 : i32 to index
          %get3A_525 = arith.index_cast %mul3A_521 : i32 to index
          %get3A_526 = tpu.vector_load %arg10[%get3A_523, %get3A_524, %get3A_525] {strides = array<i32>} : memref<2x50x128xi32, #tpu.memory_space<vmem>>, vector<16xi32>,
          %eq3A_527 = arith.constant 0 : i32
          %eq3A_528 = vector.broadcast %eq3A_527 : i32 to vector<16xi32>
          %eq3A_529 = arith.cmpi eq, %get3A_526, %eq3A_528 : vector<16xi32>
          %jit3A_530 = arith.constant 1 : i32
          %jit3A_531 = arith.constant 0 : i32
          %broadcast_in_dim3A_532 = vector.broadcast %jit3A_530 : i32 to vector<16xi32>
          %broadcast_in_dim3A_533 = vector.broadcast %jit3A_531 : i32 to vector<16xi32>
          %select_n3A_534 = arith.select %eq3A_529, %broadcast_in_dim3A_532, %broadcast_in_dim3A_533 : vector<16xi1>, vector<16xi32>
          %add3A_535 = arith.addi %add3A_497, %select_n3A_534 : vector<16xi32>
          %broadcast_in_dim3A_536 = arith.constant 0 : i32
          %broadcast_in_dim3A_537 = vector.broadcast %broadcast_in_dim3A_536 : i32 to vector<16xi32>
          %gather3A_538 = tpu.vector_load_idx %arg9[%broadcast_in_dim3A_537, %get3A_526] : memref<4x10000xf32, #tpu.memory_space<vmem>>[vector<16xi32>, vector<16xi32>], vector<16xf32>,
          %add3A_539 = arith.addf %add3A_501, %gather3A_538 : vector<16xf32>
          %broadcast_in_dim3A_540 = arith.constant 1 : i32
          %broadcast_in_dim3A_541 = vector.broadcast %broadcast_in_dim3A_540 : i32 to vector<16xi32>
          %gather3A_542 = tpu.vector_load_idx %arg9[%broadcast_in_dim3A_541, %get3A_526] : memref<4x10000xf32, #tpu.memory_space<vmem>>[vector<16xi32>, vector<16xi32>], vector<16xf32>,
          %add3A_543 = arith.addf %add3A_505, %gather3A_542 : vector<16xf32>
          %broadcast_in_dim3A_544 = arith.constant 2 : i32
          %broadcast_in_dim3A_545 = vector.broadcast %broadcast_in_dim3A_544 : i32 to vector<16xi32>
          %gather3A_546 = tpu.vector_load_idx %arg9[%broadcast_in_dim3A_545, %get3A_526] : memref<4x10000xf32, #tpu.memory_space<vmem>>[vector<16xi32>, vector<16xi32>], vector<16xf32>,
          %add3A_547 = arith.addf %add3A_509, %gather3A_546 : vector<16xf32>
          %broadcast_in_dim3A_548 = arith.constant 3 : i32
          %broadcast_in_dim3A_549 = vector.broadcast %broadcast_in_dim3A_548 : i32 to vector<16xi32>
          %gather3A_550 = tpu.vector_load_idx %arg9[%broadcast_in_dim3A_549, %get3A_526] : memref<4x10000xf32, #tpu.memory_space<vmem>>[vector<16xi32>, vector<16xi32>], vector<16xf32>,
          %add3A_551 = arith.addf %add3A_513, %gather3A_550 : vector<16xf32>
          %scan3A_552 = arith.constant 3 : i32
          %scan3A_553 = arith.addi %scan3A_438, %scan3A_552 : i32
          %mul3A_554 = arith.constant 1 : i32
          %mul3A_555 = arith.muli %scan3A_553, %mul3A_554 : i32
          %add3A_556 = arith.constant 0 : i32
          %add3A_557 = arith.addi %add3A_556, %mul3A_555 : i32
          %mul3A_558 = arith.constant 16 : i32
          %mul3A_559 = arith.muli %add3A_381, %mul3A_558 : i32
          %get3A_560 = arith.constant 0 : i32
          %get3A_561 = arith.index_cast %get3A_560 : i32 to index
          %get3A_562 = arith.index_cast %add3A_557 : i32 to index
          %get3A_563 = arith.index_cast %mul3A_559 : i32 to index
          %get3A_564 = tpu.vector_load %arg10[%get3A_561, %get3A_562, %get3A_563] {strides = array<i32>} : memref<2x50x128xi32, #tpu.memory_space<vmem>>, vector<16xi32>,
          %eq3A_565 = arith.constant 0 : i32
          %eq3A_566 = vector.broadcast %eq3A_565 : i32 to vector<16xi32>
          %eq3A_567 = arith.cmpi eq, %get3A_564, %eq3A_566 : vector<16xi32>
          %jit3A_568 = arith.constant 1 : i32
          %jit3A_569 = arith.constant 0 : i32
          %broadcast_in_dim3A_570 = vector.broadcast %jit3A_568 : i32 to vector<16xi32>
          %broadcast_in_dim3A_571 = vector.broadcast %jit3A_569 : i32 to vector<16xi32>
          %select_n3A_572 = arith.select %eq3A_567, %broadcast_in_dim3A_570, %broadcast_in_dim3A_571 : vector<16xi1>, vector<16xi32>
          %add3A_573 = arith.addi %add3A_535, %select_n3A_572 : vector<16xi32>
          %broadcast_in_dim3A_574 = arith.constant 0 : i32
          %broadcast_in_dim3A_575 = vector.broadcast %broadcast_in_dim3A_574 : i32 to vector<16xi32>
          %gather3A_576 = tpu.vector_load_idx %arg9[%broadcast_in_dim3A_575, %get3A_564] : memref<4x10000xf32, #tpu.memory_space<vmem>>[vector<16xi32>, vector<16xi32>], vector<16xf32>,
          %add3A_577 = arith.addf %add3A_539, %gather3A_576 : vector<16xf32>
          %broadcast_in_dim3A_578 = arith.constant 1 : i32
          %broadcast_in_dim3A_579 = vector.broadcast %broadcast_in_dim3A_578 : i32 to vector<16xi32>
          %gather3A_580 = tpu.vector_load_idx %arg9[%broadcast_in_dim3A_579, %get3A_564] : memref<4x10000xf32, #tpu.memory_space<vmem>>[vector<16xi32>, vector<16xi32>], vector<16xf32>,
          %add3A_581 = arith.addf %add3A_543, %gather3A_580 : vector<16xf32>
          %broadcast_in_dim3A_582 = arith.constant 2 : i32
          %broadcast_in_dim3A_583 = vector.broadcast %broadcast_in_dim3A_582 : i32 to vector<16xi32>
          %gather3A_584 = tpu.vector_load_idx %arg9[%broadcast_in_dim3A_583, %get3A_564] : memref<4x10000xf32, #tpu.memory_space<vmem>>[vector<16xi32>, vector<16xi32>], vector<16xf32>,
          %add3A_585 = arith.addf %add3A_547, %gather3A_584 : vector<16xf32>
          %broadcast_in_dim3A_586 = arith.constant 3 : i32
          %broadcast_in_dim3A_587 = vector.broadcast %broadcast_in_dim3A_586 : i32 to vector<16xi32>
          %gather3A_588 = tpu.vector_load_idx %arg9[%broadcast_in_dim3A_587, %get3A_564] : memref<4x10000xf32, #tpu.memory_space<vmem>>[vector<16xi32>, vector<16xi32>], vector<16xf32>,
          %add3A_589 = arith.addf %add3A_551, %gather3A_588 : vector<16xf32>
          %scan3A_590 = arith.constant 4 : i32
          %scan3A_591 = arith.addi %scan3A_438, %scan3A_590 : i32
          %mul3A_592 = arith.constant 1 : i32
          %mul3A_593 = arith.muli %scan3A_591, %mul3A_592 : i32
          %add3A_594 = arith.constant 0 : i32
          %add3A_595 = arith.addi %add3A_594, %mul3A_593 : i32
          %mul3A_596 = arith.constant 16 : i32
          %mul3A_597 = arith.muli %add3A_381, %mul3A_596 : i32
          %get3A_598 = arith.constant 0 : i32
          %get3A_599 = arith.index_cast %get3A_598 : i32 to index
          %get3A_600 = arith.index_cast %add3A_595 : i32 to index
          %get3A_601 = arith.index_cast %mul3A_597 : i32 to index
          %get3A_602 = tpu.vector_load %arg10[%get3A_599, %get3A_600, %get3A_601] {strides = array<i32>} : memref<2x50x128xi32, #tpu.memory_space<vmem>>, vector<16xi32>,
          %eq3A_603 = arith.constant 0 : i32
          %eq3A_604 = vector.broadcast %eq3A_603 : i32 to vector<16xi32>
          %eq3A_605 = arith.cmpi eq, %get3A_602, %eq3A_604 : vector<16xi32>
          %jit3A_606 = arith.constant 1 : i32
          %jit3A_607 = arith.constant 0 : i32
          %broadcast_in_dim3A_608 = vector.broadcast %jit3A_606 : i32 to vector<16xi32>
          %broadcast_in_dim3A_609 = vector.broadcast %jit3A_607 : i32 to vector<16xi32>
          %select_n3A_610 = arith.select %eq3A_605, %broadcast_in_dim3A_608, %broadcast_in_dim3A_609 : vector<16xi1>, vector<16xi32>
          %add3A_611 = arith.addi %add3A_573, %select_n3A_610 : vector<16xi32>
          %broadcast_in_dim3A_612 = arith.constant 0 : i32
          %broadcast_in_dim3A_613 = vector.broadcast %broadcast_in_dim3A_612 : i32 to vector<16xi32>
          %gather3A_614 = tpu.vector_load_idx %arg9[%broadcast_in_dim3A_613, %get3A_602] : memref<4x10000xf32, #tpu.memory_space<vmem>>[vector<16xi32>, vector<16xi32>], vector<16xf32>,
          %add3A_615 = arith.addf %add3A_577, %gather3A_614 : vector<16xf32>
          %broadcast_in_dim3A_616 = arith.constant 1 : i32
          %broadcast_in_dim3A_617 = vector.broadcast %broadcast_in_dim3A_616 : i32 to vector<16xi32>
          %gather3A_618 = tpu.vector_load_idx %arg9[%broadcast_in_dim3A_617, %get3A_602] : memref<4x10000xf32, #tpu.memory_space<vmem>>[vector<16xi32>, vector<16xi32>], vector<16xf32>,
          %add3A_619 = arith.addf %add3A_581, %gather3A_618 : vector<16xf32>
          %broadcast_in_dim3A_620 = arith.constant 2 : i32
          %broadcast_in_dim3A_621 = vector.broadcast %broadcast_in_dim3A_620 : i32 to vector<16xi32>
          %gather3A_622 = tpu.vector_load_idx %arg9[%broadcast_in_dim3A_621, %get3A_602] : memref<4x10000xf32, #tpu.memory_space<vmem>>[vector<16xi32>, vector<16xi32>], vector<16xf32>,
          %add3A_623 = arith.addf %add3A_585, %gather3A_622 : vector<16xf32>
          %broadcast_in_dim3A_624 = arith.constant 3 : i32
          %broadcast_in_dim3A_625 = vector.broadcast %broadcast_in_dim3A_624 : i32 to vector<16xi32>
          %gather3A_626 = tpu.vector_load_idx %arg9[%broadcast_in_dim3A_625, %get3A_602] : memref<4x10000xf32, #tpu.memory_space<vmem>>[vector<16xi32>, vector<16xi32>], vector<16xf32>,
          %add3A_627 = arith.addf %add3A_589, %gather3A_626 : vector<16xf32>
          %scan3A_628 = arith.constant 5 : i32
          %scan3A_629 = arith.addi %scan3A_438, %scan3A_628 : i32
          %mul3A_630 = arith.constant 1 : i32
          %mul3A_631 = arith.muli %scan3A_629, %mul3A_630 : i32
          %add3A_632 = arith.constant 0 : i32
          %add3A_633 = arith.addi %add3A_632, %mul3A_631 : i32
          %mul3A_634 = arith.constant 16 : i32
          %mul3A_635 = arith.muli %add3A_381, %mul3A_634 : i32
          %get3A_636 = arith.constant 0 : i32
          %get3A_637 = arith.index_cast %get3A_636 : i32 to index
          %get3A_638 = arith.index_cast %add3A_633 : i32 to index
          %get3A_639 = arith.index_cast %mul3A_635 : i32 to index
          %get3A_640 = tpu.vector_load %arg10[%get3A_637, %get3A_638, %get3A_639] {strides = array<i32>} : memref<2x50x128xi32, #tpu.memory_space<vmem>>, vector<16xi32>,
          %eq3A_641 = arith.constant 0 : i32
          %eq3A_642 = vector.broadcast %eq3A_641 : i32 to vector<16xi32>
          %eq3A_643 = arith.cmpi eq, %get3A_640, %eq3A_642 : vector<16xi32>
          %jit3A_644 = arith.constant 1 : i32
          %jit3A_645 = arith.constant 0 : i32
          %broadcast_in_dim3A_646 = vector.broadcast %jit3A_644 : i32 to vector<16xi32>
          %broadcast_in_dim3A_647 = vector.broadcast %jit3A_645 : i32 to vector<16xi32>
          %select_n3A_648 = arith.select %eq3A_643, %broadcast_in_dim3A_646, %broadcast_in_dim3A_647 : vector<16xi1>, vector<16xi32>
          %add3A_649 = arith.addi %add3A_611, %select_n3A_648 : vector<16xi32>
          %broadcast_in_dim3A_650 = arith.constant 0 : i32
          %broadcast_in_dim3A_651 = vector.broadcast %broadcast_in_dim3A_650 : i32 to vector<16xi32>
          %gather3A_652 = tpu.vector_load_idx %arg9[%broadcast_in_dim3A_651, %get3A_640] : memref<4x10000xf32, #tpu.memory_space<vmem>>[vector<16xi32>, vector<16xi32>], vector<16xf32>,
          %add3A_653 = arith.addf %add3A_615, %gather3A_652 : vector<16xf32>
          %broadcast_in_dim3A_654 = arith.constant 1 : i32
          %broadcast_in_dim3A_655 = vector.broadcast %broadcast_in_dim3A_654 : i32 to vector<16xi32>
          %gather3A_656 = tpu.vector_load_idx %arg9[%broadcast_in_dim3A_655, %get3A_640] : memref<4x10000xf32, #tpu.memory_space<vmem>>[vector<16xi32>, vector<16xi32>], vector<16xf32>,
          %add3A_657 = arith.addf %add3A_619, %gather3A_656 : vector<16xf32>
          %broadcast_in_dim3A_658 = arith.constant 2 : i32
          %broadcast_in_dim3A_659 = vector.broadcast %broadcast_in_dim3A_658 : i32 to vector<16xi32>
          %gather3A_660 = tpu.vector_load_idx %arg9[%broadcast_in_dim3A_659, %get3A_640] : memref<4x10000xf32, #tpu.memory_space<vmem>>[vector<16xi32>, vector<16xi32>], vector<16xf32>,
          %add3A_661 = arith.addf %add3A_623, %gather3A_660 : vector<16xf32>
          %broadcast_in_dim3A_662 = arith.constant 3 : i32
          %broadcast_in_dim3A_663 = vector.broadcast %broadcast_in_dim3A_662 : i32 to vector<16xi32>
          %gather3A_664 = tpu.vector_load_idx %arg9[%broadcast_in_dim3A_663, %get3A_640] : memref<4x10000xf32, #tpu.memory_space<vmem>>[vector<16xi32>, vector<16xi32>], vector<16xf32>,
          %add3A_665 = arith.addf %add3A_627, %gather3A_664 : vector<16xf32>
          %scan3A_666 = arith.constant 6 : i32
          %scan3A_667 = arith.addi %scan3A_438, %scan3A_666 : i32
          %mul3A_668 = arith.constant 1 : i32
          %mul3A_669 = arith.muli %scan3A_667, %mul3A_668 : i32
          %add3A_670 = arith.constant 0 : i32
          %add3A_671 = arith.addi %add3A_670, %mul3A_669 : i32
          %mul3A_672 = arith.constant 16 : i32
          %mul3A_673 = arith.muli %add3A_381, %mul3A_672 : i32
          %get3A_674 = arith.constant 0 : i32
          %get3A_675 = arith.index_cast %get3A_674 : i32 to index
          %get3A_676 = arith.index_cast %add3A_671 : i32 to index
          %get3A_677 = arith.index_cast %mul3A_673 : i32 to index
          %get3A_678 = tpu.vector_load %arg10[%get3A_675, %get3A_676, %get3A_677] {strides = array<i32>} : memref<2x50x128xi32, #tpu.memory_space<vmem>>, vector<16xi32>,
          %eq3A_679 = arith.constant 0 : i32
          %eq3A_680 = vector.broadcast %eq3A_679 : i32 to vector<16xi32>
          %eq3A_681 = arith.cmpi eq, %get3A_678, %eq3A_680 : vector<16xi32>
          %jit3A_682 = arith.constant 1 : i32
          %jit3A_683 = arith.constant 0 : i32
          %broadcast_in_dim3A_684 = vector.broadcast %jit3A_682 : i32 to vector<16xi32>
          %broadcast_in_dim3A_685 = vector.broadcast %jit3A_683 : i32 to vector<16xi32>
          %select_n3A_686 = arith.select %eq3A_681, %broadcast_in_dim3A_684, %broadcast_in_dim3A_685 : vector<16xi1>, vector<16xi32>
          %add3A_687 = arith.addi %add3A_649, %select_n3A_686 : vector<16xi32>
          %broadcast_in_dim3A_688 = arith.constant 0 : i32
          %broadcast_in_dim3A_689 = vector.broadcast %broadcast_in_dim3A_688 : i32 to vector<16xi32>
          %gather3A_690 = tpu.vector_load_idx %arg9[%broadcast_in_dim3A_689, %get3A_678] : memref<4x10000xf32, #tpu.memory_space<vmem>>[vector<16xi32>, vector<16xi32>], vector<16xf32>,
          %add3A_691 = arith.addf %add3A_653, %gather3A_690 : vector<16xf32>
          %broadcast_in_dim3A_692 = arith.constant 1 : i32
          %broadcast_in_dim3A_693 = vector.broadcast %broadcast_in_dim3A_692 : i32 to vector<16xi32>
          %gather3A_694 = tpu.vector_load_idx %arg9[%broadcast_in_dim3A_693, %get3A_678] : memref<4x10000xf32, #tpu.memory_space<vmem>>[vector<16xi32>, vector<16xi32>], vector<16xf32>,
          %add3A_695 = arith.addf %add3A_657, %gather3A_694 : vector<16xf32>
          %broadcast_in_dim3A_696 = arith.constant 2 : i32
          %broadcast_in_dim3A_697 = vector.broadcast %broadcast_in_dim3A_696 : i32 to vector<16xi32>
          %gather3A_698 = tpu.vector_load_idx %arg9[%broadcast_in_dim3A_697, %get3A_678] : memref<4x10000xf32, #tpu.memory_space<vmem>>[vector<16xi32>, vector<16xi32>], vector<16xf32>,
          %add3A_699 = arith.addf %add3A_661, %gather3A_698 : vector<16xf32>
          %broadcast_in_dim3A_700 = arith.constant 3 : i32
          %broadcast_in_dim3A_701 = vector.broadcast %broadcast_in_dim3A_700 : i32 to vector<16xi32>
          %gather3A_702 = tpu.vector_load_idx %arg9[%broadcast_in_dim3A_701, %get3A_678] : memref<4x10000xf32, #tpu.memory_space<vmem>>[vector<16xi32>, vector<16xi32>], vector<16xf32>,
          %add3A_703 = arith.addf %add3A_665, %gather3A_702 : vector<16xf32>
          %scan3A_704 = arith.constant 7 : i32
          %scan3A_705 = arith.addi %scan3A_438, %scan3A_704 : i32
          %mul3A_706 = arith.constant 1 : i32
          %mul3A_707 = arith.muli %scan3A_705, %mul3A_706 : i32
          %add3A_708 = arith.constant 0 : i32
          %add3A_709 = arith.addi %add3A_708, %mul3A_707 : i32
          %mul3A_710 = arith.constant 16 : i32
          %mul3A_711 = arith.muli %add3A_381, %mul3A_710 : i32
          %get3A_712 = arith.constant 0 : i32
          %get3A_713 = arith.index_cast %get3A_712 : i32 to index
          %get3A_714 = arith.index_cast %add3A_709 : i32 to index
          %get3A_715 = arith.index_cast %mul3A_711 : i32 to index
          %get3A_716 = tpu.vector_load %arg10[%get3A_713, %get3A_714, %get3A_715] {strides = array<i32>} : memref<2x50x128xi32, #tpu.memory_space<vmem>>, vector<16xi32>,
          %eq3A_717 = arith.constant 0 : i32
          %eq3A_718 = vector.broadcast %eq3A_717 : i32 to vector<16xi32>
          %eq3A_719 = arith.cmpi eq, %get3A_716, %eq3A_718 : vector<16xi32>
          %jit3A_720 = arith.constant 1 : i32
          %jit3A_721 = arith.constant 0 : i32
          %broadcast_in_dim3A_722 = vector.broadcast %jit3A_720 : i32 to vector<16xi32>
          %broadcast_in_dim3A_723 = vector.broadcast %jit3A_721 : i32 to vector<16xi32>
          %select_n3A_724 = arith.select %eq3A_719, %broadcast_in_dim3A_722, %broadcast_in_dim3A_723 : vector<16xi1>, vector<16xi32>
          %add3A_725 = arith.addi %add3A_687, %select_n3A_724 : vector<16xi32>
          %broadcast_in_dim3A_726 = arith.constant 0 : i32
          %broadcast_in_dim3A_727 = vector.broadcast %broadcast_in_dim3A_726 : i32 to vector<16xi32>
          %gather3A_728 = tpu.vector_load_idx %arg9[%broadcast_in_dim3A_727, %get3A_716] : memref<4x10000xf32, #tpu.memory_space<vmem>>[vector<16xi32>, vector<16xi32>], vector<16xf32>,
          %add3A_729 = arith.addf %add3A_691, %gather3A_728 : vector<16xf32>
          %broadcast_in_dim3A_730 = arith.constant 1 : i32
          %broadcast_in_dim3A_731 = vector.broadcast %broadcast_in_dim3A_730 : i32 to vector<16xi32>
          %gather3A_732 = tpu.vector_load_idx %arg9[%broadcast_in_dim3A_731, %get3A_716] : memref<4x10000xf32, #tpu.memory_space<vmem>>[vector<16xi32>, vector<16xi32>], vector<16xf32>,
          %add3A_733 = arith.addf %add3A_695, %gather3A_732 : vector<16xf32>
          %broadcast_in_dim3A_734 = arith.constant 2 : i32
          %broadcast_in_dim3A_735 = vector.broadcast %broadcast_in_dim3A_734 : i32 to vector<16xi32>
          %gather3A_736 = tpu.vector_load_idx %arg9[%broadcast_in_dim3A_735, %get3A_716] : memref<4x10000xf32, #tpu.memory_space<vmem>>[vector<16xi32>, vector<16xi32>], vector<16xf32>,
          %add3A_737 = arith.addf %add3A_699, %gather3A_736 : vector<16xf32>
          %broadcast_in_dim3A_738 = arith.constant 3 : i32
          %broadcast_in_dim3A_739 = vector.broadcast %broadcast_in_dim3A_738 : i32 to vector<16xi32>
          %gather3A_740 = tpu.vector_load_idx %arg9[%broadcast_in_dim3A_739, %get3A_716] : memref<4x10000xf32, #tpu.memory_space<vmem>>[vector<16xi32>, vector<16xi32>], vector<16xf32>,
          %add3A_741 = arith.addf %add3A_703, %gather3A_740 : vector<16xf32>
          %scan3A_742 = arith.constant 8 : i32
          %scan3A_743 = arith.addi %scan3A_438, %scan3A_742 : i32
          %mul3A_744 = arith.constant 1 : i32
          %mul3A_745 = arith.muli %scan3A_743, %mul3A_744 : i32
          %add3A_746 = arith.constant 0 : i32
          %add3A_747 = arith.addi %add3A_746, %mul3A_745 : i32
          %mul3A_748 = arith.constant 16 : i32
          %mul3A_749 = arith.muli %add3A_381, %mul3A_748 : i32
          %get3A_750 = arith.constant 0 : i32
          %get3A_751 = arith.index_cast %get3A_750 : i32 to index
          %get3A_752 = arith.index_cast %add3A_747 : i32 to index
          %get3A_753 = arith.index_cast %mul3A_749 : i32 to index
          %get3A_754 = tpu.vector_load %arg10[%get3A_751, %get3A_752, %get3A_753] {strides = array<i32>} : memref<2x50x128xi32, #tpu.memory_space<vmem>>, vector<16xi32>,
          %eq3A_755 = arith.constant 0 : i32
          %eq3A_756 = vector.broadcast %eq3A_755 : i32 to vector<16xi32>
          %eq3A_757 = arith.cmpi eq, %get3A_754, %eq3A_756 : vector<16xi32>
          %jit3A_758 = arith.constant 1 : i32
          %jit3A_759 = arith.constant 0 : i32
          %broadcast_in_dim3A_760 = vector.broadcast %jit3A_758 : i32 to vector<16xi32>
          %broadcast_in_dim3A_761 = vector.broadcast %jit3A_759 : i32 to vector<16xi32>
          %select_n3A_762 = arith.select %eq3A_757, %broadcast_in_dim3A_760, %broadcast_in_dim3A_761 : vector<16xi1>, vector<16xi32>
          %add3A_763 = arith.addi %add3A_725, %select_n3A_762 : vector<16xi32>
          %broadcast_in_dim3A_764 = arith.constant 0 : i32
          %broadcast_in_dim3A_765 = vector.broadcast %broadcast_in_dim3A_764 : i32 to vector<16xi32>
          %gather3A_766 = tpu.vector_load_idx %arg9[%broadcast_in_dim3A_765, %get3A_754] : memref<4x10000xf32, #tpu.memory_space<vmem>>[vector<16xi32>, vector<16xi32>], vector<16xf32>,
          %add3A_767 = arith.addf %add3A_729, %gather3A_766 : vector<16xf32>
          %broadcast_in_dim3A_768 = arith.constant 1 : i32
          %broadcast_in_dim3A_769 = vector.broadcast %broadcast_in_dim3A_768 : i32 to vector<16xi32>
          %gather3A_770 = tpu.vector_load_idx %arg9[%broadcast_in_dim3A_769, %get3A_754] : memref<4x10000xf32, #tpu.memory_space<vmem>>[vector<16xi32>, vector<16xi32>], vector<16xf32>,
          %add3A_771 = arith.addf %add3A_733, %gather3A_770 : vector<16xf32>
          %broadcast_in_dim3A_772 = arith.constant 2 : i32
          %broadcast_in_dim3A_773 = vector.broadcast %broadcast_in_dim3A_772 : i32 to vector<16xi32>
          %gather3A_774 = tpu.vector_load_idx %arg9[%broadcast_in_dim3A_773, %get3A_754] : memref<4x10000xf32, #tpu.memory_space<vmem>>[vector<16xi32>, vector<16xi32>], vector<16xf32>,
          %add3A_775 = arith.addf %add3A_737, %gather3A_774 : vector<16xf32>
          %broadcast_in_dim3A_776 = arith.constant 3 : i32
          %broadcast_in_dim3A_777 = vector.broadcast %broadcast_in_dim3A_776 : i32 to vector<16xi32>
          %gather3A_778 = tpu.vector_load_idx %arg9[%broadcast_in_dim3A_777, %get3A_754] : memref<4x10000xf32, #tpu.memory_space<vmem>>[vector<16xi32>, vector<16xi32>], vector<16xf32>,
          %add3A_779 = arith.addf %add3A_741, %gather3A_778 : vector<16xf32>
          %scan3A_780 = arith.constant 9 : i32
          %scan3A_781 = arith.addi %scan3A_438, %scan3A_780 : i32
          %mul3A_782 = arith.constant 1 : i32
          %mul3A_783 = arith.muli %scan3A_781, %mul3A_782 : i32
          %add3A_784 = arith.constant 0 : i32
          %add3A_785 = arith.addi %add3A_784, %mul3A_783 : i32
          %mul3A_786 = arith.constant 16 : i32
          %mul3A_787 = arith.muli %add3A_381, %mul3A_786 : i32
          %get3A_788 = arith.constant 0 : i32
          %get3A_789 = arith.index_cast %get3A_788 : i32 to index
          %get3A_790 = arith.index_cast %add3A_785 : i32 to index
          %get3A_791 = arith.index_cast %mul3A_787 : i32 to index
          %get3A_792 = tpu.vector_load %arg10[%get3A_789, %get3A_790, %get3A_791] {strides = array<i32>} : memref<2x50x128xi32, #tpu.memory_space<vmem>>, vector<16xi32>,
          %eq3A_793 = arith.constant 0 : i32
          %eq3A_794 = vector.broadcast %eq3A_793 : i32 to vector<16xi32>
          %eq3A_795 = arith.cmpi eq, %get3A_792, %eq3A_794 : vector<16xi32>
          %jit3A_796 = arith.constant 1 : i32
          %jit3A_797 = arith.constant 0 : i32
          %broadcast_in_dim3A_798 = vector.broadcast %jit3A_796 : i32 to vector<16xi32>
          %broadcast_in_dim3A_799 = vector.broadcast %jit3A_797 : i32 to vector<16xi32>
          %select_n3A_800 = arith.select %eq3A_795, %broadcast_in_dim3A_798, %broadcast_in_dim3A_799 : vector<16xi1>, vector<16xi32>
          %add3A_801 = arith.addi %add3A_763, %select_n3A_800 : vector<16xi32>
          %broadcast_in_dim3A_802 = arith.constant 0 : i32
          %broadcast_in_dim3A_803 = vector.broadcast %broadcast_in_dim3A_802 : i32 to vector<16xi32>
          %gather3A_804 = tpu.vector_load_idx %arg9[%broadcast_in_dim3A_803, %get3A_792] : memref<4x10000xf32, #tpu.memory_space<vmem>>[vector<16xi32>, vector<16xi32>], vector<16xf32>,
          %add3A_805 = arith.addf %add3A_767, %gather3A_804 : vector<16xf32>
          %broadcast_in_dim3A_806 = arith.constant 1 : i32
          %broadcast_in_dim3A_807 = vector.broadcast %broadcast_in_dim3A_806 : i32 to vector<16xi32>
          %gather3A_808 = tpu.vector_load_idx %arg9[%broadcast_in_dim3A_807, %get3A_792] : memref<4x10000xf32, #tpu.memory_space<vmem>>[vector<16xi32>, vector<16xi32>], vector<16xf32>,
          %add3A_809 = arith.addf %add3A_771, %gather3A_808 : vector<16xf32>
          %broadcast_in_dim3A_810 = arith.constant 2 : i32
          %broadcast_in_dim3A_811 = vector.broadcast %broadcast_in_dim3A_810 : i32 to vector<16xi32>
          %gather3A_812 = tpu.vector_load_idx %arg9[%broadcast_in_dim3A_811, %get3A_792] : memref<4x10000xf32, #tpu.memory_space<vmem>>[vector<16xi32>, vector<16xi32>], vector<16xf32>,
          %add3A_813 = arith.addf %add3A_775, %gather3A_812 : vector<16xf32>
          %broadcast_in_dim3A_814 = arith.constant 3 : i32
          %broadcast_in_dim3A_815 = vector.broadcast %broadcast_in_dim3A_814 : i32 to vector<16xi32>
          %gather3A_816 = tpu.vector_load_idx %arg9[%broadcast_in_dim3A_815, %get3A_792] : memref<4x10000xf32, #tpu.memory_space<vmem>>[vector<16xi32>, vector<16xi32>], vector<16xf32>,
          %add3A_817 = arith.addf %add3A_779, %gather3A_816 : vector<16xf32>
          scf.yield %add3A_805, %add3A_809, %add3A_813, %add3A_817, %add3A_801 : vector<16xf32>, vector<16xf32>, vector<16xf32>, vector<16xf32>, vector<16xi32>
        }
        %scan3A_387 = arith.constant 50 : i32
        %convert_element_type3A_388 = arith.sitofp %scan3A_386#4 : vector<16xi32> to vector<16xf32>
        %sub3A = arith.constant 5.000000e+01 : f32
        %sub3A_389 = vector.broadcast %sub3A : f32 to vector<16xf32>
        %sub3A_390 = arith.subf %sub3A_389, %convert_element_type3A_388 : vector<16xf32>
        %max3A = arith.constant 1.000000e+00 : f32
        %max3A_391 = vector.broadcast %max3A : f32 to vector<16xf32>
        %max3A_392 = arith.maximumf %sub3A_390, %max3A_391 : vector<16xf32>
        %div3A = arith.constant 1.000000e+00 : f32
        %div3A_393 = vector.broadcast %div3A : f32 to vector<16xf32>
        %div3A_394 = arith.divf %div3A_393, %max3A_392 : vector<16xf32>
        %mul3A_395 = arith.mulf %convert_element_type3A_388, %gather3A : vector<16xf32>
        %sub3A_396 = arith.subf %scan3A_386#0, %mul3A_395 : vector<16xf32>
        %mul3A_397 = arith.mulf %sub3A_396, %div3A_394 : vector<16xf32>
        %mul3A_398 = arith.constant 16 : i32
        %mul3A_399 = arith.muli %add3A_381, %mul3A_398 : i32
        %swap3A = arith.constant 0 : i32
        %swap3A_400 = arith.constant 0 : i32
        %swap3A_401 = arith.index_cast %swap3A : i32 to index
        %swap3A_402 = arith.index_cast %swap3A_400 : i32 to index
        %swap3A_403 = arith.index_cast %mul3A_399 : i32 to index
        %swap3A_404 = tpu.vector_load %arg11[%swap3A_401, %swap3A_402, %swap3A_403] {strides = array<i32>} : memref<2x4x128xf32, #tpu.memory_space<vmem>>, vector<16xf32>,
        tpu.vector_store %arg11[%swap3A_401, %swap3A_402, %swap3A_403], %mul3A_397 {strides = array<i32>} : memref<2x4x128xf32, #tpu.memory_space<vmem>>, vector<16xf32>,
        %mul3A_405 = arith.mulf %convert_element_type3A_388, %gather3A_40 : vector<16xf32>
        %sub3A_406 = arith.subf %scan3A_386#1, %mul3A_405 : vector<16xf32>
        %mul3A_407 = arith.mulf %sub3A_406, %div3A_394 : vector<16xf32>
        %mul3A_408 = arith.constant 16 : i32
        %mul3A_409 = arith.muli %add3A_381, %mul3A_408 : i32
        %swap3A_410 = arith.constant 0 : i32
        %swap3A_411 = arith.constant 1 : i32
        %swap3A_412 = arith.index_cast %swap3A_410 : i32 to index
        %swap3A_413 = arith.index_cast %swap3A_411 : i32 to index
        %swap3A_414 = arith.index_cast %mul3A_409 : i32 to index
        %swap3A_415 = tpu.vector_load %arg11[%swap3A_412, %swap3A_413, %swap3A_414] {strides = array<i32>} : memref<2x4x128xf32, #tpu.memory_space<vmem>>, vector<16xf32>,
        tpu.vector_store %arg11[%swap3A_412, %swap3A_413, %swap3A_414], %mul3A_407 {strides = array<i32>} : memref<2x4x128xf32, #tpu.memory_space<vmem>>, vector<16xf32>,
        %mul3A_416 = arith.mulf %convert_element_type3A_388, %gather3A_44 : vector<16xf32>
        %sub3A_417 = arith.subf %scan3A_386#2, %mul3A_416 : vector<16xf32>
        %mul3A_418 = arith.mulf %sub3A_417, %div3A_394 : vector<16xf32>
        %mul3A_419 = arith.constant 16 : i32
        %mul3A_420 = arith.muli %add3A_381, %mul3A_419 : i32
        %swap3A_421 = arith.constant 0 : i32
        %swap3A_422 = arith.constant 2 : i32
        %swap3A_423 = arith.index_cast %swap3A_421 : i32 to index
        %swap3A_424 = arith.index_cast %swap3A_422 : i32 to index
        %swap3A_425 = arith.index_cast %mul3A_420 : i32 to index
        %swap3A_426 = tpu.vector_load %arg11[%swap3A_423, %swap3A_424, %swap3A_425] {strides = array<i32>} : memref<2x4x128xf32, #tpu.memory_space<vmem>>, vector<16xf32>,
        tpu.vector_store %arg11[%swap3A_423, %swap3A_424, %swap3A_425], %mul3A_418 {strides = array<i32>} : memref<2x4x128xf32, #tpu.memory_space<vmem>>, vector<16xf32>,
        %mul3A_427 = arith.mulf %convert_element_type3A_388, %gather3A_48 : vector<16xf32>
        %sub3A_428 = arith.subf %scan3A_386#3, %mul3A_427 : vector<16xf32>
        %mul3A_429 = arith.mulf %sub3A_428, %div3A_394 : vector<16xf32>
        %mul3A_430 = arith.constant 16 : i32
        %mul3A_431 = arith.muli %add3A_381, %mul3A_430 : i32
        %swap3A_432 = arith.constant 0 : i32
        %swap3A_433 = arith.constant 3 : i32
        %swap3A_434 = arith.index_cast %swap3A_432 : i32 to index
        %swap3A_435 = arith.index_cast %swap3A_433 : i32 to index
        %swap3A_436 = arith.index_cast %mul3A_431 : i32 to index
        %swap3A_437 = tpu.vector_load %arg11[%swap3A_434, %swap3A_435, %swap3A_436] {strides = array<i32>} : memref<2x4x128xf32, #tpu.memory_space<vmem>>, vector<16xf32>,
        tpu.vector_store %arg11[%swap3A_434, %swap3A_435, %swap3A_436], %mul3A_429 {strides = array<i32>} : memref<2x4x128xf32, #tpu.memory_space<vmem>>, vector<16xf32>,
      }
      %scan3A_210 = arith.constant 8 : i32
      %add3A_211 = arith.constant 0 : i32
      %add3A_212 = arith.addi %mul3A_2, %add3A_211 : i32
      %mul3A_213 = arith.constant 128 : i32
      %mul3A_214 = arith.muli %add3A_188, %mul3A_213 : i32
      %dma_start3A_215 = arith.constant 0 : i32
      %dma_start3A_216 = arith.constant 0 : i32
      %dma_start3A_217 = arith.constant 0 : i32
      %dma_start3A_218 = tpu.memref_slice %arg11[%dma_start3A_215, %dma_start3A_216, %dma_start3A_217] : memref<2x4x128xf32, #tpu.memory_space<vmem>> -> memref<1x1x128xf32, #tpu.memory_space<vmem>>
      %dma_start3A_219 = tpu.memref_squeeze %dma_start3A_218 : memref<1x1x128xf32, #tpu.memory_space<vmem>> -> memref<128xf32, #tpu.memory_space<vmem>>
      %dma_start3A_220 = tpu.memref_slice %arg18[%add3A_212, %mul3A_214] : memref<64x8192xf32, #tpu.memory_space<vmem_shared>> -> memref<1x128xf32, #tpu.memory_space<vmem_shared>>
      %dma_start3A_221 = tpu.memref_squeeze %dma_start3A_220 : memref<1x128xf32, #tpu.memory_space<vmem_shared>> -> memref<128xf32, #tpu.memory_space<vmem_shared>>
      %dma_start3A_222 = tpu.memref_slice %arg18[%add3A_212, %mul3A_214] : memref<64x8192xf32, #tpu.memory_space<vmem_shared>> -> memref<1x128xf32, #tpu.memory_space<vmem_shared>>
      %dma_start3A_223 = tpu.memref_squeeze %dma_start3A_222 : memref<1x128xf32, #tpu.memory_space<vmem_shared>> -> memref<128xf32, #tpu.memory_space<vmem_shared>>
      %dma_start3A_224 = arith.constant 0 : i32
      %dma_start3A_225 = tpu.memref_slice %arg11[%dma_start3A_215, %dma_start3A_216, %dma_start3A_224] : memref<2x4x128xf32, #tpu.memory_space<vmem>> -> memref<1x1x128xf32, #tpu.memory_space<vmem>>
      %dma_start3A_226 = tpu.memref_squeeze %dma_start3A_225 : memref<1x1x128xf32, #tpu.memory_space<vmem>> -> memref<128xf32, #tpu.memory_space<vmem>>
      tpu.enqueue_dma source(%dma_start3A_226 : memref<128xf32, #tpu.memory_space<vmem>>) target(%dma_start3A_223 : memref<128xf32, #tpu.memory_space<vmem_shared>>) target_semaphore(%arg21 : memref<!tpu.dma_semaphore, #tpu.memory_space<semaphore_mem>>)
      %add3A_227 = arith.constant 1 : i32
      %add3A_228 = arith.addi %mul3A_2, %add3A_227 : i32
      %mul3A_229 = arith.constant 128 : i32
      %mul3A_230 = arith.muli %add3A_188, %mul3A_229 : i32
      %dma_start3A_231 = arith.constant 0 : i32
      %dma_start3A_232 = arith.constant 1 : i32
      %dma_start3A_233 = arith.constant 0 : i32
      %dma_start3A_234 = tpu.memref_slice %arg11[%dma_start3A_231, %dma_start3A_232, %dma_start3A_233] : memref<2x4x128xf32, #tpu.memory_space<vmem>> -> memref<1x1x128xf32, #tpu.memory_space<vmem>>
      %dma_start3A_235 = tpu.memref_squeeze %dma_start3A_234 : memref<1x1x128xf32, #tpu.memory_space<vmem>> -> memref<128xf32, #tpu.memory_space<vmem>>
      %dma_start3A_236 = tpu.memref_slice %arg18[%add3A_228, %mul3A_230] : memref<64x8192xf32, #tpu.memory_space<vmem_shared>> -> memref<1x128xf32, #tpu.memory_space<vmem_shared>>
      %dma_start3A_237 = tpu.memref_squeeze %dma_start3A_236 : memref<1x128xf32, #tpu.memory_space<vmem_shared>> -> memref<128xf32, #tpu.memory_space<vmem_shared>>
      %dma_start3A_238 = tpu.memref_slice %arg18[%add3A_228, %mul3A_230] : memref<64x8192xf32, #tpu.memory_space<vmem_shared>> -> memref<1x128xf32, #tpu.memory_space<vmem_shared>>
      %dma_start3A_239 = tpu.memref_squeeze %dma_start3A_238 : memref<1x128xf32, #tpu.memory_space<vmem_shared>> -> memref<128xf32, #tpu.memory_space<vmem_shared>>
      %dma_start3A_240 = arith.constant 0 : i32
      %dma_start3A_241 = tpu.memref_slice %arg11[%dma_start3A_231, %dma_start3A_232, %dma_start3A_240] : memref<2x4x128xf32, #tpu.memory_space<vmem>> -> memref<1x1x128xf32, #tpu.memory_space<vmem>>
      %dma_start3A_242 = tpu.memref_squeeze %dma_start3A_241 : memref<1x1x128xf32, #tpu.memory_space<vmem>> -> memref<128xf32, #tpu.memory_space<vmem>>
      tpu.enqueue_dma source(%dma_start3A_242 : memref<128xf32, #tpu.memory_space<vmem>>) target(%dma_start3A_239 : memref<128xf32, #tpu.memory_space<vmem_shared>>) target_semaphore(%arg21 : memref<!tpu.dma_semaphore, #tpu.memory_space<semaphore_mem>>)
      %add3A_243 = arith.constant 2 : i32
      %add3A_244 = arith.addi %mul3A_2, %add3A_243 : i32
      %mul3A_245 = arith.constant 128 : i32
      %mul3A_246 = arith.muli %add3A_188, %mul3A_245 : i32
      %dma_start3A_247 = arith.constant 0 : i32
      %dma_start3A_248 = arith.constant 2 : i32
      %dma_start3A_249 = arith.constant 0 : i32
      %dma_start3A_250 = tpu.memref_slice %arg11[%dma_start3A_247, %dma_start3A_248, %dma_start3A_249] : memref<2x4x128xf32, #tpu.memory_space<vmem>> -> memref<1x1x128xf32, #tpu.memory_space<vmem>>
      %dma_start3A_251 = tpu.memref_squeeze %dma_start3A_250 : memref<1x1x128xf32, #tpu.memory_space<vmem>> -> memref<128xf32, #tpu.memory_space<vmem>>
      %dma_start3A_252 = tpu.memref_slice %arg18[%add3A_244, %mul3A_246] : memref<64x8192xf32, #tpu.memory_space<vmem_shared>> -> memref<1x128xf32, #tpu.memory_space<vmem_shared>>
      %dma_start3A_253 = tpu.memref_squeeze %dma_start3A_252 : memref<1x128xf32, #tpu.memory_space<vmem_shared>> -> memref<128xf32, #tpu.memory_space<vmem_shared>>
      %dma_start3A_254 = tpu.memref_slice %arg18[%add3A_244, %mul3A_246] : memref<64x8192xf32, #tpu.memory_space<vmem_shared>> -> memref<1x128xf32, #tpu.memory_space<vmem_shared>>
      %dma_start3A_255 = tpu.memref_squeeze %dma_start3A_254 : memref<1x128xf32, #tpu.memory_space<vmem_shared>> -> memref<128xf32, #tpu.memory_space<vmem_shared>>
      %dma_start3A_256 = arith.constant 0 : i32
      %dma_start3A_257 = tpu.memref_slice %arg11[%dma_start3A_247, %dma_start3A_248, %dma_start3A_256] : memref<2x4x128xf32, #tpu.memory_space<vmem>> -> memref<1x1x128xf32, #tpu.memory_space<vmem>>
      %dma_start3A_258 = tpu.memref_squeeze %dma_start3A_257 : memref<1x1x128xf32, #tpu.memory_space<vmem>> -> memref<128xf32, #tpu.memory_space<vmem>>
      tpu.enqueue_dma source(%dma_start3A_258 : memref<128xf32, #tpu.memory_space<vmem>>) target(%dma_start3A_255 : memref<128xf32, #tpu.memory_space<vmem_shared>>) target_semaphore(%arg21 : memref<!tpu.dma_semaphore, #tpu.memory_space<semaphore_mem>>)
      %add3A_259 = arith.constant 3 : i32
      %add3A_260 = arith.addi %mul3A_2, %add3A_259 : i32
      %mul3A_261 = arith.constant 128 : i32
      %mul3A_262 = arith.muli %add3A_188, %mul3A_261 : i32
      %dma_start3A_263 = arith.constant 0 : i32
      %dma_start3A_264 = arith.constant 3 : i32
      %dma_start3A_265 = arith.constant 0 : i32
      %dma_start3A_266 = tpu.memref_slice %arg11[%dma_start3A_263, %dma_start3A_264, %dma_start3A_265] : memref<2x4x128xf32, #tpu.memory_space<vmem>> -> memref<1x1x128xf32, #tpu.memory_space<vmem>>
      %dma_start3A_267 = tpu.memref_squeeze %dma_start3A_266 : memref<1x1x128xf32, #tpu.memory_space<vmem>> -> memref<128xf32, #tpu.memory_space<vmem>>
      %dma_start3A_268 = tpu.memref_slice %arg18[%add3A_260, %mul3A_262] : memref<64x8192xf32, #tpu.memory_space<vmem_shared>> -> memref<1x128xf32, #tpu.memory_space<vmem_shared>>
      %dma_start3A_269 = tpu.memref_squeeze %dma_start3A_268 : memref<1x128xf32, #tpu.memory_space<vmem_shared>> -> memref<128xf32, #tpu.memory_space<vmem_shared>>
      %dma_start3A_270 = tpu.memref_slice %arg18[%add3A_260, %mul3A_262] : memref<64x8192xf32, #tpu.memory_space<vmem_shared>> -> memref<1x128xf32, #tpu.memory_space<vmem_shared>>
      %dma_start3A_271 = tpu.memref_squeeze %dma_start3A_270 : memref<1x128xf32, #tpu.memory_space<vmem_shared>> -> memref<128xf32, #tpu.memory_space<vmem_shared>>
      %dma_start3A_272 = arith.constant 0 : i32
      %dma_start3A_273 = tpu.memref_slice %arg11[%dma_start3A_263, %dma_start3A_264, %dma_start3A_272] : memref<2x4x128xf32, #tpu.memory_space<vmem>> -> memref<1x1x128xf32, #tpu.memory_space<vmem>>
      %dma_start3A_274 = tpu.memref_squeeze %dma_start3A_273 : memref<1x1x128xf32, #tpu.memory_space<vmem>> -> memref<128xf32, #tpu.memory_space<vmem>>
      tpu.enqueue_dma source(%dma_start3A_274 : memref<128xf32, #tpu.memory_space<vmem>>) target(%dma_start3A_271 : memref<128xf32, #tpu.memory_space<vmem_shared>>) target_semaphore(%arg21 : memref<!tpu.dma_semaphore, #tpu.memory_space<semaphore_mem>>)
      %lt3A = arith.constant 31 : i32
      %lt3A_275 = arith.cmpi slt, %add3A_184, %lt3A : i32
      %convert_element_type3A_276 = arith.extui %lt3A_275 : i1 to i32
      %cond3A_277 = arith.constant 0 : i32
      %cond3A_278 = arith.cmpi ne, %convert_element_type3A_276, %cond3A_277 : i32
      scf.if %cond3A_278 {
        %add3A_377 = arith.constant 2 : i32
        %add3A_378 = arith.addi %add3A_188, %add3A_377 : i32
        %mul3A_379 = arith.constant 128 : i32
        %mul3A_380 = arith.muli %add3A_378, %mul3A_379 : i32
        %add3A_381 = arith.addi %mul3A_0, %mul3A_380 : i32
        %dma_start3A_382 = arith.constant 0 : i32
        %dma_start3A_383 = arith.constant 0 : i32
        %dma_start3A_384 = arith.constant 0 : i32
        %dma_start3A_385 = tpu.memref_slice %arg10[%dma_start3A_382, %dma_start3A_383, %dma_start3A_384] : memref<2x50x128xi32, #tpu.memory_space<vmem>> -> memref<1x50x128xi32, #tpu.memory_space<vmem>>
        %dma_start3A_386 = tpu.memref_squeeze %dma_start3A_385 : memref<1x50x128xi32, #tpu.memory_space<vmem>> -> memref<50x128xi32, #tpu.memory_space<vmem>>
        %dma_start3A_387 = arith.constant 0 : i32
        %dma_start3A_388 = tpu.memref_slice %arg2[%dma_start3A_387, %add3A_381] : memref<50x16384xi32, #tpu.memory_space<hbm>> -> memref<50x128xi32, #tpu.memory_space<hbm>>
        %dma_start3A_389 = arith.constant 0 : i32
        %dma_start3A_390 = arith.constant 0 : i32
        %dma_start3A_391 = tpu.memref_slice %arg10[%dma_start3A_382, %dma_start3A_389, %dma_start3A_390] : memref<2x50x128xi32, #tpu.memory_space<vmem>> -> memref<1x50x128xi32, #tpu.memory_space<vmem>>
        %dma_start3A_392 = tpu.memref_squeeze %dma_start3A_391 : memref<1x50x128xi32, #tpu.memory_space<vmem>> -> memref<50x128xi32, #tpu.memory_space<vmem>>
        %dma_start3A_393 = arith.constant 0 : i32
        %dma_start3A_394 = tpu.memref_slice %arg2[%dma_start3A_393, %add3A_381] : memref<50x16384xi32, #tpu.memory_space<hbm>> -> memref<50x128xi32, #tpu.memory_space<hbm>>
        tpu.enqueue_dma source(%dma_start3A_394 : memref<50x128xi32, #tpu.memory_space<hbm>>) target(%dma_start3A_392 : memref<50x128xi32, #tpu.memory_space<vmem>>) target_semaphore(%arg19 : memref<!tpu.dma_semaphore, #tpu.memory_space<semaphore_mem>>)
      } else {
      }
      %mul3A_279 = arith.constant 2 : i32
      %mul3A_280 = arith.muli %add3A_184, %mul3A_279 : i32
      %add3A_281 = arith.constant 1 : i32
      %add3A_282 = arith.addi %mul3A_280, %add3A_281 : i32
      %dma_wait3A_283 = arith.constant 1 : i32
      %dma_wait3A_284 = arith.constant 0 : i32
      %dma_wait3A_285 = arith.constant 0 : i32
      %dma_wait3A_286 = tpu.memref_slice %arg10[%dma_wait3A_283, %dma_wait3A_284, %dma_wait3A_285] : memref<2x50x128xi32, #tpu.memory_space<vmem>> -> memref<1x50x128xi32, #tpu.memory_space<vmem>>
      %dma_wait3A_287 = tpu.memref_squeeze %dma_wait3A_286 : memref<1x50x128xi32, #tpu.memory_space<vmem>> -> memref<50x128xi32, #tpu.memory_space<vmem>>
      %dma_wait3A_288 = arith.constant 0 : i32
      %dma_wait3A_289 = arith.constant 0 : i32
      %dma_wait3A_290 = tpu.memref_slice %arg2[%dma_wait3A_288, %dma_wait3A_289] : memref<50x16384xi32, #tpu.memory_space<hbm>> -> memref<50x128xi32, #tpu.memory_space<hbm>>
      %dma_wait3A_291 = arith.constant 0 : i32
      %dma_wait3A_292 = arith.constant 0 : i32
      %dma_wait3A_293 = tpu.memref_slice %arg10[%dma_wait3A_283, %dma_wait3A_291, %dma_wait3A_292] : memref<2x50x128xi32, #tpu.memory_space<vmem>> -> memref<1x50x128xi32, #tpu.memory_space<vmem>>
      %dma_wait3A_294 = tpu.memref_squeeze %dma_wait3A_293 : memref<1x50x128xi32, #tpu.memory_space<vmem>> -> memref<50x128xi32, #tpu.memory_space<vmem>>
      %dma_wait3A_295 = arith.constant 0 : i32
      %dma_wait3A_296 = arith.constant 0 : i32
      %dma_wait3A_297 = tpu.memref_slice %arg2[%dma_wait3A_295, %dma_wait3A_296] : memref<50x16384xi32, #tpu.memory_space<hbm>> -> memref<50x128xi32, #tpu.memory_space<hbm>>
      tpu.wait_dma2 semaphore(%arg20 : memref<!tpu.dma_semaphore, #tpu.memory_space<semaphore_mem>>) src(%dma_wait3A_297 : memref<50x128xi32, #tpu.memory_space<hbm>>) dst(%dma_wait3A_294 : memref<50x128xi32, #tpu.memory_space<vmem>>)
      %gt3A_298 = arith.constant 0 : i32
      %gt3A_299 = arith.cmpi sgt, %add3A_184, %gt3A_298 : i32
      %convert_element_type3A_300 = arith.extui %gt3A_299 : i1 to i32
      %cond3A_301 = arith.constant 0 : i32
      %cond3A_302 = arith.cmpi ne, %convert_element_type3A_300, %cond3A_301 : i32
      scf.if %cond3A_302 {
        %dma_wait3A_377 = arith.constant 1 : i32
        %dma_wait3A_378 = arith.constant 0 : i32
        %dma_wait3A_379 = arith.constant 0 : i32
        %dma_wait3A_380 = arith.constant 0 : i32
        %dma_wait3A_381 = tpu.memref_slice %arg11[%dma_wait3A_377, %dma_wait3A_378, %dma_wait3A_380] : memref<2x4x128xf32, #tpu.memory_space<vmem>> -> memref<1x1x128xf32, #tpu.memory_space<vmem>>
        %dma_wait3A_382 = tpu.memref_squeeze %dma_wait3A_381 : memref<1x1x128xf32, #tpu.memory_space<vmem>> -> memref<128xf32, #tpu.memory_space<vmem>>
        %dma_wait3A_383 = arith.constant 0 : i32
        %dma_wait3A_384 = tpu.memref_slice %arg18[%dma_wait3A_379, %dma_wait3A_383] : memref<64x8192xf32, #tpu.memory_space<vmem_shared>> -> memref<1x128xf32, #tpu.memory_space<vmem_shared>>
        %dma_wait3A_385 = tpu.memref_squeeze %dma_wait3A_384 : memref<1x128xf32, #tpu.memory_space<vmem_shared>> -> memref<128xf32, #tpu.memory_space<vmem_shared>>
        %dma_wait3A_386 = arith.constant 0 : i32
        %dma_wait3A_387 = tpu.memref_slice %arg18[%dma_wait3A_379, %dma_wait3A_386] : memref<64x8192xf32, #tpu.memory_space<vmem_shared>> -> memref<1x128xf32, #tpu.memory_space<vmem_shared>>
        %dma_wait3A_388 = tpu.memref_squeeze %dma_wait3A_387 : memref<1x128xf32, #tpu.memory_space<vmem_shared>> -> memref<128xf32, #tpu.memory_space<vmem_shared>>
        %dma_wait3A_389 = arith.constant 0 : i32
        %dma_wait3A_390 = tpu.memref_slice %arg11[%dma_wait3A_377, %dma_wait3A_378, %dma_wait3A_389] : memref<2x4x128xf32, #tpu.memory_space<vmem>> -> memref<1x1x128xf32, #tpu.memory_space<vmem>>
        %dma_wait3A_391 = tpu.memref_squeeze %dma_wait3A_390 : memref<1x1x128xf32, #tpu.memory_space<vmem>> -> memref<128xf32, #tpu.memory_space<vmem>>
        tpu.wait_dma2 semaphore(%arg22 : memref<!tpu.dma_semaphore, #tpu.memory_space<semaphore_mem>>) src(%dma_wait3A_391 : memref<128xf32, #tpu.memory_space<vmem>>) dst(%dma_wait3A_388 : memref<128xf32, #tpu.memory_space<vmem_shared>>)
        %dma_wait3A_392 = arith.constant 1 : i32
        %dma_wait3A_393 = arith.constant 1 : i32
        %dma_wait3A_394 = arith.constant 1 : i32
        %dma_wait3A_395 = arith.constant 0 : i32
        %dma_wait3A_396 = tpu.memref_slice %arg11[%dma_wait3A_392, %dma_wait3A_393, %dma_wait3A_395] : memref<2x4x128xf32, #tpu.memory_space<vmem>> -> memref<1x1x128xf32, #tpu.memory_space<vmem>>
        %dma_wait3A_397 = tpu.memref_squeeze %dma_wait3A_396 : memref<1x1x128xf32, #tpu.memory_space<vmem>> -> memref<128xf32, #tpu.memory_space<vmem>>
        %dma_wait3A_398 = arith.constant 0 : i32
        %dma_wait3A_399 = tpu.memref_slice %arg18[%dma_wait3A_394, %dma_wait3A_398] : memref<64x8192xf32, #tpu.memory_space<vmem_shared>> -> memref<1x128xf32, #tpu.memory_space<vmem_shared>>
        %dma_wait3A_400 = tpu.memref_squeeze %dma_wait3A_399 : memref<1x128xf32, #tpu.memory_space<vmem_shared>> -> memref<128xf32, #tpu.memory_space<vmem_shared>>
        %dma_wait3A_401 = arith.constant 0 : i32
        %dma_wait3A_402 = tpu.memref_slice %arg18[%dma_wait3A_394, %dma_wait3A_401] : memref<64x8192xf32, #tpu.memory_space<vmem_shared>> -> memref<1x128xf32, #tpu.memory_space<vmem_shared>>
        %dma_wait3A_403 = tpu.memref_squeeze %dma_wait3A_402 : memref<1x128xf32, #tpu.memory_space<vmem_shared>> -> memref<128xf32, #tpu.memory_space<vmem_shared>>
        %dma_wait3A_404 = arith.constant 0 : i32
        %dma_wait3A_405 = tpu.memref_slice %arg11[%dma_wait3A_392, %dma_wait3A_393, %dma_wait3A_404] : memref<2x4x128xf32, #tpu.memory_space<vmem>> -> memref<1x1x128xf32, #tpu.memory_space<vmem>>
        %dma_wait3A_406 = tpu.memref_squeeze %dma_wait3A_405 : memref<1x1x128xf32, #tpu.memory_space<vmem>> -> memref<128xf32, #tpu.memory_space<vmem>>
        tpu.wait_dma2 semaphore(%arg22 : memref<!tpu.dma_semaphore, #tpu.memory_space<semaphore_mem>>) src(%dma_wait3A_406 : memref<128xf32, #tpu.memory_space<vmem>>) dst(%dma_wait3A_403 : memref<128xf32, #tpu.memory_space<vmem_shared>>)
        %dma_wait3A_407 = arith.constant 1 : i32
        %dma_wait3A_408 = arith.constant 2 : i32
        %dma_wait3A_409 = arith.constant 2 : i32
        %dma_wait3A_410 = arith.constant 0 : i32
        %dma_wait3A_411 = tpu.memref_slice %arg11[%dma_wait3A_407, %dma_wait3A_408, %dma_wait3A_410] : memref<2x4x128xf32, #tpu.memory_space<vmem>> -> memref<1x1x128xf32, #tpu.memory_space<vmem>>
        %dma_wait3A_412 = tpu.memref_squeeze %dma_wait3A_411 : memref<1x1x128xf32, #tpu.memory_space<vmem>> -> memref<128xf32, #tpu.memory_space<vmem>>
        %dma_wait3A_413 = arith.constant 0 : i32
        %dma_wait3A_414 = tpu.memref_slice %arg18[%dma_wait3A_409, %dma_wait3A_413] : memref<64x8192xf32, #tpu.memory_space<vmem_shared>> -> memref<1x128xf32, #tpu.memory_space<vmem_shared>>
        %dma_wait3A_415 = tpu.memref_squeeze %dma_wait3A_414 : memref<1x128xf32, #tpu.memory_space<vmem_shared>> -> memref<128xf32, #tpu.memory_space<vmem_shared>>
        %dma_wait3A_416 = arith.constant 0 : i32
        %dma_wait3A_417 = tpu.memref_slice %arg18[%dma_wait3A_409, %dma_wait3A_416] : memref<64x8192xf32, #tpu.memory_space<vmem_shared>> -> memref<1x128xf32, #tpu.memory_space<vmem_shared>>
        %dma_wait3A_418 = tpu.memref_squeeze %dma_wait3A_417 : memref<1x128xf32, #tpu.memory_space<vmem_shared>> -> memref<128xf32, #tpu.memory_space<vmem_shared>>
        %dma_wait3A_419 = arith.constant 0 : i32
        %dma_wait3A_420 = tpu.memref_slice %arg11[%dma_wait3A_407, %dma_wait3A_408, %dma_wait3A_419] : memref<2x4x128xf32, #tpu.memory_space<vmem>> -> memref<1x1x128xf32, #tpu.memory_space<vmem>>
        %dma_wait3A_421 = tpu.memref_squeeze %dma_wait3A_420 : memref<1x1x128xf32, #tpu.memory_space<vmem>> -> memref<128xf32, #tpu.memory_space<vmem>>
        tpu.wait_dma2 semaphore(%arg22 : memref<!tpu.dma_semaphore, #tpu.memory_space<semaphore_mem>>) src(%dma_wait3A_421 : memref<128xf32, #tpu.memory_space<vmem>>) dst(%dma_wait3A_418 : memref<128xf32, #tpu.memory_space<vmem_shared>>)
        %dma_wait3A_422 = arith.constant 1 : i32
        %dma_wait3A_423 = arith.constant 3 : i32
        %dma_wait3A_424 = arith.constant 3 : i32
        %dma_wait3A_425 = arith.constant 0 : i32
        %dma_wait3A_426 = tpu.memref_slice %arg11[%dma_wait3A_422, %dma_wait3A_423, %dma_wait3A_425] : memref<2x4x128xf32, #tpu.memory_space<vmem>> -> memref<1x1x128xf32, #tpu.memory_space<vmem>>
        %dma_wait3A_427 = tpu.memref_squeeze %dma_wait3A_426 : memref<1x1x128xf32, #tpu.memory_space<vmem>> -> memref<128xf32, #tpu.memory_space<vmem>>
        %dma_wait3A_428 = arith.constant 0 : i32
        %dma_wait3A_429 = tpu.memref_slice %arg18[%dma_wait3A_424, %dma_wait3A_428] : memref<64x8192xf32, #tpu.memory_space<vmem_shared>> -> memref<1x128xf32, #tpu.memory_space<vmem_shared>>
        %dma_wait3A_430 = tpu.memref_squeeze %dma_wait3A_429 : memref<1x128xf32, #tpu.memory_space<vmem_shared>> -> memref<128xf32, #tpu.memory_space<vmem_shared>>
        %dma_wait3A_431 = arith.constant 0 : i32
        %dma_wait3A_432 = tpu.memref_slice %arg18[%dma_wait3A_424, %dma_wait3A_431] : memref<64x8192xf32, #tpu.memory_space<vmem_shared>> -> memref<1x128xf32, #tpu.memory_space<vmem_shared>>
        %dma_wait3A_433 = tpu.memref_squeeze %dma_wait3A_432 : memref<1x128xf32, #tpu.memory_space<vmem_shared>> -> memref<128xf32, #tpu.memory_space<vmem_shared>>
        %dma_wait3A_434 = arith.constant 0 : i32
        %dma_wait3A_435 = tpu.memref_slice %arg11[%dma_wait3A_422, %dma_wait3A_423, %dma_wait3A_434] : memref<2x4x128xf32, #tpu.memory_space<vmem>> -> memref<1x1x128xf32, #tpu.memory_space<vmem>>
        %dma_wait3A_436 = tpu.memref_squeeze %dma_wait3A_435 : memref<1x1x128xf32, #tpu.memory_space<vmem>> -> memref<128xf32, #tpu.memory_space<vmem>>
        tpu.wait_dma2 semaphore(%arg22 : memref<!tpu.dma_semaphore, #tpu.memory_space<semaphore_mem>>) src(%dma_wait3A_436 : memref<128xf32, #tpu.memory_space<vmem>>) dst(%dma_wait3A_433 : memref<128xf32, #tpu.memory_space<vmem_shared>>)
      } else {
      }
      %scan3A_303 = arith.constant 0 : i32
      %scan3A_304 = arith.constant 8 : i32
      %scan3A_305 = arith.addi %scan3A_303, %scan3A_304 : i32
      %scan3A_306 = arith.constant 1 : i32
      scf.for %scan3A_377 = %scan3A_303 to %scan3A_305 step %scan3A_306  : i32 {
        %mul3A_378 = arith.constant 1 : i32
        %mul3A_379 = arith.muli %scan3A_377, %mul3A_378 : i32
        %add3A_380 = arith.constant 0 : i32
        %add3A_381 = arith.addi %add3A_380, %mul3A_379 : i32
        %scan3A_382 = arith.constant 0 : i32
        %scan3A_383 = arith.constant 50 : i32
        %scan3A_384 = arith.addi %scan3A_382, %scan3A_383 : i32
        %scan3A_385 = arith.constant 10 : i32
        %scan3A_386:5 = scf.for %scan3A_438 = %scan3A_382 to %scan3A_384 step %scan3A_385 iter_args(%scan3A_439 = %broadcast_in_dim3A_3, %scan3A_440 = %broadcast_in_dim3A_3, %scan3A_441 = %broadcast_in_dim3A_3, %scan3A_442 = %broadcast_in_dim3A_3, %scan3A_443 = %broadcast_in_dim3A_5) -> (vector<16xf32>, vector<16xf32>, vector<16xf32>, vector<16xf32>, vector<16xi32>)  : i32 {
          %mul3A_444 = arith.constant 1 : i32
          %mul3A_445 = arith.muli %scan3A_438, %mul3A_444 : i32
          %add3A_446 = arith.constant 0 : i32
          %add3A_447 = arith.addi %add3A_446, %mul3A_445 : i32
          %mul3A_448 = arith.constant 16 : i32
          %mul3A_449 = arith.muli %add3A_381, %mul3A_448 : i32
          %get3A = arith.constant 1 : i32
          %get3A_450 = arith.index_cast %get3A : i32 to index
          %get3A_451 = arith.index_cast %add3A_447 : i32 to index
          %get3A_452 = arith.index_cast %mul3A_449 : i32 to index
          %get3A_453 = tpu.vector_load %arg10[%get3A_450, %get3A_451, %get3A_452] {strides = array<i32>} : memref<2x50x128xi32, #tpu.memory_space<vmem>>, vector<16xi32>,
          %eq3A = arith.constant 0 : i32
          %eq3A_454 = vector.broadcast %eq3A : i32 to vector<16xi32>
          %eq3A_455 = arith.cmpi eq, %get3A_453, %eq3A_454 : vector<16xi32>
          %jit3A = arith.constant 1 : i32
          %jit3A_456 = arith.constant 0 : i32
          %broadcast_in_dim3A_457 = vector.broadcast %jit3A : i32 to vector<16xi32>
          %broadcast_in_dim3A_458 = vector.broadcast %jit3A_456 : i32 to vector<16xi32>
          %select_n3A = arith.select %eq3A_455, %broadcast_in_dim3A_457, %broadcast_in_dim3A_458 : vector<16xi1>, vector<16xi32>
          %add3A_459 = arith.addi %scan3A_443, %select_n3A : vector<16xi32>
          %broadcast_in_dim3A_460 = arith.constant 0 : i32
          %broadcast_in_dim3A_461 = vector.broadcast %broadcast_in_dim3A_460 : i32 to vector<16xi32>
          %gather3A_462 = tpu.vector_load_idx %arg9[%broadcast_in_dim3A_461, %get3A_453] : memref<4x10000xf32, #tpu.memory_space<vmem>>[vector<16xi32>, vector<16xi32>], vector<16xf32>,
          %add3A_463 = arith.addf %scan3A_439, %gather3A_462 : vector<16xf32>
          %broadcast_in_dim3A_464 = arith.constant 1 : i32
          %broadcast_in_dim3A_465 = vector.broadcast %broadcast_in_dim3A_464 : i32 to vector<16xi32>
          %gather3A_466 = tpu.vector_load_idx %arg9[%broadcast_in_dim3A_465, %get3A_453] : memref<4x10000xf32, #tpu.memory_space<vmem>>[vector<16xi32>, vector<16xi32>], vector<16xf32>,
          %add3A_467 = arith.addf %scan3A_440, %gather3A_466 : vector<16xf32>
          %broadcast_in_dim3A_468 = arith.constant 2 : i32
          %broadcast_in_dim3A_469 = vector.broadcast %broadcast_in_dim3A_468 : i32 to vector<16xi32>
          %gather3A_470 = tpu.vector_load_idx %arg9[%broadcast_in_dim3A_469, %get3A_453] : memref<4x10000xf32, #tpu.memory_space<vmem>>[vector<16xi32>, vector<16xi32>], vector<16xf32>,
          %add3A_471 = arith.addf %scan3A_441, %gather3A_470 : vector<16xf32>
          %broadcast_in_dim3A_472 = arith.constant 3 : i32
          %broadcast_in_dim3A_473 = vector.broadcast %broadcast_in_dim3A_472 : i32 to vector<16xi32>
          %gather3A_474 = tpu.vector_load_idx %arg9[%broadcast_in_dim3A_473, %get3A_453] : memref<4x10000xf32, #tpu.memory_space<vmem>>[vector<16xi32>, vector<16xi32>], vector<16xf32>,
          %add3A_475 = arith.addf %scan3A_442, %gather3A_474 : vector<16xf32>
          %scan3A_476 = arith.constant 1 : i32
          %scan3A_477 = arith.addi %scan3A_438, %scan3A_476 : i32
          %mul3A_478 = arith.constant 1 : i32
          %mul3A_479 = arith.muli %scan3A_477, %mul3A_478 : i32
          %add3A_480 = arith.constant 0 : i32
          %add3A_481 = arith.addi %add3A_480, %mul3A_479 : i32
          %mul3A_482 = arith.constant 16 : i32
          %mul3A_483 = arith.muli %add3A_381, %mul3A_482 : i32
          %get3A_484 = arith.constant 1 : i32
          %get3A_485 = arith.index_cast %get3A_484 : i32 to index
          %get3A_486 = arith.index_cast %add3A_481 : i32 to index
          %get3A_487 = arith.index_cast %mul3A_483 : i32 to index
          %get3A_488 = tpu.vector_load %arg10[%get3A_485, %get3A_486, %get3A_487] {strides = array<i32>} : memref<2x50x128xi32, #tpu.memory_space<vmem>>, vector<16xi32>,
          %eq3A_489 = arith.constant 0 : i32
          %eq3A_490 = vector.broadcast %eq3A_489 : i32 to vector<16xi32>
          %eq3A_491 = arith.cmpi eq, %get3A_488, %eq3A_490 : vector<16xi32>
          %jit3A_492 = arith.constant 1 : i32
          %jit3A_493 = arith.constant 0 : i32
          %broadcast_in_dim3A_494 = vector.broadcast %jit3A_492 : i32 to vector<16xi32>
          %broadcast_in_dim3A_495 = vector.broadcast %jit3A_493 : i32 to vector<16xi32>
          %select_n3A_496 = arith.select %eq3A_491, %broadcast_in_dim3A_494, %broadcast_in_dim3A_495 : vector<16xi1>, vector<16xi32>
          %add3A_497 = arith.addi %add3A_459, %select_n3A_496 : vector<16xi32>
          %broadcast_in_dim3A_498 = arith.constant 0 : i32
          %broadcast_in_dim3A_499 = vector.broadcast %broadcast_in_dim3A_498 : i32 to vector<16xi32>
          %gather3A_500 = tpu.vector_load_idx %arg9[%broadcast_in_dim3A_499, %get3A_488] : memref<4x10000xf32, #tpu.memory_space<vmem>>[vector<16xi32>, vector<16xi32>], vector<16xf32>,
          %add3A_501 = arith.addf %add3A_463, %gather3A_500 : vector<16xf32>
          %broadcast_in_dim3A_502 = arith.constant 1 : i32
          %broadcast_in_dim3A_503 = vector.broadcast %broadcast_in_dim3A_502 : i32 to vector<16xi32>
          %gather3A_504 = tpu.vector_load_idx %arg9[%broadcast_in_dim3A_503, %get3A_488] : memref<4x10000xf32, #tpu.memory_space<vmem>>[vector<16xi32>, vector<16xi32>], vector<16xf32>,
          %add3A_505 = arith.addf %add3A_467, %gather3A_504 : vector<16xf32>
          %broadcast_in_dim3A_506 = arith.constant 2 : i32
          %broadcast_in_dim3A_507 = vector.broadcast %broadcast_in_dim3A_506 : i32 to vector<16xi32>
          %gather3A_508 = tpu.vector_load_idx %arg9[%broadcast_in_dim3A_507, %get3A_488] : memref<4x10000xf32, #tpu.memory_space<vmem>>[vector<16xi32>, vector<16xi32>], vector<16xf32>,
          %add3A_509 = arith.addf %add3A_471, %gather3A_508 : vector<16xf32>
          %broadcast_in_dim3A_510 = arith.constant 3 : i32
          %broadcast_in_dim3A_511 = vector.broadcast %broadcast_in_dim3A_510 : i32 to vector<16xi32>
          %gather3A_512 = tpu.vector_load_idx %arg9[%broadcast_in_dim3A_511, %get3A_488] : memref<4x10000xf32, #tpu.memory_space<vmem>>[vector<16xi32>, vector<16xi32>], vector<16xf32>,
          %add3A_513 = arith.addf %add3A_475, %gather3A_512 : vector<16xf32>
          %scan3A_514 = arith.constant 2 : i32
          %scan3A_515 = arith.addi %scan3A_438, %scan3A_514 : i32
          %mul3A_516 = arith.constant 1 : i32
          %mul3A_517 = arith.muli %scan3A_515, %mul3A_516 : i32
          %add3A_518 = arith.constant 0 : i32
          %add3A_519 = arith.addi %add3A_518, %mul3A_517 : i32
          %mul3A_520 = arith.constant 16 : i32
          %mul3A_521 = arith.muli %add3A_381, %mul3A_520 : i32
          %get3A_522 = arith.constant 1 : i32
          %get3A_523 = arith.index_cast %get3A_522 : i32 to index
          %get3A_524 = arith.index_cast %add3A_519 : i32 to index
          %get3A_525 = arith.index_cast %mul3A_521 : i32 to index
          %get3A_526 = tpu.vector_load %arg10[%get3A_523, %get3A_524, %get3A_525] {strides = array<i32>} : memref<2x50x128xi32, #tpu.memory_space<vmem>>, vector<16xi32>,
          %eq3A_527 = arith.constant 0 : i32
          %eq3A_528 = vector.broadcast %eq3A_527 : i32 to vector<16xi32>
          %eq3A_529 = arith.cmpi eq, %get3A_526, %eq3A_528 : vector<16xi32>
          %jit3A_530 = arith.constant 1 : i32
          %jit3A_531 = arith.constant 0 : i32
          %broadcast_in_dim3A_532 = vector.broadcast %jit3A_530 : i32 to vector<16xi32>
          %broadcast_in_dim3A_533 = vector.broadcast %jit3A_531 : i32 to vector<16xi32>
          %select_n3A_534 = arith.select %eq3A_529, %broadcast_in_dim3A_532, %broadcast_in_dim3A_533 : vector<16xi1>, vector<16xi32>
          %add3A_535 = arith.addi %add3A_497, %select_n3A_534 : vector<16xi32>
          %broadcast_in_dim3A_536 = arith.constant 0 : i32
          %broadcast_in_dim3A_537 = vector.broadcast %broadcast_in_dim3A_536 : i32 to vector<16xi32>
          %gather3A_538 = tpu.vector_load_idx %arg9[%broadcast_in_dim3A_537, %get3A_526] : memref<4x10000xf32, #tpu.memory_space<vmem>>[vector<16xi32>, vector<16xi32>], vector<16xf32>,
          %add3A_539 = arith.addf %add3A_501, %gather3A_538 : vector<16xf32>
          %broadcast_in_dim3A_540 = arith.constant 1 : i32
          %broadcast_in_dim3A_541 = vector.broadcast %broadcast_in_dim3A_540 : i32 to vector<16xi32>
          %gather3A_542 = tpu.vector_load_idx %arg9[%broadcast_in_dim3A_541, %get3A_526] : memref<4x10000xf32, #tpu.memory_space<vmem>>[vector<16xi32>, vector<16xi32>], vector<16xf32>,
          %add3A_543 = arith.addf %add3A_505, %gather3A_542 : vector<16xf32>
          %broadcast_in_dim3A_544 = arith.constant 2 : i32
          %broadcast_in_dim3A_545 = vector.broadcast %broadcast_in_dim3A_544 : i32 to vector<16xi32>
          %gather3A_546 = tpu.vector_load_idx %arg9[%broadcast_in_dim3A_545, %get3A_526] : memref<4x10000xf32, #tpu.memory_space<vmem>>[vector<16xi32>, vector<16xi32>], vector<16xf32>,
          %add3A_547 = arith.addf %add3A_509, %gather3A_546 : vector<16xf32>
          %broadcast_in_dim3A_548 = arith.constant 3 : i32
          %broadcast_in_dim3A_549 = vector.broadcast %broadcast_in_dim3A_548 : i32 to vector<16xi32>
          %gather3A_550 = tpu.vector_load_idx %arg9[%broadcast_in_dim3A_549, %get3A_526] : memref<4x10000xf32, #tpu.memory_space<vmem>>[vector<16xi32>, vector<16xi32>], vector<16xf32>,
          %add3A_551 = arith.addf %add3A_513, %gather3A_550 : vector<16xf32>
          %scan3A_552 = arith.constant 3 : i32
          %scan3A_553 = arith.addi %scan3A_438, %scan3A_552 : i32
          %mul3A_554 = arith.constant 1 : i32
          %mul3A_555 = arith.muli %scan3A_553, %mul3A_554 : i32
          %add3A_556 = arith.constant 0 : i32
          %add3A_557 = arith.addi %add3A_556, %mul3A_555 : i32
          %mul3A_558 = arith.constant 16 : i32
          %mul3A_559 = arith.muli %add3A_381, %mul3A_558 : i32
          %get3A_560 = arith.constant 1 : i32
          %get3A_561 = arith.index_cast %get3A_560 : i32 to index
          %get3A_562 = arith.index_cast %add3A_557 : i32 to index
          %get3A_563 = arith.index_cast %mul3A_559 : i32 to index
          %get3A_564 = tpu.vector_load %arg10[%get3A_561, %get3A_562, %get3A_563] {strides = array<i32>} : memref<2x50x128xi32, #tpu.memory_space<vmem>>, vector<16xi32>,
          %eq3A_565 = arith.constant 0 : i32
          %eq3A_566 = vector.broadcast %eq3A_565 : i32 to vector<16xi32>
          %eq3A_567 = arith.cmpi eq, %get3A_564, %eq3A_566 : vector<16xi32>
          %jit3A_568 = arith.constant 1 : i32
          %jit3A_569 = arith.constant 0 : i32
          %broadcast_in_dim3A_570 = vector.broadcast %jit3A_568 : i32 to vector<16xi32>
          %broadcast_in_dim3A_571 = vector.broadcast %jit3A_569 : i32 to vector<16xi32>
          %select_n3A_572 = arith.select %eq3A_567, %broadcast_in_dim3A_570, %broadcast_in_dim3A_571 : vector<16xi1>, vector<16xi32>
          %add3A_573 = arith.addi %add3A_535, %select_n3A_572 : vector<16xi32>
          %broadcast_in_dim3A_574 = arith.constant 0 : i32
          %broadcast_in_dim3A_575 = vector.broadcast %broadcast_in_dim3A_574 : i32 to vector<16xi32>
          %gather3A_576 = tpu.vector_load_idx %arg9[%broadcast_in_dim3A_575, %get3A_564] : memref<4x10000xf32, #tpu.memory_space<vmem>>[vector<16xi32>, vector<16xi32>], vector<16xf32>,
          %add3A_577 = arith.addf %add3A_539, %gather3A_576 : vector<16xf32>
          %broadcast_in_dim3A_578 = arith.constant 1 : i32
          %broadcast_in_dim3A_579 = vector.broadcast %broadcast_in_dim3A_578 : i32 to vector<16xi32>
          %gather3A_580 = tpu.vector_load_idx %arg9[%broadcast_in_dim3A_579, %get3A_564] : memref<4x10000xf32, #tpu.memory_space<vmem>>[vector<16xi32>, vector<16xi32>], vector<16xf32>,
          %add3A_581 = arith.addf %add3A_543, %gather3A_580 : vector<16xf32>
          %broadcast_in_dim3A_582 = arith.constant 2 : i32
          %broadcast_in_dim3A_583 = vector.broadcast %broadcast_in_dim3A_582 : i32 to vector<16xi32>
          %gather3A_584 = tpu.vector_load_idx %arg9[%broadcast_in_dim3A_583, %get3A_564] : memref<4x10000xf32, #tpu.memory_space<vmem>>[vector<16xi32>, vector<16xi32>], vector<16xf32>,
          %add3A_585 = arith.addf %add3A_547, %gather3A_584 : vector<16xf32>
          %broadcast_in_dim3A_586 = arith.constant 3 : i32
          %broadcast_in_dim3A_587 = vector.broadcast %broadcast_in_dim3A_586 : i32 to vector<16xi32>
          %gather3A_588 = tpu.vector_load_idx %arg9[%broadcast_in_dim3A_587, %get3A_564] : memref<4x10000xf32, #tpu.memory_space<vmem>>[vector<16xi32>, vector<16xi32>], vector<16xf32>,
          %add3A_589 = arith.addf %add3A_551, %gather3A_588 : vector<16xf32>
          %scan3A_590 = arith.constant 4 : i32
          %scan3A_591 = arith.addi %scan3A_438, %scan3A_590 : i32
          %mul3A_592 = arith.constant 1 : i32
          %mul3A_593 = arith.muli %scan3A_591, %mul3A_592 : i32
          %add3A_594 = arith.constant 0 : i32
          %add3A_595 = arith.addi %add3A_594, %mul3A_593 : i32
          %mul3A_596 = arith.constant 16 : i32
          %mul3A_597 = arith.muli %add3A_381, %mul3A_596 : i32
          %get3A_598 = arith.constant 1 : i32
          %get3A_599 = arith.index_cast %get3A_598 : i32 to index
          %get3A_600 = arith.index_cast %add3A_595 : i32 to index
          %get3A_601 = arith.index_cast %mul3A_597 : i32 to index
          %get3A_602 = tpu.vector_load %arg10[%get3A_599, %get3A_600, %get3A_601] {strides = array<i32>} : memref<2x50x128xi32, #tpu.memory_space<vmem>>, vector<16xi32>,
          %eq3A_603 = arith.constant 0 : i32
          %eq3A_604 = vector.broadcast %eq3A_603 : i32 to vector<16xi32>
          %eq3A_605 = arith.cmpi eq, %get3A_602, %eq3A_604 : vector<16xi32>
          %jit3A_606 = arith.constant 1 : i32
          %jit3A_607 = arith.constant 0 : i32
          %broadcast_in_dim3A_608 = vector.broadcast %jit3A_606 : i32 to vector<16xi32>
          %broadcast_in_dim3A_609 = vector.broadcast %jit3A_607 : i32 to vector<16xi32>
          %select_n3A_610 = arith.select %eq3A_605, %broadcast_in_dim3A_608, %broadcast_in_dim3A_609 : vector<16xi1>, vector<16xi32>
          %add3A_611 = arith.addi %add3A_573, %select_n3A_610 : vector<16xi32>
          %broadcast_in_dim3A_612 = arith.constant 0 : i32
          %broadcast_in_dim3A_613 = vector.broadcast %broadcast_in_dim3A_612 : i32 to vector<16xi32>
          %gather3A_614 = tpu.vector_load_idx %arg9[%broadcast_in_dim3A_613, %get3A_602] : memref<4x10000xf32, #tpu.memory_space<vmem>>[vector<16xi32>, vector<16xi32>], vector<16xf32>,
          %add3A_615 = arith.addf %add3A_577, %gather3A_614 : vector<16xf32>
          %broadcast_in_dim3A_616 = arith.constant 1 : i32
          %broadcast_in_dim3A_617 = vector.broadcast %broadcast_in_dim3A_616 : i32 to vector<16xi32>
          %gather3A_618 = tpu.vector_load_idx %arg9[%broadcast_in_dim3A_617, %get3A_602] : memref<4x10000xf32, #tpu.memory_space<vmem>>[vector<16xi32>, vector<16xi32>], vector<16xf32>,
          %add3A_619 = arith.addf %add3A_581, %gather3A_618 : vector<16xf32>
          %broadcast_in_dim3A_620 = arith.constant 2 : i32
          %broadcast_in_dim3A_621 = vector.broadcast %broadcast_in_dim3A_620 : i32 to vector<16xi32>
          %gather3A_622 = tpu.vector_load_idx %arg9[%broadcast_in_dim3A_621, %get3A_602] : memref<4x10000xf32, #tpu.memory_space<vmem>>[vector<16xi32>, vector<16xi32>], vector<16xf32>,
          %add3A_623 = arith.addf %add3A_585, %gather3A_622 : vector<16xf32>
          %broadcast_in_dim3A_624 = arith.constant 3 : i32
          %broadcast_in_dim3A_625 = vector.broadcast %broadcast_in_dim3A_624 : i32 to vector<16xi32>
          %gather3A_626 = tpu.vector_load_idx %arg9[%broadcast_in_dim3A_625, %get3A_602] : memref<4x10000xf32, #tpu.memory_space<vmem>>[vector<16xi32>, vector<16xi32>], vector<16xf32>,
          %add3A_627 = arith.addf %add3A_589, %gather3A_626 : vector<16xf32>
          %scan3A_628 = arith.constant 5 : i32
          %scan3A_629 = arith.addi %scan3A_438, %scan3A_628 : i32
          %mul3A_630 = arith.constant 1 : i32
          %mul3A_631 = arith.muli %scan3A_629, %mul3A_630 : i32
          %add3A_632 = arith.constant 0 : i32
          %add3A_633 = arith.addi %add3A_632, %mul3A_631 : i32
          %mul3A_634 = arith.constant 16 : i32
          %mul3A_635 = arith.muli %add3A_381, %mul3A_634 : i32
          %get3A_636 = arith.constant 1 : i32
          %get3A_637 = arith.index_cast %get3A_636 : i32 to index
          %get3A_638 = arith.index_cast %add3A_633 : i32 to index
          %get3A_639 = arith.index_cast %mul3A_635 : i32 to index
          %get3A_640 = tpu.vector_load %arg10[%get3A_637, %get3A_638, %get3A_639] {strides = array<i32>} : memref<2x50x128xi32, #tpu.memory_space<vmem>>, vector<16xi32>,
          %eq3A_641 = arith.constant 0 : i32
          %eq3A_642 = vector.broadcast %eq3A_641 : i32 to vector<16xi32>
          %eq3A_643 = arith.cmpi eq, %get3A_640, %eq3A_642 : vector<16xi32>
          %jit3A_644 = arith.constant 1 : i32
          %jit3A_645 = arith.constant 0 : i32
          %broadcast_in_dim3A_646 = vector.broadcast %jit3A_644 : i32 to vector<16xi32>
          %broadcast_in_dim3A_647 = vector.broadcast %jit3A_645 : i32 to vector<16xi32>
          %select_n3A_648 = arith.select %eq3A_643, %broadcast_in_dim3A_646, %broadcast_in_dim3A_647 : vector<16xi1>, vector<16xi32>
          %add3A_649 = arith.addi %add3A_611, %select_n3A_648 : vector<16xi32>
          %broadcast_in_dim3A_650 = arith.constant 0 : i32
          %broadcast_in_dim3A_651 = vector.broadcast %broadcast_in_dim3A_650 : i32 to vector<16xi32>
          %gather3A_652 = tpu.vector_load_idx %arg9[%broadcast_in_dim3A_651, %get3A_640] : memref<4x10000xf32, #tpu.memory_space<vmem>>[vector<16xi32>, vector<16xi32>], vector<16xf32>,
          %add3A_653 = arith.addf %add3A_615, %gather3A_652 : vector<16xf32>
          %broadcast_in_dim3A_654 = arith.constant 1 : i32
          %broadcast_in_dim3A_655 = vector.broadcast %broadcast_in_dim3A_654 : i32 to vector<16xi32>
          %gather3A_656 = tpu.vector_load_idx %arg9[%broadcast_in_dim3A_655, %get3A_640] : memref<4x10000xf32, #tpu.memory_space<vmem>>[vector<16xi32>, vector<16xi32>], vector<16xf32>,
          %add3A_657 = arith.addf %add3A_619, %gather3A_656 : vector<16xf32>
          %broadcast_in_dim3A_658 = arith.constant 2 : i32
          %broadcast_in_dim3A_659 = vector.broadcast %broadcast_in_dim3A_658 : i32 to vector<16xi32>
          %gather3A_660 = tpu.vector_load_idx %arg9[%broadcast_in_dim3A_659, %get3A_640] : memref<4x10000xf32, #tpu.memory_space<vmem>>[vector<16xi32>, vector<16xi32>], vector<16xf32>,
          %add3A_661 = arith.addf %add3A_623, %gather3A_660 : vector<16xf32>
          %broadcast_in_dim3A_662 = arith.constant 3 : i32
          %broadcast_in_dim3A_663 = vector.broadcast %broadcast_in_dim3A_662 : i32 to vector<16xi32>
          %gather3A_664 = tpu.vector_load_idx %arg9[%broadcast_in_dim3A_663, %get3A_640] : memref<4x10000xf32, #tpu.memory_space<vmem>>[vector<16xi32>, vector<16xi32>], vector<16xf32>,
          %add3A_665 = arith.addf %add3A_627, %gather3A_664 : vector<16xf32>
          %scan3A_666 = arith.constant 6 : i32
          %scan3A_667 = arith.addi %scan3A_438, %scan3A_666 : i32
          %mul3A_668 = arith.constant 1 : i32
          %mul3A_669 = arith.muli %scan3A_667, %mul3A_668 : i32
          %add3A_670 = arith.constant 0 : i32
          %add3A_671 = arith.addi %add3A_670, %mul3A_669 : i32
          %mul3A_672 = arith.constant 16 : i32
          %mul3A_673 = arith.muli %add3A_381, %mul3A_672 : i32
          %get3A_674 = arith.constant 1 : i32
          %get3A_675 = arith.index_cast %get3A_674 : i32 to index
          %get3A_676 = arith.index_cast %add3A_671 : i32 to index
          %get3A_677 = arith.index_cast %mul3A_673 : i32 to index
          %get3A_678 = tpu.vector_load %arg10[%get3A_675, %get3A_676, %get3A_677] {strides = array<i32>} : memref<2x50x128xi32, #tpu.memory_space<vmem>>, vector<16xi32>,
          %eq3A_679 = arith.constant 0 : i32
          %eq3A_680 = vector.broadcast %eq3A_679 : i32 to vector<16xi32>
          %eq3A_681 = arith.cmpi eq, %get3A_678, %eq3A_680 : vector<16xi32>
          %jit3A_682 = arith.constant 1 : i32
          %jit3A_683 = arith.constant 0 : i32
          %broadcast_in_dim3A_684 = vector.broadcast %jit3A_682 : i32 to vector<16xi32>
          %broadcast_in_dim3A_685 = vector.broadcast %jit3A_683 : i32 to vector<16xi32>
          %select_n3A_686 = arith.select %eq3A_681, %broadcast_in_dim3A_684, %broadcast_in_dim3A_685 : vector<16xi1>, vector<16xi32>
          %add3A_687 = arith.addi %add3A_649, %select_n3A_686 : vector<16xi32>
          %broadcast_in_dim3A_688 = arith.constant 0 : i32
          %broadcast_in_dim3A_689 = vector.broadcast %broadcast_in_dim3A_688 : i32 to vector<16xi32>
          %gather3A_690 = tpu.vector_load_idx %arg9[%broadcast_in_dim3A_689, %get3A_678] : memref<4x10000xf32, #tpu.memory_space<vmem>>[vector<16xi32>, vector<16xi32>], vector<16xf32>,
          %add3A_691 = arith.addf %add3A_653, %gather3A_690 : vector<16xf32>
          %broadcast_in_dim3A_692 = arith.constant 1 : i32
          %broadcast_in_dim3A_693 = vector.broadcast %broadcast_in_dim3A_692 : i32 to vector<16xi32>
          %gather3A_694 = tpu.vector_load_idx %arg9[%broadcast_in_dim3A_693, %get3A_678] : memref<4x10000xf32, #tpu.memory_space<vmem>>[vector<16xi32>, vector<16xi32>], vector<16xf32>,
          %add3A_695 = arith.addf %add3A_657, %gather3A_694 : vector<16xf32>
          %broadcast_in_dim3A_696 = arith.constant 2 : i32
          %broadcast_in_dim3A_697 = vector.broadcast %broadcast_in_dim3A_696 : i32 to vector<16xi32>
          %gather3A_698 = tpu.vector_load_idx %arg9[%broadcast_in_dim3A_697, %get3A_678] : memref<4x10000xf32, #tpu.memory_space<vmem>>[vector<16xi32>, vector<16xi32>], vector<16xf32>,
          %add3A_699 = arith.addf %add3A_661, %gather3A_698 : vector<16xf32>
          %broadcast_in_dim3A_700 = arith.constant 3 : i32
          %broadcast_in_dim3A_701 = vector.broadcast %broadcast_in_dim3A_700 : i32 to vector<16xi32>
          %gather3A_702 = tpu.vector_load_idx %arg9[%broadcast_in_dim3A_701, %get3A_678] : memref<4x10000xf32, #tpu.memory_space<vmem>>[vector<16xi32>, vector<16xi32>], vector<16xf32>,
          %add3A_703 = arith.addf %add3A_665, %gather3A_702 : vector<16xf32>
          %scan3A_704 = arith.constant 7 : i32
          %scan3A_705 = arith.addi %scan3A_438, %scan3A_704 : i32
          %mul3A_706 = arith.constant 1 : i32
          %mul3A_707 = arith.muli %scan3A_705, %mul3A_706 : i32
          %add3A_708 = arith.constant 0 : i32
          %add3A_709 = arith.addi %add3A_708, %mul3A_707 : i32
          %mul3A_710 = arith.constant 16 : i32
          %mul3A_711 = arith.muli %add3A_381, %mul3A_710 : i32
          %get3A_712 = arith.constant 1 : i32
          %get3A_713 = arith.index_cast %get3A_712 : i32 to index
          %get3A_714 = arith.index_cast %add3A_709 : i32 to index
          %get3A_715 = arith.index_cast %mul3A_711 : i32 to index
          %get3A_716 = tpu.vector_load %arg10[%get3A_713, %get3A_714, %get3A_715] {strides = array<i32>} : memref<2x50x128xi32, #tpu.memory_space<vmem>>, vector<16xi32>,
          %eq3A_717 = arith.constant 0 : i32
          %eq3A_718 = vector.broadcast %eq3A_717 : i32 to vector<16xi32>
          %eq3A_719 = arith.cmpi eq, %get3A_716, %eq3A_718 : vector<16xi32>
          %jit3A_720 = arith.constant 1 : i32
          %jit3A_721 = arith.constant 0 : i32
          %broadcast_in_dim3A_722 = vector.broadcast %jit3A_720 : i32 to vector<16xi32>
          %broadcast_in_dim3A_723 = vector.broadcast %jit3A_721 : i32 to vector<16xi32>
          %select_n3A_724 = arith.select %eq3A_719, %broadcast_in_dim3A_722, %broadcast_in_dim3A_723 : vector<16xi1>, vector<16xi32>
          %add3A_725 = arith.addi %add3A_687, %select_n3A_724 : vector<16xi32>
          %broadcast_in_dim3A_726 = arith.constant 0 : i32
          %broadcast_in_dim3A_727 = vector.broadcast %broadcast_in_dim3A_726 : i32 to vector<16xi32>
          %gather3A_728 = tpu.vector_load_idx %arg9[%broadcast_in_dim3A_727, %get3A_716] : memref<4x10000xf32, #tpu.memory_space<vmem>>[vector<16xi32>, vector<16xi32>], vector<16xf32>,
          %add3A_729 = arith.addf %add3A_691, %gather3A_728 : vector<16xf32>
          %broadcast_in_dim3A_730 = arith.constant 1 : i32
          %broadcast_in_dim3A_731 = vector.broadcast %broadcast_in_dim3A_730 : i32 to vector<16xi32>
          %gather3A_732 = tpu.vector_load_idx %arg9[%broadcast_in_dim3A_731, %get3A_716] : memref<4x10000xf32, #tpu.memory_space<vmem>>[vector<16xi32>, vector<16xi32>], vector<16xf32>,
          %add3A_733 = arith.addf %add3A_695, %gather3A_732 : vector<16xf32>
          %broadcast_in_dim3A_734 = arith.constant 2 : i32
          %broadcast_in_dim3A_735 = vector.broadcast %broadcast_in_dim3A_734 : i32 to vector<16xi32>
          %gather3A_736 = tpu.vector_load_idx %arg9[%broadcast_in_dim3A_735, %get3A_716] : memref<4x10000xf32, #tpu.memory_space<vmem>>[vector<16xi32>, vector<16xi32>], vector<16xf32>,
          %add3A_737 = arith.addf %add3A_699, %gather3A_736 : vector<16xf32>
          %broadcast_in_dim3A_738 = arith.constant 3 : i32
          %broadcast_in_dim3A_739 = vector.broadcast %broadcast_in_dim3A_738 : i32 to vector<16xi32>
          %gather3A_740 = tpu.vector_load_idx %arg9[%broadcast_in_dim3A_739, %get3A_716] : memref<4x10000xf32, #tpu.memory_space<vmem>>[vector<16xi32>, vector<16xi32>], vector<16xf32>,
          %add3A_741 = arith.addf %add3A_703, %gather3A_740 : vector<16xf32>
          %scan3A_742 = arith.constant 8 : i32
          %scan3A_743 = arith.addi %scan3A_438, %scan3A_742 : i32
          %mul3A_744 = arith.constant 1 : i32
          %mul3A_745 = arith.muli %scan3A_743, %mul3A_744 : i32
          %add3A_746 = arith.constant 0 : i32
          %add3A_747 = arith.addi %add3A_746, %mul3A_745 : i32
          %mul3A_748 = arith.constant 16 : i32
          %mul3A_749 = arith.muli %add3A_381, %mul3A_748 : i32
          %get3A_750 = arith.constant 1 : i32
          %get3A_751 = arith.index_cast %get3A_750 : i32 to index
          %get3A_752 = arith.index_cast %add3A_747 : i32 to index
          %get3A_753 = arith.index_cast %mul3A_749 : i32 to index
          %get3A_754 = tpu.vector_load %arg10[%get3A_751, %get3A_752, %get3A_753] {strides = array<i32>} : memref<2x50x128xi32, #tpu.memory_space<vmem>>, vector<16xi32>,
          %eq3A_755 = arith.constant 0 : i32
          %eq3A_756 = vector.broadcast %eq3A_755 : i32 to vector<16xi32>
          %eq3A_757 = arith.cmpi eq, %get3A_754, %eq3A_756 : vector<16xi32>
          %jit3A_758 = arith.constant 1 : i32
          %jit3A_759 = arith.constant 0 : i32
          %broadcast_in_dim3A_760 = vector.broadcast %jit3A_758 : i32 to vector<16xi32>
          %broadcast_in_dim3A_761 = vector.broadcast %jit3A_759 : i32 to vector<16xi32>
          %select_n3A_762 = arith.select %eq3A_757, %broadcast_in_dim3A_760, %broadcast_in_dim3A_761 : vector<16xi1>, vector<16xi32>
          %add3A_763 = arith.addi %add3A_725, %select_n3A_762 : vector<16xi32>
          %broadcast_in_dim3A_764 = arith.constant 0 : i32
          %broadcast_in_dim3A_765 = vector.broadcast %broadcast_in_dim3A_764 : i32 to vector<16xi32>
          %gather3A_766 = tpu.vector_load_idx %arg9[%broadcast_in_dim3A_765, %get3A_754] : memref<4x10000xf32, #tpu.memory_space<vmem>>[vector<16xi32>, vector<16xi32>], vector<16xf32>,
          %add3A_767 = arith.addf %add3A_729, %gather3A_766 : vector<16xf32>
          %broadcast_in_dim3A_768 = arith.constant 1 : i32
          %broadcast_in_dim3A_769 = vector.broadcast %broadcast_in_dim3A_768 : i32 to vector<16xi32>
          %gather3A_770 = tpu.vector_load_idx %arg9[%broadcast_in_dim3A_769, %get3A_754] : memref<4x10000xf32, #tpu.memory_space<vmem>>[vector<16xi32>, vector<16xi32>], vector<16xf32>,
          %add3A_771 = arith.addf %add3A_733, %gather3A_770 : vector<16xf32>
          %broadcast_in_dim3A_772 = arith.constant 2 : i32
          %broadcast_in_dim3A_773 = vector.broadcast %broadcast_in_dim3A_772 : i32 to vector<16xi32>
          %gather3A_774 = tpu.vector_load_idx %arg9[%broadcast_in_dim3A_773, %get3A_754] : memref<4x10000xf32, #tpu.memory_space<vmem>>[vector<16xi32>, vector<16xi32>], vector<16xf32>,
          %add3A_775 = arith.addf %add3A_737, %gather3A_774 : vector<16xf32>
          %broadcast_in_dim3A_776 = arith.constant 3 : i32
          %broadcast_in_dim3A_777 = vector.broadcast %broadcast_in_dim3A_776 : i32 to vector<16xi32>
          %gather3A_778 = tpu.vector_load_idx %arg9[%broadcast_in_dim3A_777, %get3A_754] : memref<4x10000xf32, #tpu.memory_space<vmem>>[vector<16xi32>, vector<16xi32>], vector<16xf32>,
          %add3A_779 = arith.addf %add3A_741, %gather3A_778 : vector<16xf32>
          %scan3A_780 = arith.constant 9 : i32
          %scan3A_781 = arith.addi %scan3A_438, %scan3A_780 : i32
          %mul3A_782 = arith.constant 1 : i32
          %mul3A_783 = arith.muli %scan3A_781, %mul3A_782 : i32
          %add3A_784 = arith.constant 0 : i32
          %add3A_785 = arith.addi %add3A_784, %mul3A_783 : i32
          %mul3A_786 = arith.constant 16 : i32
          %mul3A_787 = arith.muli %add3A_381, %mul3A_786 : i32
          %get3A_788 = arith.constant 1 : i32
          %get3A_789 = arith.index_cast %get3A_788 : i32 to index
          %get3A_790 = arith.index_cast %add3A_785 : i32 to index
          %get3A_791 = arith.index_cast %mul3A_787 : i32 to index
          %get3A_792 = tpu.vector_load %arg10[%get3A_789, %get3A_790, %get3A_791] {strides = array<i32>} : memref<2x50x128xi32, #tpu.memory_space<vmem>>, vector<16xi32>,
          %eq3A_793 = arith.constant 0 : i32
          %eq3A_794 = vector.broadcast %eq3A_793 : i32 to vector<16xi32>
          %eq3A_795 = arith.cmpi eq, %get3A_792, %eq3A_794 : vector<16xi32>
          %jit3A_796 = arith.constant 1 : i32
          %jit3A_797 = arith.constant 0 : i32
          %broadcast_in_dim3A_798 = vector.broadcast %jit3A_796 : i32 to vector<16xi32>
          %broadcast_in_dim3A_799 = vector.broadcast %jit3A_797 : i32 to vector<16xi32>
          %select_n3A_800 = arith.select %eq3A_795, %broadcast_in_dim3A_798, %broadcast_in_dim3A_799 : vector<16xi1>, vector<16xi32>
          %add3A_801 = arith.addi %add3A_763, %select_n3A_800 : vector<16xi32>
          %broadcast_in_dim3A_802 = arith.constant 0 : i32
          %broadcast_in_dim3A_803 = vector.broadcast %broadcast_in_dim3A_802 : i32 to vector<16xi32>
          %gather3A_804 = tpu.vector_load_idx %arg9[%broadcast_in_dim3A_803, %get3A_792] : memref<4x10000xf32, #tpu.memory_space<vmem>>[vector<16xi32>, vector<16xi32>], vector<16xf32>,
          %add3A_805 = arith.addf %add3A_767, %gather3A_804 : vector<16xf32>
          %broadcast_in_dim3A_806 = arith.constant 1 : i32
          %broadcast_in_dim3A_807 = vector.broadcast %broadcast_in_dim3A_806 : i32 to vector<16xi32>
          %gather3A_808 = tpu.vector_load_idx %arg9[%broadcast_in_dim3A_807, %get3A_792] : memref<4x10000xf32, #tpu.memory_space<vmem>>[vector<16xi32>, vector<16xi32>], vector<16xf32>,
          %add3A_809 = arith.addf %add3A_771, %gather3A_808 : vector<16xf32>
          %broadcast_in_dim3A_810 = arith.constant 2 : i32
          %broadcast_in_dim3A_811 = vector.broadcast %broadcast_in_dim3A_810 : i32 to vector<16xi32>
          %gather3A_812 = tpu.vector_load_idx %arg9[%broadcast_in_dim3A_811, %get3A_792] : memref<4x10000xf32, #tpu.memory_space<vmem>>[vector<16xi32>, vector<16xi32>], vector<16xf32>,
          %add3A_813 = arith.addf %add3A_775, %gather3A_812 : vector<16xf32>
          %broadcast_in_dim3A_814 = arith.constant 3 : i32
          %broadcast_in_dim3A_815 = vector.broadcast %broadcast_in_dim3A_814 : i32 to vector<16xi32>
          %gather3A_816 = tpu.vector_load_idx %arg9[%broadcast_in_dim3A_815, %get3A_792] : memref<4x10000xf32, #tpu.memory_space<vmem>>[vector<16xi32>, vector<16xi32>], vector<16xf32>,
          %add3A_817 = arith.addf %add3A_779, %gather3A_816 : vector<16xf32>
          scf.yield %add3A_805, %add3A_809, %add3A_813, %add3A_817, %add3A_801 : vector<16xf32>, vector<16xf32>, vector<16xf32>, vector<16xf32>, vector<16xi32>
        }
        %scan3A_387 = arith.constant 50 : i32
        %convert_element_type3A_388 = arith.sitofp %scan3A_386#4 : vector<16xi32> to vector<16xf32>
        %sub3A = arith.constant 5.000000e+01 : f32
        %sub3A_389 = vector.broadcast %sub3A : f32 to vector<16xf32>
        %sub3A_390 = arith.subf %sub3A_389, %convert_element_type3A_388 : vector<16xf32>
        %max3A = arith.constant 1.000000e+00 : f32
        %max3A_391 = vector.broadcast %max3A : f32 to vector<16xf32>
        %max3A_392 = arith.maximumf %sub3A_390, %max3A_391 : vector<16xf32>
        %div3A = arith.constant 1.000000e+00 : f32
        %div3A_393 = vector.broadcast %div3A : f32 to vector<16xf32>
        %div3A_394 = arith.divf %div3A_393, %max3A_392 : vector<16xf32>
        %mul3A_395 = arith.mulf %convert_element_type3A_388, %gather3A : vector<16xf32>
        %sub3A_396 = arith.subf %scan3A_386#0, %mul3A_395 : vector<16xf32>
        %mul3A_397 = arith.mulf %sub3A_396, %div3A_394 : vector<16xf32>
        %mul3A_398 = arith.constant 16 : i32
        %mul3A_399 = arith.muli %add3A_381, %mul3A_398 : i32
        %swap3A = arith.constant 1 : i32
        %swap3A_400 = arith.constant 0 : i32
        %swap3A_401 = arith.index_cast %swap3A : i32 to index
        %swap3A_402 = arith.index_cast %swap3A_400 : i32 to index
        %swap3A_403 = arith.index_cast %mul3A_399 : i32 to index
        %swap3A_404 = tpu.vector_load %arg11[%swap3A_401, %swap3A_402, %swap3A_403] {strides = array<i32>} : memref<2x4x128xf32, #tpu.memory_space<vmem>>, vector<16xf32>,
        tpu.vector_store %arg11[%swap3A_401, %swap3A_402, %swap3A_403], %mul3A_397 {strides = array<i32>} : memref<2x4x128xf32, #tpu.memory_space<vmem>>, vector<16xf32>,
        %mul3A_405 = arith.mulf %convert_element_type3A_388, %gather3A_40 : vector<16xf32>
        %sub3A_406 = arith.subf %scan3A_386#1, %mul3A_405 : vector<16xf32>
        %mul3A_407 = arith.mulf %sub3A_406, %div3A_394 : vector<16xf32>
        %mul3A_408 = arith.constant 16 : i32
        %mul3A_409 = arith.muli %add3A_381, %mul3A_408 : i32
        %swap3A_410 = arith.constant 1 : i32
        %swap3A_411 = arith.constant 1 : i32
        %swap3A_412 = arith.index_cast %swap3A_410 : i32 to index
        %swap3A_413 = arith.index_cast %swap3A_411 : i32 to index
        %swap3A_414 = arith.index_cast %mul3A_409 : i32 to index
        %swap3A_415 = tpu.vector_load %arg11[%swap3A_412, %swap3A_413, %swap3A_414] {strides = array<i32>} : memref<2x4x128xf32, #tpu.memory_space<vmem>>, vector<16xf32>,
        tpu.vector_store %arg11[%swap3A_412, %swap3A_413, %swap3A_414], %mul3A_407 {strides = array<i32>} : memref<2x4x128xf32, #tpu.memory_space<vmem>>, vector<16xf32>,
        %mul3A_416 = arith.mulf %convert_element_type3A_388, %gather3A_44 : vector<16xf32>
        %sub3A_417 = arith.subf %scan3A_386#2, %mul3A_416 : vector<16xf32>
        %mul3A_418 = arith.mulf %sub3A_417, %div3A_394 : vector<16xf32>
        %mul3A_419 = arith.constant 16 : i32
        %mul3A_420 = arith.muli %add3A_381, %mul3A_419 : i32
        %swap3A_421 = arith.constant 1 : i32
        %swap3A_422 = arith.constant 2 : i32
        %swap3A_423 = arith.index_cast %swap3A_421 : i32 to index
        %swap3A_424 = arith.index_cast %swap3A_422 : i32 to index
        %swap3A_425 = arith.index_cast %mul3A_420 : i32 to index
        %swap3A_426 = tpu.vector_load %arg11[%swap3A_423, %swap3A_424, %swap3A_425] {strides = array<i32>} : memref<2x4x128xf32, #tpu.memory_space<vmem>>, vector<16xf32>,
        tpu.vector_store %arg11[%swap3A_423, %swap3A_424, %swap3A_425], %mul3A_418 {strides = array<i32>} : memref<2x4x128xf32, #tpu.memory_space<vmem>>, vector<16xf32>,
        %mul3A_427 = arith.mulf %convert_element_type3A_388, %gather3A_48 : vector<16xf32>
        %sub3A_428 = arith.subf %scan3A_386#3, %mul3A_427 : vector<16xf32>
        %mul3A_429 = arith.mulf %sub3A_428, %div3A_394 : vector<16xf32>
        %mul3A_430 = arith.constant 16 : i32
        %mul3A_431 = arith.muli %add3A_381, %mul3A_430 : i32
        %swap3A_432 = arith.constant 1 : i32
        %swap3A_433 = arith.constant 3 : i32
        %swap3A_434 = arith.index_cast %swap3A_432 : i32 to index
        %swap3A_435 = arith.index_cast %swap3A_433 : i32 to index
        %swap3A_436 = arith.index_cast %mul3A_431 : i32 to index
        %swap3A_437 = tpu.vector_load %arg11[%swap3A_434, %swap3A_435, %swap3A_436] {strides = array<i32>} : memref<2x4x128xf32, #tpu.memory_space<vmem>>, vector<16xf32>,
        tpu.vector_store %arg11[%swap3A_434, %swap3A_435, %swap3A_436], %mul3A_429 {strides = array<i32>} : memref<2x4x128xf32, #tpu.memory_space<vmem>>, vector<16xf32>,
      }
      %scan3A_307 = arith.constant 8 : i32
      %add3A_308 = arith.constant 0 : i32
      %add3A_309 = arith.addi %mul3A_2, %add3A_308 : i32
      %mul3A_310 = arith.constant 128 : i32
      %mul3A_311 = arith.muli %add3A_282, %mul3A_310 : i32
      %dma_start3A_312 = arith.constant 1 : i32
      %dma_start3A_313 = arith.constant 0 : i32
      %dma_start3A_314 = arith.constant 0 : i32
      %dma_start3A_315 = tpu.memref_slice %arg11[%dma_start3A_312, %dma_start3A_313, %dma_start3A_314] : memref<2x4x128xf32, #tpu.memory_space<vmem>> -> memref<1x1x128xf32, #tpu.memory_space<vmem>>
      %dma_start3A_316 = tpu.memref_squeeze %dma_start3A_315 : memref<1x1x128xf32, #tpu.memory_space<vmem>> -> memref<128xf32, #tpu.memory_space<vmem>>
      %dma_start3A_317 = tpu.memref_slice %arg18[%add3A_309, %mul3A_311] : memref<64x8192xf32, #tpu.memory_space<vmem_shared>> -> memref<1x128xf32, #tpu.memory_space<vmem_shared>>
      %dma_start3A_318 = tpu.memref_squeeze %dma_start3A_317 : memref<1x128xf32, #tpu.memory_space<vmem_shared>> -> memref<128xf32, #tpu.memory_space<vmem_shared>>
      %dma_start3A_319 = tpu.memref_slice %arg18[%add3A_309, %mul3A_311] : memref<64x8192xf32, #tpu.memory_space<vmem_shared>> -> memref<1x128xf32, #tpu.memory_space<vmem_shared>>
      %dma_start3A_320 = tpu.memref_squeeze %dma_start3A_319 : memref<1x128xf32, #tpu.memory_space<vmem_shared>> -> memref<128xf32, #tpu.memory_space<vmem_shared>>
      %dma_start3A_321 = arith.constant 0 : i32
      %dma_start3A_322 = tpu.memref_slice %arg11[%dma_start3A_312, %dma_start3A_313, %dma_start3A_321] : memref<2x4x128xf32, #tpu.memory_space<vmem>> -> memref<1x1x128xf32, #tpu.memory_space<vmem>>
      %dma_start3A_323 = tpu.memref_squeeze %dma_start3A_322 : memref<1x1x128xf32, #tpu.memory_space<vmem>> -> memref<128xf32, #tpu.memory_space<vmem>>
      tpu.enqueue_dma source(%dma_start3A_323 : memref<128xf32, #tpu.memory_space<vmem>>) target(%dma_start3A_320 : memref<128xf32, #tpu.memory_space<vmem_shared>>) target_semaphore(%arg22 : memref<!tpu.dma_semaphore, #tpu.memory_space<semaphore_mem>>)
      %add3A_324 = arith.constant 1 : i32
      %add3A_325 = arith.addi %mul3A_2, %add3A_324 : i32
      %mul3A_326 = arith.constant 128 : i32
      %mul3A_327 = arith.muli %add3A_282, %mul3A_326 : i32
      %dma_start3A_328 = arith.constant 1 : i32
      %dma_start3A_329 = arith.constant 1 : i32
      %dma_start3A_330 = arith.constant 0 : i32
      %dma_start3A_331 = tpu.memref_slice %arg11[%dma_start3A_328, %dma_start3A_329, %dma_start3A_330] : memref<2x4x128xf32, #tpu.memory_space<vmem>> -> memref<1x1x128xf32, #tpu.memory_space<vmem>>
      %dma_start3A_332 = tpu.memref_squeeze %dma_start3A_331 : memref<1x1x128xf32, #tpu.memory_space<vmem>> -> memref<128xf32, #tpu.memory_space<vmem>>
      %dma_start3A_333 = tpu.memref_slice %arg18[%add3A_325, %mul3A_327] : memref<64x8192xf32, #tpu.memory_space<vmem_shared>> -> memref<1x128xf32, #tpu.memory_space<vmem_shared>>
      %dma_start3A_334 = tpu.memref_squeeze %dma_start3A_333 : memref<1x128xf32, #tpu.memory_space<vmem_shared>> -> memref<128xf32, #tpu.memory_space<vmem_shared>>
      %dma_start3A_335 = tpu.memref_slice %arg18[%add3A_325, %mul3A_327] : memref<64x8192xf32, #tpu.memory_space<vmem_shared>> -> memref<1x128xf32, #tpu.memory_space<vmem_shared>>
      %dma_start3A_336 = tpu.memref_squeeze %dma_start3A_335 : memref<1x128xf32, #tpu.memory_space<vmem_shared>> -> memref<128xf32, #tpu.memory_space<vmem_shared>>
      %dma_start3A_337 = arith.constant 0 : i32
      %dma_start3A_338 = tpu.memref_slice %arg11[%dma_start3A_328, %dma_start3A_329, %dma_start3A_337] : memref<2x4x128xf32, #tpu.memory_space<vmem>> -> memref<1x1x128xf32, #tpu.memory_space<vmem>>
      %dma_start3A_339 = tpu.memref_squeeze %dma_start3A_338 : memref<1x1x128xf32, #tpu.memory_space<vmem>> -> memref<128xf32, #tpu.memory_space<vmem>>
      tpu.enqueue_dma source(%dma_start3A_339 : memref<128xf32, #tpu.memory_space<vmem>>) target(%dma_start3A_336 : memref<128xf32, #tpu.memory_space<vmem_shared>>) target_semaphore(%arg22 : memref<!tpu.dma_semaphore, #tpu.memory_space<semaphore_mem>>)
      %add3A_340 = arith.constant 2 : i32
      %add3A_341 = arith.addi %mul3A_2, %add3A_340 : i32
      %mul3A_342 = arith.constant 128 : i32
      %mul3A_343 = arith.muli %add3A_282, %mul3A_342 : i32
      %dma_start3A_344 = arith.constant 1 : i32
      %dma_start3A_345 = arith.constant 2 : i32
      %dma_start3A_346 = arith.constant 0 : i32
      %dma_start3A_347 = tpu.memref_slice %arg11[%dma_start3A_344, %dma_start3A_345, %dma_start3A_346] : memref<2x4x128xf32, #tpu.memory_space<vmem>> -> memref<1x1x128xf32, #tpu.memory_space<vmem>>
      %dma_start3A_348 = tpu.memref_squeeze %dma_start3A_347 : memref<1x1x128xf32, #tpu.memory_space<vmem>> -> memref<128xf32, #tpu.memory_space<vmem>>
      %dma_start3A_349 = tpu.memref_slice %arg18[%add3A_341, %mul3A_343] : memref<64x8192xf32, #tpu.memory_space<vmem_shared>> -> memref<1x128xf32, #tpu.memory_space<vmem_shared>>
      %dma_start3A_350 = tpu.memref_squeeze %dma_start3A_349 : memref<1x128xf32, #tpu.memory_space<vmem_shared>> -> memref<128xf32, #tpu.memory_space<vmem_shared>>
      %dma_start3A_351 = tpu.memref_slice %arg18[%add3A_341, %mul3A_343] : memref<64x8192xf32, #tpu.memory_space<vmem_shared>> -> memref<1x128xf32, #tpu.memory_space<vmem_shared>>
      %dma_start3A_352 = tpu.memref_squeeze %dma_start3A_351 : memref<1x128xf32, #tpu.memory_space<vmem_shared>> -> memref<128xf32, #tpu.memory_space<vmem_shared>>
      %dma_start3A_353 = arith.constant 0 : i32
      %dma_start3A_354 = tpu.memref_slice %arg11[%dma_start3A_344, %dma_start3A_345, %dma_start3A_353] : memref<2x4x128xf32, #tpu.memory_space<vmem>> -> memref<1x1x128xf32, #tpu.memory_space<vmem>>
      %dma_start3A_355 = tpu.memref_squeeze %dma_start3A_354 : memref<1x1x128xf32, #tpu.memory_space<vmem>> -> memref<128xf32, #tpu.memory_space<vmem>>
      tpu.enqueue_dma source(%dma_start3A_355 : memref<128xf32, #tpu.memory_space<vmem>>) target(%dma_start3A_352 : memref<128xf32, #tpu.memory_space<vmem_shared>>) target_semaphore(%arg22 : memref<!tpu.dma_semaphore, #tpu.memory_space<semaphore_mem>>)
      %add3A_356 = arith.constant 3 : i32
      %add3A_357 = arith.addi %mul3A_2, %add3A_356 : i32
      %mul3A_358 = arith.constant 128 : i32
      %mul3A_359 = arith.muli %add3A_282, %mul3A_358 : i32
      %dma_start3A_360 = arith.constant 1 : i32
      %dma_start3A_361 = arith.constant 3 : i32
      %dma_start3A_362 = arith.constant 0 : i32
      %dma_start3A_363 = tpu.memref_slice %arg11[%dma_start3A_360, %dma_start3A_361, %dma_start3A_362] : memref<2x4x128xf32, #tpu.memory_space<vmem>> -> memref<1x1x128xf32, #tpu.memory_space<vmem>>
      %dma_start3A_364 = tpu.memref_squeeze %dma_start3A_363 : memref<1x1x128xf32, #tpu.memory_space<vmem>> -> memref<128xf32, #tpu.memory_space<vmem>>
      %dma_start3A_365 = tpu.memref_slice %arg18[%add3A_357, %mul3A_359] : memref<64x8192xf32, #tpu.memory_space<vmem_shared>> -> memref<1x128xf32, #tpu.memory_space<vmem_shared>>
      %dma_start3A_366 = tpu.memref_squeeze %dma_start3A_365 : memref<1x128xf32, #tpu.memory_space<vmem_shared>> -> memref<128xf32, #tpu.memory_space<vmem_shared>>
      %dma_start3A_367 = tpu.memref_slice %arg18[%add3A_357, %mul3A_359] : memref<64x8192xf32, #tpu.memory_space<vmem_shared>> -> memref<1x128xf32, #tpu.memory_space<vmem_shared>>
      %dma_start3A_368 = tpu.memref_squeeze %dma_start3A_367 : memref<1x128xf32, #tpu.memory_space<vmem_shared>> -> memref<128xf32, #tpu.memory_space<vmem_shared>>
      %dma_start3A_369 = arith.constant 0 : i32
      %dma_start3A_370 = tpu.memref_slice %arg11[%dma_start3A_360, %dma_start3A_361, %dma_start3A_369] : memref<2x4x128xf32, #tpu.memory_space<vmem>> -> memref<1x1x128xf32, #tpu.memory_space<vmem>>
      %dma_start3A_371 = tpu.memref_squeeze %dma_start3A_370 : memref<1x1x128xf32, #tpu.memory_space<vmem>> -> memref<128xf32, #tpu.memory_space<vmem>>
      tpu.enqueue_dma source(%dma_start3A_371 : memref<128xf32, #tpu.memory_space<vmem>>) target(%dma_start3A_368 : memref<128xf32, #tpu.memory_space<vmem_shared>>) target_semaphore(%arg22 : memref<!tpu.dma_semaphore, #tpu.memory_space<semaphore_mem>>)
      %lt3A_372 = arith.constant 31 : i32
      %lt3A_373 = arith.cmpi slt, %add3A_184, %lt3A_372 : i32
      %convert_element_type3A_374 = arith.extui %lt3A_373 : i1 to i32
      %cond3A_375 = arith.constant 0 : i32
      %cond3A_376 = arith.cmpi ne, %convert_element_type3A_374, %cond3A_375 : i32
      scf.if %cond3A_376 {
        %add3A_377 = arith.constant 2 : i32
        %add3A_378 = arith.addi %add3A_282, %add3A_377 : i32
        %mul3A_379 = arith.constant 128 : i32
        %mul3A_380 = arith.muli %add3A_378, %mul3A_379 : i32
        %add3A_381 = arith.addi %mul3A_0, %mul3A_380 : i32
        %dma_start3A_382 = arith.constant 1 : i32
        %dma_start3A_383 = arith.constant 0 : i32
        %dma_start3A_384 = arith.constant 0 : i32
        %dma_start3A_385 = tpu.memref_slice %arg10[%dma_start3A_382, %dma_start3A_383, %dma_start3A_384] : memref<2x50x128xi32, #tpu.memory_space<vmem>> -> memref<1x50x128xi32, #tpu.memory_space<vmem>>
        %dma_start3A_386 = tpu.memref_squeeze %dma_start3A_385 : memref<1x50x128xi32, #tpu.memory_space<vmem>> -> memref<50x128xi32, #tpu.memory_space<vmem>>
        %dma_start3A_387 = arith.constant 0 : i32
        %dma_start3A_388 = tpu.memref_slice %arg2[%dma_start3A_387, %add3A_381] : memref<50x16384xi32, #tpu.memory_space<hbm>> -> memref<50x128xi32, #tpu.memory_space<hbm>>
        %dma_start3A_389 = arith.constant 0 : i32
        %dma_start3A_390 = arith.constant 0 : i32
        %dma_start3A_391 = tpu.memref_slice %arg10[%dma_start3A_382, %dma_start3A_389, %dma_start3A_390] : memref<2x50x128xi32, #tpu.memory_space<vmem>> -> memref<1x50x128xi32, #tpu.memory_space<vmem>>
        %dma_start3A_392 = tpu.memref_squeeze %dma_start3A_391 : memref<1x50x128xi32, #tpu.memory_space<vmem>> -> memref<50x128xi32, #tpu.memory_space<vmem>>
        %dma_start3A_393 = arith.constant 0 : i32
        %dma_start3A_394 = tpu.memref_slice %arg2[%dma_start3A_393, %add3A_381] : memref<50x16384xi32, #tpu.memory_space<hbm>> -> memref<50x128xi32, #tpu.memory_space<hbm>>
        tpu.enqueue_dma source(%dma_start3A_394 : memref<50x128xi32, #tpu.memory_space<hbm>>) target(%dma_start3A_392 : memref<50x128xi32, #tpu.memory_space<vmem>>) target_semaphore(%arg20 : memref<!tpu.dma_semaphore, #tpu.memory_space<semaphore_mem>>)
      } else {
      }
    }
    %scan3A_52 = arith.constant 32 : i32
    %dma_wait3A = arith.constant 0 : i32
    %dma_wait3A_53 = arith.constant 0 : i32
    %dma_wait3A_54 = arith.constant 0 : i32
    %dma_wait3A_55 = arith.constant 0 : i32
    %dma_wait3A_56 = tpu.memref_slice %arg11[%dma_wait3A, %dma_wait3A_53, %dma_wait3A_55] : memref<2x4x128xf32, #tpu.memory_space<vmem>> -> memref<1x1x128xf32, #tpu.memory_space<vmem>>
    %dma_wait3A_57 = tpu.memref_squeeze %dma_wait3A_56 : memref<1x1x128xf32, #tpu.memory_space<vmem>> -> memref<128xf32, #tpu.memory_space<vmem>>
    %dma_wait3A_58 = arith.constant 0 : i32
    %dma_wait3A_59 = tpu.memref_slice %arg18[%dma_wait3A_54, %dma_wait3A_58] : memref<64x8192xf32, #tpu.memory_space<vmem_shared>> -> memref<1x128xf32, #tpu.memory_space<vmem_shared>>
    %dma_wait3A_60 = tpu.memref_squeeze %dma_wait3A_59 : memref<1x128xf32, #tpu.memory_space<vmem_shared>> -> memref<128xf32, #tpu.memory_space<vmem_shared>>
    %dma_wait3A_61 = arith.constant 0 : i32
    %dma_wait3A_62 = tpu.memref_slice %arg18[%dma_wait3A_54, %dma_wait3A_61] : memref<64x8192xf32, #tpu.memory_space<vmem_shared>> -> memref<1x128xf32, #tpu.memory_space<vmem_shared>>
    %dma_wait3A_63 = tpu.memref_squeeze %dma_wait3A_62 : memref<1x128xf32, #tpu.memory_space<vmem_shared>> -> memref<128xf32, #tpu.memory_space<vmem_shared>>
    %dma_wait3A_64 = arith.constant 0 : i32
    %dma_wait3A_65 = tpu.memref_slice %arg11[%dma_wait3A, %dma_wait3A_53, %dma_wait3A_64] : memref<2x4x128xf32, #tpu.memory_space<vmem>> -> memref<1x1x128xf32, #tpu.memory_space<vmem>>
    %dma_wait3A_66 = tpu.memref_squeeze %dma_wait3A_65 : memref<1x1x128xf32, #tpu.memory_space<vmem>> -> memref<128xf32, #tpu.memory_space<vmem>>
    tpu.wait_dma2 semaphore(%arg21 : memref<!tpu.dma_semaphore, #tpu.memory_space<semaphore_mem>>) src(%dma_wait3A_66 : memref<128xf32, #tpu.memory_space<vmem>>) dst(%dma_wait3A_63 : memref<128xf32, #tpu.memory_space<vmem_shared>>)
    %dma_wait3A_67 = arith.constant 0 : i32
    %dma_wait3A_68 = arith.constant 1 : i32
    %dma_wait3A_69 = arith.constant 1 : i32
    %dma_wait3A_70 = arith.constant 0 : i32
    %dma_wait3A_71 = tpu.memref_slice %arg11[%dma_wait3A_67, %dma_wait3A_68, %dma_wait3A_70] : memref<2x4x128xf32, #tpu.memory_space<vmem>> -> memref<1x1x128xf32, #tpu.memory_space<vmem>>
    %dma_wait3A_72 = tpu.memref_squeeze %dma_wait3A_71 : memref<1x1x128xf32, #tpu.memory_space<vmem>> -> memref<128xf32, #tpu.memory_space<vmem>>
    %dma_wait3A_73 = arith.constant 0 : i32
    %dma_wait3A_74 = tpu.memref_slice %arg18[%dma_wait3A_69, %dma_wait3A_73] : memref<64x8192xf32, #tpu.memory_space<vmem_shared>> -> memref<1x128xf32, #tpu.memory_space<vmem_shared>>
    %dma_wait3A_75 = tpu.memref_squeeze %dma_wait3A_74 : memref<1x128xf32, #tpu.memory_space<vmem_shared>> -> memref<128xf32, #tpu.memory_space<vmem_shared>>
    %dma_wait3A_76 = arith.constant 0 : i32
    %dma_wait3A_77 = tpu.memref_slice %arg18[%dma_wait3A_69, %dma_wait3A_76] : memref<64x8192xf32, #tpu.memory_space<vmem_shared>> -> memref<1x128xf32, #tpu.memory_space<vmem_shared>>
    %dma_wait3A_78 = tpu.memref_squeeze %dma_wait3A_77 : memref<1x128xf32, #tpu.memory_space<vmem_shared>> -> memref<128xf32, #tpu.memory_space<vmem_shared>>
    %dma_wait3A_79 = arith.constant 0 : i32
    %dma_wait3A_80 = tpu.memref_slice %arg11[%dma_wait3A_67, %dma_wait3A_68, %dma_wait3A_79] : memref<2x4x128xf32, #tpu.memory_space<vmem>> -> memref<1x1x128xf32, #tpu.memory_space<vmem>>
    %dma_wait3A_81 = tpu.memref_squeeze %dma_wait3A_80 : memref<1x1x128xf32, #tpu.memory_space<vmem>> -> memref<128xf32, #tpu.memory_space<vmem>>
    tpu.wait_dma2 semaphore(%arg21 : memref<!tpu.dma_semaphore, #tpu.memory_space<semaphore_mem>>) src(%dma_wait3A_81 : memref<128xf32, #tpu.memory_space<vmem>>) dst(%dma_wait3A_78 : memref<128xf32, #tpu.memory_space<vmem_shared>>)
    %dma_wait3A_82 = arith.constant 0 : i32
    %dma_wait3A_83 = arith.constant 2 : i32
    %dma_wait3A_84 = arith.constant 2 : i32
    %dma_wait3A_85 = arith.constant 0 : i32
    %dma_wait3A_86 = tpu.memref_slice %arg11[%dma_wait3A_82, %dma_wait3A_83, %dma_wait3A_85] : memref<2x4x128xf32, #tpu.memory_space<vmem>> -> memref<1x1x128xf32, #tpu.memory_space<vmem>>
    %dma_wait3A_87 = tpu.memref_squeeze %dma_wait3A_86 : memref<1x1x128xf32, #tpu.memory_space<vmem>> -> memref<128xf32, #tpu.memory_space<vmem>>
    %dma_wait3A_88 = arith.constant 0 : i32
    %dma_wait3A_89 = tpu.memref_slice %arg18[%dma_wait3A_84, %dma_wait3A_88] : memref<64x8192xf32, #tpu.memory_space<vmem_shared>> -> memref<1x128xf32, #tpu.memory_space<vmem_shared>>
    %dma_wait3A_90 = tpu.memref_squeeze %dma_wait3A_89 : memref<1x128xf32, #tpu.memory_space<vmem_shared>> -> memref<128xf32, #tpu.memory_space<vmem_shared>>
    %dma_wait3A_91 = arith.constant 0 : i32
    %dma_wait3A_92 = tpu.memref_slice %arg18[%dma_wait3A_84, %dma_wait3A_91] : memref<64x8192xf32, #tpu.memory_space<vmem_shared>> -> memref<1x128xf32, #tpu.memory_space<vmem_shared>>
    %dma_wait3A_93 = tpu.memref_squeeze %dma_wait3A_92 : memref<1x128xf32, #tpu.memory_space<vmem_shared>> -> memref<128xf32, #tpu.memory_space<vmem_shared>>
    %dma_wait3A_94 = arith.constant 0 : i32
    %dma_wait3A_95 = tpu.memref_slice %arg11[%dma_wait3A_82, %dma_wait3A_83, %dma_wait3A_94] : memref<2x4x128xf32, #tpu.memory_space<vmem>> -> memref<1x1x128xf32, #tpu.memory_space<vmem>>
    %dma_wait3A_96 = tpu.memref_squeeze %dma_wait3A_95 : memref<1x1x128xf32, #tpu.memory_space<vmem>> -> memref<128xf32, #tpu.memory_space<vmem>>
    tpu.wait_dma2 semaphore(%arg21 : memref<!tpu.dma_semaphore, #tpu.memory_space<semaphore_mem>>) src(%dma_wait3A_96 : memref<128xf32, #tpu.memory_space<vmem>>) dst(%dma_wait3A_93 : memref<128xf32, #tpu.memory_space<vmem_shared>>)
    %dma_wait3A_97 = arith.constant 0 : i32
    %dma_wait3A_98 = arith.constant 3 : i32
    %dma_wait3A_99 = arith.constant 3 : i32
    %dma_wait3A_100 = arith.constant 0 : i32
    %dma_wait3A_101 = tpu.memref_slice %arg11[%dma_wait3A_97, %dma_wait3A_98, %dma_wait3A_100] : memref<2x4x128xf32, #tpu.memory_space<vmem>> -> memref<1x1x128xf32, #tpu.memory_space<vmem>>
    %dma_wait3A_102 = tpu.memref_squeeze %dma_wait3A_101 : memref<1x1x128xf32, #tpu.memory_space<vmem>> -> memref<128xf32, #tpu.memory_space<vmem>>
    %dma_wait3A_103 = arith.constant 0 : i32
    %dma_wait3A_104 = tpu.memref_slice %arg18[%dma_wait3A_99, %dma_wait3A_103] : memref<64x8192xf32, #tpu.memory_space<vmem_shared>> -> memref<1x128xf32, #tpu.memory_space<vmem_shared>>
    %dma_wait3A_105 = tpu.memref_squeeze %dma_wait3A_104 : memref<1x128xf32, #tpu.memory_space<vmem_shared>> -> memref<128xf32, #tpu.memory_space<vmem_shared>>
    %dma_wait3A_106 = arith.constant 0 : i32
    %dma_wait3A_107 = tpu.memref_slice %arg18[%dma_wait3A_99, %dma_wait3A_106] : memref<64x8192xf32, #tpu.memory_space<vmem_shared>> -> memref<1x128xf32, #tpu.memory_space<vmem_shared>>
    %dma_wait3A_108 = tpu.memref_squeeze %dma_wait3A_107 : memref<1x128xf32, #tpu.memory_space<vmem_shared>> -> memref<128xf32, #tpu.memory_space<vmem_shared>>
    %dma_wait3A_109 = arith.constant 0 : i32
    %dma_wait3A_110 = tpu.memref_slice %arg11[%dma_wait3A_97, %dma_wait3A_98, %dma_wait3A_109] : memref<2x4x128xf32, #tpu.memory_space<vmem>> -> memref<1x1x128xf32, #tpu.memory_space<vmem>>
    %dma_wait3A_111 = tpu.memref_squeeze %dma_wait3A_110 : memref<1x1x128xf32, #tpu.memory_space<vmem>> -> memref<128xf32, #tpu.memory_space<vmem>>
    tpu.wait_dma2 semaphore(%arg21 : memref<!tpu.dma_semaphore, #tpu.memory_space<semaphore_mem>>) src(%dma_wait3A_111 : memref<128xf32, #tpu.memory_space<vmem>>) dst(%dma_wait3A_108 : memref<128xf32, #tpu.memory_space<vmem_shared>>)
    %dma_wait3A_112 = arith.constant 1 : i32
    %dma_wait3A_113 = arith.constant 0 : i32
    %dma_wait3A_114 = arith.constant 0 : i32
    %dma_wait3A_115 = arith.constant 0 : i32
    %dma_wait3A_116 = tpu.memref_slice %arg11[%dma_wait3A_112, %dma_wait3A_113, %dma_wait3A_115] : memref<2x4x128xf32, #tpu.memory_space<vmem>> -> memref<1x1x128xf32, #tpu.memory_space<vmem>>
    %dma_wait3A_117 = tpu.memref_squeeze %dma_wait3A_116 : memref<1x1x128xf32, #tpu.memory_space<vmem>> -> memref<128xf32, #tpu.memory_space<vmem>>
    %dma_wait3A_118 = arith.constant 0 : i32
    %dma_wait3A_119 = tpu.memref_slice %arg18[%dma_wait3A_114, %dma_wait3A_118] : memref<64x8192xf32, #tpu.memory_space<vmem_shared>> -> memref<1x128xf32, #tpu.memory_space<vmem_shared>>
    %dma_wait3A_120 = tpu.memref_squeeze %dma_wait3A_119 : memref<1x128xf32, #tpu.memory_space<vmem_shared>> -> memref<128xf32, #tpu.memory_space<vmem_shared>>
    %dma_wait3A_121 = arith.constant 0 : i32
    %dma_wait3A_122 = tpu.memref_slice %arg18[%dma_wait3A_114, %dma_wait3A_121] : memref<64x8192xf32, #tpu.memory_space<vmem_shared>> -> memref<1x128xf32, #tpu.memory_space<vmem_shared>>
    %dma_wait3A_123 = tpu.memref_squeeze %dma_wait3A_122 : memref<1x128xf32, #tpu.memory_space<vmem_shared>> -> memref<128xf32, #tpu.memory_space<vmem_shared>>
    %dma_wait3A_124 = arith.constant 0 : i32
    %dma_wait3A_125 = tpu.memref_slice %arg11[%dma_wait3A_112, %dma_wait3A_113, %dma_wait3A_124] : memref<2x4x128xf32, #tpu.memory_space<vmem>> -> memref<1x1x128xf32, #tpu.memory_space<vmem>>
    %dma_wait3A_126 = tpu.memref_squeeze %dma_wait3A_125 : memref<1x1x128xf32, #tpu.memory_space<vmem>> -> memref<128xf32, #tpu.memory_space<vmem>>
    tpu.wait_dma2 semaphore(%arg22 : memref<!tpu.dma_semaphore, #tpu.memory_space<semaphore_mem>>) src(%dma_wait3A_126 : memref<128xf32, #tpu.memory_space<vmem>>) dst(%dma_wait3A_123 : memref<128xf32, #tpu.memory_space<vmem_shared>>)
    %dma_wait3A_127 = arith.constant 1 : i32
    %dma_wait3A_128 = arith.constant 1 : i32
    %dma_wait3A_129 = arith.constant 1 : i32
    %dma_wait3A_130 = arith.constant 0 : i32
    %dma_wait3A_131 = tpu.memref_slice %arg11[%dma_wait3A_127, %dma_wait3A_128, %dma_wait3A_130] : memref<2x4x128xf32, #tpu.memory_space<vmem>> -> memref<1x1x128xf32, #tpu.memory_space<vmem>>
    %dma_wait3A_132 = tpu.memref_squeeze %dma_wait3A_131 : memref<1x1x128xf32, #tpu.memory_space<vmem>> -> memref<128xf32, #tpu.memory_space<vmem>>
    %dma_wait3A_133 = arith.constant 0 : i32
    %dma_wait3A_134 = tpu.memref_slice %arg18[%dma_wait3A_129, %dma_wait3A_133] : memref<64x8192xf32, #tpu.memory_space<vmem_shared>> -> memref<1x128xf32, #tpu.memory_space<vmem_shared>>
    %dma_wait3A_135 = tpu.memref_squeeze %dma_wait3A_134 : memref<1x128xf32, #tpu.memory_space<vmem_shared>> -> memref<128xf32, #tpu.memory_space<vmem_shared>>
    %dma_wait3A_136 = arith.constant 0 : i32
    %dma_wait3A_137 = tpu.memref_slice %arg18[%dma_wait3A_129, %dma_wait3A_136] : memref<64x8192xf32, #tpu.memory_space<vmem_shared>> -> memref<1x128xf32, #tpu.memory_space<vmem_shared>>
    %dma_wait3A_138 = tpu.memref_squeeze %dma_wait3A_137 : memref<1x128xf32, #tpu.memory_space<vmem_shared>> -> memref<128xf32, #tpu.memory_space<vmem_shared>>
    %dma_wait3A_139 = arith.constant 0 : i32
    %dma_wait3A_140 = tpu.memref_slice %arg11[%dma_wait3A_127, %dma_wait3A_128, %dma_wait3A_139] : memref<2x4x128xf32, #tpu.memory_space<vmem>> -> memref<1x1x128xf32, #tpu.memory_space<vmem>>
    %dma_wait3A_141 = tpu.memref_squeeze %dma_wait3A_140 : memref<1x1x128xf32, #tpu.memory_space<vmem>> -> memref<128xf32, #tpu.memory_space<vmem>>
    tpu.wait_dma2 semaphore(%arg22 : memref<!tpu.dma_semaphore, #tpu.memory_space<semaphore_mem>>) src(%dma_wait3A_141 : memref<128xf32, #tpu.memory_space<vmem>>) dst(%dma_wait3A_138 : memref<128xf32, #tpu.memory_space<vmem_shared>>)
    %dma_wait3A_142 = arith.constant 1 : i32
    %dma_wait3A_143 = arith.constant 2 : i32
    %dma_wait3A_144 = arith.constant 2 : i32
    %dma_wait3A_145 = arith.constant 0 : i32
    %dma_wait3A_146 = tpu.memref_slice %arg11[%dma_wait3A_142, %dma_wait3A_143, %dma_wait3A_145] : memref<2x4x128xf32, #tpu.memory_space<vmem>> -> memref<1x1x128xf32, #tpu.memory_space<vmem>>
    %dma_wait3A_147 = tpu.memref_squeeze %dma_wait3A_146 : memref<1x1x128xf32, #tpu.memory_space<vmem>> -> memref<128xf32, #tpu.memory_space<vmem>>
    %dma_wait3A_148 = arith.constant 0 : i32
    %dma_wait3A_149 = tpu.memref_slice %arg18[%dma_wait3A_144, %dma_wait3A_148] : memref<64x8192xf32, #tpu.memory_space<vmem_shared>> -> memref<1x128xf32, #tpu.memory_space<vmem_shared>>
    %dma_wait3A_150 = tpu.memref_squeeze %dma_wait3A_149 : memref<1x128xf32, #tpu.memory_space<vmem_shared>> -> memref<128xf32, #tpu.memory_space<vmem_shared>>
    %dma_wait3A_151 = arith.constant 0 : i32
    %dma_wait3A_152 = tpu.memref_slice %arg18[%dma_wait3A_144, %dma_wait3A_151] : memref<64x8192xf32, #tpu.memory_space<vmem_shared>> -> memref<1x128xf32, #tpu.memory_space<vmem_shared>>
    %dma_wait3A_153 = tpu.memref_squeeze %dma_wait3A_152 : memref<1x128xf32, #tpu.memory_space<vmem_shared>> -> memref<128xf32, #tpu.memory_space<vmem_shared>>
    %dma_wait3A_154 = arith.constant 0 : i32
    %dma_wait3A_155 = tpu.memref_slice %arg11[%dma_wait3A_142, %dma_wait3A_143, %dma_wait3A_154] : memref<2x4x128xf32, #tpu.memory_space<vmem>> -> memref<1x1x128xf32, #tpu.memory_space<vmem>>
    %dma_wait3A_156 = tpu.memref_squeeze %dma_wait3A_155 : memref<1x1x128xf32, #tpu.memory_space<vmem>> -> memref<128xf32, #tpu.memory_space<vmem>>
    tpu.wait_dma2 semaphore(%arg22 : memref<!tpu.dma_semaphore, #tpu.memory_space<semaphore_mem>>) src(%dma_wait3A_156 : memref<128xf32, #tpu.memory_space<vmem>>) dst(%dma_wait3A_153 : memref<128xf32, #tpu.memory_space<vmem_shared>>)
    %dma_wait3A_157 = arith.constant 1 : i32
    %dma_wait3A_158 = arith.constant 3 : i32
    %dma_wait3A_159 = arith.constant 3 : i32
    %dma_wait3A_160 = arith.constant 0 : i32
    %dma_wait3A_161 = tpu.memref_slice %arg11[%dma_wait3A_157, %dma_wait3A_158, %dma_wait3A_160] : memref<2x4x128xf32, #tpu.memory_space<vmem>> -> memref<1x1x128xf32, #tpu.memory_space<vmem>>
    %dma_wait3A_162 = tpu.memref_squeeze %dma_wait3A_161 : memref<1x1x128xf32, #tpu.memory_space<vmem>> -> memref<128xf32, #tpu.memory_space<vmem>>
    %dma_wait3A_163 = arith.constant 0 : i32
    %dma_wait3A_164 = tpu.memref_slice %arg18[%dma_wait3A_159, %dma_wait3A_163] : memref<64x8192xf32, #tpu.memory_space<vmem_shared>> -> memref<1x128xf32, #tpu.memory_space<vmem_shared>>
    %dma_wait3A_165 = tpu.memref_squeeze %dma_wait3A_164 : memref<1x128xf32, #tpu.memory_space<vmem_shared>> -> memref<128xf32, #tpu.memory_space<vmem_shared>>
    %dma_wait3A_166 = arith.constant 0 : i32
    %dma_wait3A_167 = tpu.memref_slice %arg18[%dma_wait3A_159, %dma_wait3A_166] : memref<64x8192xf32, #tpu.memory_space<vmem_shared>> -> memref<1x128xf32, #tpu.memory_space<vmem_shared>>
    %dma_wait3A_168 = tpu.memref_squeeze %dma_wait3A_167 : memref<1x128xf32, #tpu.memory_space<vmem_shared>> -> memref<128xf32, #tpu.memory_space<vmem_shared>>
    %dma_wait3A_169 = arith.constant 0 : i32
    %dma_wait3A_170 = tpu.memref_slice %arg11[%dma_wait3A_157, %dma_wait3A_158, %dma_wait3A_169] : memref<2x4x128xf32, #tpu.memory_space<vmem>> -> memref<1x1x128xf32, #tpu.memory_space<vmem>>
    %dma_wait3A_171 = tpu.memref_squeeze %dma_wait3A_170 : memref<1x1x128xf32, #tpu.memory_space<vmem>> -> memref<128xf32, #tpu.memory_space<vmem>>
    tpu.wait_dma2 semaphore(%arg22 : memref<!tpu.dma_semaphore, #tpu.memory_space<semaphore_mem>>) src(%dma_wait3A_171 : memref<128xf32, #tpu.memory_space<vmem>>) dst(%dma_wait3A_168 : memref<128xf32, #tpu.memory_space<vmem_shared>>)
    %barrier3A = arith.constant 0 : index
    tpu.barrier barrier_id(%barrier3A)
    %mul3A_172 = arith.constant 512 : i32
    %mul3A_173 = arith.muli %arg1, %mul3A_172 : i32
    %add3A_174 = arith.addi %mul3A_0, %mul3A_173 : i32
    %scan3A_175 = arith.constant 0 : i32
    %scan3A_176 = arith.constant 4 : i32
    %scan3A_177 = arith.addi %scan3A_175, %scan3A_176 : i32
    %scan3A_178 = arith.constant 1 : i32
    scf.for %scan3A_180 = %scan3A_175 to %scan3A_177 step %scan3A_178  : i32 {
      %mul3A_181 = arith.constant 1 : i32
      %mul3A_182 = arith.muli %scan3A_180, %mul3A_181 : i32
      %add3A_183 = arith.constant 0 : i32
      %add3A_184 = arith.addi %add3A_183, %mul3A_182 : i32
      %mul3A_185 = arith.constant 128 : i32
      %mul3A_186 = arith.muli %add3A_184, %mul3A_185 : i32
      %add3A_187 = arith.addi %add3A_174, %mul3A_186 : i32
      %mul3A_188 = arith.constant 512 : i32
      %mul3A_189 = arith.muli %arg1, %mul3A_188 : i32
      %mul3A_190 = arith.constant 128 : i32
      %mul3A_191 = arith.muli %add3A_184, %mul3A_190 : i32
      %add3A_192 = arith.addi %mul3A_189, %mul3A_191 : i32
      %run_scoped3A = arith.constant 0 : i32
      "tpu.region"() ({
        %run_scoped3A_251 = tpu.sem_alloc : memref<!tpu.dma_semaphore, #tpu.memory_space<semaphore_mem>>
        %dma_start3A_252 = arith.constant 0 : i32
        %dma_start3A_253 = tpu.memref_slice %arg16[%run_scoped3A, %dma_start3A_252] : memref<2x128xi32, #tpu.memory_space<vmem>> -> memref<1x128xi32, #tpu.memory_space<vmem>>
        %dma_start3A_254 = tpu.memref_squeeze %dma_start3A_253 : memref<1x128xi32, #tpu.memory_space<vmem>> -> memref<128xi32, #tpu.memory_space<vmem>>
        %dma_start3A_255 = tpu.memref_slice %arg3[%add3A_187] : memref<16384xi32, #tpu.memory_space<hbm>> -> memref<128xi32, #tpu.memory_space<hbm>>
        %dma_start3A_256 = arith.constant 0 : i32
        %dma_start3A_257 = tpu.memref_slice %arg16[%run_scoped3A, %dma_start3A_256] : memref<2x128xi32, #tpu.memory_space<vmem>> -> memref<1x128xi32, #tpu.memory_space<vmem>>
        %dma_start3A_258 = tpu.memref_squeeze %dma_start3A_257 : memref<1x128xi32, #tpu.memory_space<vmem>> -> memref<128xi32, #tpu.memory_space<vmem>>
        %dma_start3A_259 = tpu.memref_slice %arg3[%add3A_187] : memref<16384xi32, #tpu.memory_space<hbm>> -> memref<128xi32, #tpu.memory_space<hbm>>
        tpu.enqueue_dma source(%dma_start3A_259 : memref<128xi32, #tpu.memory_space<hbm>>) target(%dma_start3A_258 : memref<128xi32, #tpu.memory_space<vmem>>) target_semaphore(%run_scoped3A_251 : memref<!tpu.dma_semaphore, #tpu.memory_space<semaphore_mem>>)
        %dma_wait3A_260 = arith.constant 0 : i32
        %dma_wait3A_261 = tpu.memref_slice %arg16[%run_scoped3A, %dma_wait3A_260] : memref<2x128xi32, #tpu.memory_space<vmem>> -> memref<1x128xi32, #tpu.memory_space<vmem>>
        %dma_wait3A_262 = tpu.memref_squeeze %dma_wait3A_261 : memref<1x128xi32, #tpu.memory_space<vmem>> -> memref<128xi32, #tpu.memory_space<vmem>>
        %dma_wait3A_263 = tpu.memref_slice %arg3[%add3A_187] : memref<16384xi32, #tpu.memory_space<hbm>> -> memref<128xi32, #tpu.memory_space<hbm>>
        %dma_wait3A_264 = arith.constant 0 : i32
        %dma_wait3A_265 = tpu.memref_slice %arg16[%run_scoped3A, %dma_wait3A_264] : memref<2x128xi32, #tpu.memory_space<vmem>> -> memref<1x128xi32, #tpu.memory_space<vmem>>
        %dma_wait3A_266 = tpu.memref_squeeze %dma_wait3A_265 : memref<1x128xi32, #tpu.memory_space<vmem>> -> memref<128xi32, #tpu.memory_space<vmem>>
        %dma_wait3A_267 = tpu.memref_slice %arg3[%add3A_187] : memref<16384xi32, #tpu.memory_space<hbm>> -> memref<128xi32, #tpu.memory_space<hbm>>
        tpu.wait_dma2 semaphore(%run_scoped3A_251 : memref<!tpu.dma_semaphore, #tpu.memory_space<semaphore_mem>>) src(%dma_wait3A_267 : memref<128xi32, #tpu.memory_space<hbm>>) dst(%dma_wait3A_266 : memref<128xi32, #tpu.memory_space<vmem>>)
        tpu.yield
      }) : () -> ()
      %run_scoped3A_193 = arith.constant 1 : i32
      "tpu.region"() ({
        %run_scoped3A_251 = tpu.sem_alloc : memref<!tpu.dma_semaphore, #tpu.memory_space<semaphore_mem>>
        %dma_start3A_252 = arith.constant 0 : i32
        %dma_start3A_253 = tpu.memref_slice %arg16[%run_scoped3A_193, %dma_start3A_252] : memref<2x128xi32, #tpu.memory_space<vmem>> -> memref<1x128xi32, #tpu.memory_space<vmem>>
        %dma_start3A_254 = tpu.memref_squeeze %dma_start3A_253 : memref<1x128xi32, #tpu.memory_space<vmem>> -> memref<128xi32, #tpu.memory_space<vmem>>
        %dma_start3A_255 = tpu.memref_slice %arg4[%add3A_187] : memref<16384xi32, #tpu.memory_space<hbm>> -> memref<128xi32, #tpu.memory_space<hbm>>
        %dma_start3A_256 = arith.constant 0 : i32
        %dma_start3A_257 = tpu.memref_slice %arg16[%run_scoped3A_193, %dma_start3A_256] : memref<2x128xi32, #tpu.memory_space<vmem>> -> memref<1x128xi32, #tpu.memory_space<vmem>>
        %dma_start3A_258 = tpu.memref_squeeze %dma_start3A_257 : memref<1x128xi32, #tpu.memory_space<vmem>> -> memref<128xi32, #tpu.memory_space<vmem>>
        %dma_start3A_259 = tpu.memref_slice %arg4[%add3A_187] : memref<16384xi32, #tpu.memory_space<hbm>> -> memref<128xi32, #tpu.memory_space<hbm>>
        tpu.enqueue_dma source(%dma_start3A_259 : memref<128xi32, #tpu.memory_space<hbm>>) target(%dma_start3A_258 : memref<128xi32, #tpu.memory_space<vmem>>) target_semaphore(%run_scoped3A_251 : memref<!tpu.dma_semaphore, #tpu.memory_space<semaphore_mem>>)
        %dma_wait3A_260 = arith.constant 0 : i32
        %dma_wait3A_261 = tpu.memref_slice %arg16[%run_scoped3A_193, %dma_wait3A_260] : memref<2x128xi32, #tpu.memory_space<vmem>> -> memref<1x128xi32, #tpu.memory_space<vmem>>
        %dma_wait3A_262 = tpu.memref_squeeze %dma_wait3A_261 : memref<1x128xi32, #tpu.memory_space<vmem>> -> memref<128xi32, #tpu.memory_space<vmem>>
        %dma_wait3A_263 = tpu.memref_slice %arg4[%add3A_187] : memref<16384xi32, #tpu.memory_space<hbm>> -> memref<128xi32, #tpu.memory_space<hbm>>
        %dma_wait3A_264 = arith.constant 0 : i32
        %dma_wait3A_265 = tpu.memref_slice %arg16[%run_scoped3A_193, %dma_wait3A_264] : memref<2x128xi32, #tpu.memory_space<vmem>> -> memref<1x128xi32, #tpu.memory_space<vmem>>
        %dma_wait3A_266 = tpu.memref_squeeze %dma_wait3A_265 : memref<1x128xi32, #tpu.memory_space<vmem>> -> memref<128xi32, #tpu.memory_space<vmem>>
        %dma_wait3A_267 = tpu.memref_slice %arg4[%add3A_187] : memref<16384xi32, #tpu.memory_space<hbm>> -> memref<128xi32, #tpu.memory_space<hbm>>
        tpu.wait_dma2 semaphore(%run_scoped3A_251 : memref<!tpu.dma_semaphore, #tpu.memory_space<semaphore_mem>>) src(%dma_wait3A_267 : memref<128xi32, #tpu.memory_space<hbm>>) dst(%dma_wait3A_266 : memref<128xi32, #tpu.memory_space<vmem>>)
        tpu.yield
      }) : () -> ()
      %dma_start3A_194 = arith.constant 0 : i32
      %dma_start3A_195 = arith.constant 0 : i32
      %dma_start3A_196 = tpu.memref_slice %arg16[%dma_start3A_194, %dma_start3A_195] : memref<2x128xi32, #tpu.memory_space<vmem>> -> memref<1x128xi32, #tpu.memory_space<vmem>>
      %dma_start3A_197 = tpu.memref_squeeze %dma_start3A_196 : memref<1x128xi32, #tpu.memory_space<vmem>> -> memref<128xi32, #tpu.memory_space<vmem>>
      %dma_start3A_198 = arith.constant 0 : i32
      %dma_start3A_199 = arith.constant 0 : i32
      %dma_start3A_200 = tpu.memref_slice %arg7[%dma_start3A_198, %dma_start3A_199] : memref<1001x64xf32, #tpu.memory_space<hbm>> -> memref<1001x64xf32, #tpu.memory_space<hbm>>
      tpu.enqueue_indirect_dma source(%dma_start3A_200 : memref<1001x64xf32, #tpu.memory_space<hbm>>) target(%arg14 : memref<128x64xf32, #tpu.memory_space<vmem>>) offsets(%dma_start3A_197 : memref<128xi32, #tpu.memory_space<vmem>>) semaphore(%arg23 : memref<!tpu.dma_semaphore, #tpu.memory_space<semaphore_mem>>)
      %dma_start3A_201 = arith.constant 1 : i32
      %dma_start3A_202 = arith.constant 0 : i32
      %dma_start3A_203 = tpu.memref_slice %arg16[%dma_start3A_201, %dma_start3A_202] : memref<2x128xi32, #tpu.memory_space<vmem>> -> memref<1x128xi32, #tpu.memory_space<vmem>>
      %dma_start3A_204 = tpu.memref_squeeze %dma_start3A_203 : memref<1x128xi32, #tpu.memory_space<vmem>> -> memref<128xi32, #tpu.memory_space<vmem>>
      %dma_start3A_205 = arith.constant 0 : i32
      %dma_start3A_206 = arith.constant 0 : i32
      %dma_start3A_207 = tpu.memref_slice %arg7[%dma_start3A_205, %dma_start3A_206] : memref<1001x64xf32, #tpu.memory_space<hbm>> -> memref<1001x64xf32, #tpu.memory_space<hbm>>
      tpu.enqueue_indirect_dma source(%dma_start3A_207 : memref<1001x64xf32, #tpu.memory_space<hbm>>) target(%arg15 : memref<128x64xf32, #tpu.memory_space<vmem>>) offsets(%dma_start3A_204 : memref<128xi32, #tpu.memory_space<vmem>>) semaphore(%arg23 : memref<!tpu.dma_semaphore, #tpu.memory_space<semaphore_mem>>)
      "tpu.region"() ({
        %run_scoped3A_251 = tpu.sem_alloc : memref<!tpu.dma_semaphore, #tpu.memory_space<semaphore_mem>>
        %dma_start3A_252 = arith.constant 0 : i32
        %dma_start3A_253 = tpu.memref_slice %arg18[%dma_start3A_252, %add3A_192] : memref<64x8192xf32, #tpu.memory_space<vmem_shared>> -> memref<64x128xf32, #tpu.memory_space<vmem_shared>>
        %dma_start3A_254 = arith.constant 0 : i32
        %dma_start3A_255 = tpu.memref_slice %arg18[%dma_start3A_254, %add3A_192] : memref<64x8192xf32, #tpu.memory_space<vmem_shared>> -> memref<64x128xf32, #tpu.memory_space<vmem_shared>>
        tpu.enqueue_dma source(%dma_start3A_255 : memref<64x128xf32, #tpu.memory_space<vmem_shared>>) target(%arg12 : memref<64x128xf32, #tpu.memory_space<vmem>>) target_semaphore(%run_scoped3A_251 : memref<!tpu.dma_semaphore, #tpu.memory_space<semaphore_mem>>)
        %dma_wait3A_256 = arith.constant 0 : i32
        %dma_wait3A_257 = tpu.memref_slice %arg18[%dma_wait3A_256, %add3A_192] : memref<64x8192xf32, #tpu.memory_space<vmem_shared>> -> memref<64x128xf32, #tpu.memory_space<vmem_shared>>
        %dma_wait3A_258 = arith.constant 0 : i32
        %dma_wait3A_259 = tpu.memref_slice %arg18[%dma_wait3A_258, %add3A_192] : memref<64x8192xf32, #tpu.memory_space<vmem_shared>> -> memref<64x128xf32, #tpu.memory_space<vmem_shared>>
        tpu.wait_dma2 semaphore(%run_scoped3A_251 : memref<!tpu.dma_semaphore, #tpu.memory_space<semaphore_mem>>) src(%dma_wait3A_259 : memref<64x128xf32, #tpu.memory_space<vmem_shared>>) dst(%arg12 : memref<64x128xf32, #tpu.memory_space<vmem>>)
        tpu.yield
      }) : () -> ()
      %scan3A_208 = arith.constant 0 : i32
      %scan3A_209 = arith.constant 128 : i32
      %scan3A_210 = arith.addi %scan3A_208, %scan3A_209 : i32
      %scan3A_211 = arith.constant 1 : i32
      scf.for %scan3A_251 = %scan3A_208 to %scan3A_210 step %scan3A_211  : i32 {
        %mul3A_252 = arith.constant 1 : i32
        %mul3A_253 = arith.muli %scan3A_251, %mul3A_252 : i32
        %add3A_254 = arith.constant 0 : i32
        %add3A_255 = arith.addi %add3A_254, %mul3A_253 : i32
        %broadcast_in_dim3A_256 = vector.broadcast %add3A_255 : i32 to vector<16xi32>
        %add3A_257 = arith.constant 0 : i32
        %add3A_258 = vector.broadcast %add3A_257 : i32 to vector<16xi32>
        %add3A_259 = arith.addi %iota3A, %add3A_258 : vector<16xi32>
        %gather3A_260 = tpu.vector_load_idx %arg12[%add3A_259, %broadcast_in_dim3A_256] : memref<64x128xf32, #tpu.memory_space<vmem>>[vector<16xi32>, vector<16xi32>], vector<16xf32>,
        %swap3A = arith.index_cast %add3A_255 : i32 to index
        %swap3A_261 = arith.constant 0 : index
        %swap3A_262 = tpu.vector_load %arg13[%swap3A, %swap3A_261] {strides = array<i32>} : memref<128x64xf32, #tpu.memory_space<vmem>>, vector<16xf32>,
        tpu.vector_store %arg13[%swap3A, %swap3A_261], %gather3A_260 {strides = array<i32>} : memref<128x64xf32, #tpu.memory_space<vmem>>, vector<16xf32>,
        %add3A_263 = arith.constant 16 : i32
        %add3A_264 = vector.broadcast %add3A_263 : i32 to vector<16xi32>
        %add3A_265 = arith.addi %iota3A, %add3A_264 : vector<16xi32>
        %gather3A_266 = tpu.vector_load_idx %arg12[%add3A_265, %broadcast_in_dim3A_256] : memref<64x128xf32, #tpu.memory_space<vmem>>[vector<16xi32>, vector<16xi32>], vector<16xf32>,
        %swap3A_267 = arith.index_cast %add3A_255 : i32 to index
        %swap3A_268 = arith.constant 16 : index
        %swap3A_269 = tpu.vector_load %arg13[%swap3A_267, %swap3A_268] {strides = array<i32>} : memref<128x64xf32, #tpu.memory_space<vmem>>, vector<16xf32>,
        tpu.vector_store %arg13[%swap3A_267, %swap3A_268], %gather3A_266 {strides = array<i32>} : memref<128x64xf32, #tpu.memory_space<vmem>>, vector<16xf32>,
        %add3A_270 = arith.constant 32 : i32
        %add3A_271 = vector.broadcast %add3A_270 : i32 to vector<16xi32>
        %add3A_272 = arith.addi %iota3A, %add3A_271 : vector<16xi32>
        %gather3A_273 = tpu.vector_load_idx %arg12[%add3A_272, %broadcast_in_dim3A_256] : memref<64x128xf32, #tpu.memory_space<vmem>>[vector<16xi32>, vector<16xi32>], vector<16xf32>,
        %swap3A_274 = arith.index_cast %add3A_255 : i32 to index
        %swap3A_275 = arith.constant 32 : index
        %swap3A_276 = tpu.vector_load %arg13[%swap3A_274, %swap3A_275] {strides = array<i32>} : memref<128x64xf32, #tpu.memory_space<vmem>>, vector<16xf32>,
        tpu.vector_store %arg13[%swap3A_274, %swap3A_275], %gather3A_273 {strides = array<i32>} : memref<128x64xf32, #tpu.memory_space<vmem>>, vector<16xf32>,
        %add3A_277 = arith.constant 48 : i32
        %add3A_278 = vector.broadcast %add3A_277 : i32 to vector<16xi32>
        %add3A_279 = arith.addi %iota3A, %add3A_278 : vector<16xi32>
        %gather3A_280 = tpu.vector_load_idx %arg12[%add3A_279, %broadcast_in_dim3A_256] : memref<64x128xf32, #tpu.memory_space<vmem>>[vector<16xi32>, vector<16xi32>], vector<16xf32>,
        %swap3A_281 = arith.index_cast %add3A_255 : i32 to index
        %swap3A_282 = arith.constant 48 : index
        %swap3A_283 = tpu.vector_load %arg13[%swap3A_281, %swap3A_282] {strides = array<i32>} : memref<128x64xf32, #tpu.memory_space<vmem>>, vector<16xf32>,
        tpu.vector_store %arg13[%swap3A_281, %swap3A_282], %gather3A_280 {strides = array<i32>} : memref<128x64xf32, #tpu.memory_space<vmem>>, vector<16xf32>,
      }
      %scan3A_212 = arith.constant 128 : i32
      %dma_wait3A_213 = arith.constant 0 : i32
      %dma_wait3A_214 = arith.constant 0 : i32
      %dma_wait3A_215 = tpu.memref_slice %arg16[%dma_wait3A_213, %dma_wait3A_214] : memref<2x128xi32, #tpu.memory_space<vmem>> -> memref<1x128xi32, #tpu.memory_space<vmem>>
      %dma_wait3A_216 = tpu.memref_squeeze %dma_wait3A_215 : memref<1x128xi32, #tpu.memory_space<vmem>> -> memref<128xi32, #tpu.memory_space<vmem>>
      %dma_wait3A_217 = arith.constant 0 : i32
      %dma_wait3A_218 = arith.constant 0 : i32
      %dma_wait3A_219 = tpu.memref_slice %arg7[%dma_wait3A_217, %dma_wait3A_218] : memref<1001x64xf32, #tpu.memory_space<hbm>> -> memref<1001x64xf32, #tpu.memory_space<hbm>>
      tpu.wait_indirect_dma semaphore(%arg23 : memref<!tpu.dma_semaphore, #tpu.memory_space<semaphore_mem>>) src(%dma_wait3A_219 : memref<1001x64xf32, #tpu.memory_space<hbm>>) dst(%arg14 : memref<128x64xf32, #tpu.memory_space<vmem>>)
      %dma_wait3A_220 = arith.constant 1 : i32
      %dma_wait3A_221 = arith.constant 0 : i32
      %dma_wait3A_222 = tpu.memref_slice %arg16[%dma_wait3A_220, %dma_wait3A_221] : memref<2x128xi32, #tpu.memory_space<vmem>> -> memref<1x128xi32, #tpu.memory_space<vmem>>
      %dma_wait3A_223 = tpu.memref_squeeze %dma_wait3A_222 : memref<1x128xi32, #tpu.memory_space<vmem>> -> memref<128xi32, #tpu.memory_space<vmem>>
      %dma_wait3A_224 = arith.constant 0 : i32
      %dma_wait3A_225 = arith.constant 0 : i32
      %dma_wait3A_226 = tpu.memref_slice %arg7[%dma_wait3A_224, %dma_wait3A_225] : memref<1001x64xf32, #tpu.memory_space<hbm>> -> memref<1001x64xf32, #tpu.memory_space<hbm>>
      tpu.wait_indirect_dma semaphore(%arg23 : memref<!tpu.dma_semaphore, #tpu.memory_space<semaphore_mem>>) src(%dma_wait3A_226 : memref<1001x64xf32, #tpu.memory_space<hbm>>) dst(%arg15 : memref<128x64xf32, #tpu.memory_space<vmem>>)
      %dma_start3A_227 = arith.constant 0 : i32
      %dma_start3A_228 = tpu.memref_slice %arg8[%add3A_187, %dma_start3A_227] : memref<16384x192xf32, #tpu.memory_space<hbm>> -> memref<128x64xf32, #tpu.memory_space<hbm>>
      %dma_start3A_229 = arith.constant 0 : i32
      %dma_start3A_230 = tpu.memref_slice %arg8[%add3A_187, %dma_start3A_229] : memref<16384x192xf32, #tpu.memory_space<hbm>> -> memref<128x64xf32, #tpu.memory_space<hbm>>
      tpu.enqueue_dma source(%arg13 : memref<128x64xf32, #tpu.memory_space<vmem>>) target(%dma_start3A_230 : memref<128x64xf32, #tpu.memory_space<hbm>>) target_semaphore(%arg24 : memref<!tpu.dma_semaphore, #tpu.memory_space<semaphore_mem>>)
      %dma_start3A_231 = arith.constant 64 : i32
      %dma_start3A_232 = tpu.memref_slice %arg8[%add3A_187, %dma_start3A_231] : memref<16384x192xf32, #tpu.memory_space<hbm>> -> memref<128x64xf32, #tpu.memory_space<hbm>>
      %dma_start3A_233 = arith.constant 64 : i32
      %dma_start3A_234 = tpu.memref_slice %arg8[%add3A_187, %dma_start3A_233] : memref<16384x192xf32, #tpu.memory_space<hbm>> -> memref<128x64xf32, #tpu.memory_space<hbm>>
      tpu.enqueue_dma source(%arg14 : memref<128x64xf32, #tpu.memory_space<vmem>>) target(%dma_start3A_234 : memref<128x64xf32, #tpu.memory_space<hbm>>) target_semaphore(%arg24 : memref<!tpu.dma_semaphore, #tpu.memory_space<semaphore_mem>>)
      %dma_start3A_235 = arith.constant 128 : i32
      %dma_start3A_236 = tpu.memref_slice %arg8[%add3A_187, %dma_start3A_235] : memref<16384x192xf32, #tpu.memory_space<hbm>> -> memref<128x64xf32, #tpu.memory_space<hbm>>
      %dma_start3A_237 = arith.constant 128 : i32
      %dma_start3A_238 = tpu.memref_slice %arg8[%add3A_187, %dma_start3A_237] : memref<16384x192xf32, #tpu.memory_space<hbm>> -> memref<128x64xf32, #tpu.memory_space<hbm>>
      tpu.enqueue_dma source(%arg15 : memref<128x64xf32, #tpu.memory_space<vmem>>) target(%dma_start3A_238 : memref<128x64xf32, #tpu.memory_space<hbm>>) target_semaphore(%arg24 : memref<!tpu.dma_semaphore, #tpu.memory_space<semaphore_mem>>)
      %dma_wait3A_239 = arith.constant 0 : i32
      %dma_wait3A_240 = tpu.memref_slice %arg8[%add3A_187, %dma_wait3A_239] : memref<16384x192xf32, #tpu.memory_space<hbm>> -> memref<128x64xf32, #tpu.memory_space<hbm>>
      %dma_wait3A_241 = arith.constant 0 : i32
      %dma_wait3A_242 = tpu.memref_slice %arg8[%add3A_187, %dma_wait3A_241] : memref<16384x192xf32, #tpu.memory_space<hbm>> -> memref<128x64xf32, #tpu.memory_space<hbm>>
      tpu.wait_dma2 semaphore(%arg24 : memref<!tpu.dma_semaphore, #tpu.memory_space<semaphore_mem>>) src(%arg13 : memref<128x64xf32, #tpu.memory_space<vmem>>) dst(%dma_wait3A_242 : memref<128x64xf32, #tpu.memory_space<hbm>>)
      %dma_wait3A_243 = arith.constant 64 : i32
      %dma_wait3A_244 = tpu.memref_slice %arg8[%add3A_187, %dma_wait3A_243] : memref<16384x192xf32, #tpu.memory_space<hbm>> -> memref<128x64xf32, #tpu.memory_space<hbm>>
      %dma_wait3A_245 = arith.constant 64 : i32
      %dma_wait3A_246 = tpu.memref_slice %arg8[%add3A_187, %dma_wait3A_245] : memref<16384x192xf32, #tpu.memory_space<hbm>> -> memref<128x64xf32, #tpu.memory_space<hbm>>
      tpu.wait_dma2 semaphore(%arg24 : memref<!tpu.dma_semaphore, #tpu.memory_space<semaphore_mem>>) src(%arg14 : memref<128x64xf32, #tpu.memory_space<vmem>>) dst(%dma_wait3A_246 : memref<128x64xf32, #tpu.memory_space<hbm>>)
      %dma_wait3A_247 = arith.constant 128 : i32
      %dma_wait3A_248 = tpu.memref_slice %arg8[%add3A_187, %dma_wait3A_247] : memref<16384x192xf32, #tpu.memory_space<hbm>> -> memref<128x64xf32, #tpu.memory_space<hbm>>
      %dma_wait3A_249 = arith.constant 128 : i32
      %dma_wait3A_250 = tpu.memref_slice %arg8[%add3A_187, %dma_wait3A_249] : memref<16384x192xf32, #tpu.memory_space<hbm>> -> memref<128x64xf32, #tpu.memory_space<hbm>>
      tpu.wait_dma2 semaphore(%arg24 : memref<!tpu.dma_semaphore, #tpu.memory_space<semaphore_mem>>) src(%arg15 : memref<128x64xf32, #tpu.memory_space<vmem>>) dst(%dma_wait3A_250 : memref<128x64xf32, #tpu.memory_space<hbm>>)
    }
    %scan3A_179 = arith.constant 4 : i32
    return
  }
}

</mosaic_0001>

<sc_bundles>
// kernel: query_model_sc.3.cloned.1.call-start
scs
__scs_entry_jumppad:
0x0: {  	(pc) =	sbr.rel $0x88, $3  }
0x1: {  	(tag) =	ssettag $0x0;
	lr =	simm.s32 $0x1  }
0x2: {  	[smem:$0x3F9B] =	sst lr;
	_ =	strace $0xD0000000  }
0x3: {  	_ = 	snop  }
0x4: {  	_ = 	snop  }
0x5: {  	_ = 	snop  }
0x6: {  	_ = 	snop  }
0x7: {  	_ = 	snop  }
__scs_overlays_trampoline_lowered:
0x8: {  	[smem:$0x3FAA] =	sst s0  }
0x9: {  	[smem:$0x3FAB] =	sst s1  }
0xa: {  	[smem:$0x3FAC] =	sst s2  }
0xb: {  	[smem:$0x3FAD] =	sst s3  }
0xc: {  	[smem:$0x3FAE] =	sst s4  }
0xd: {  	[smem:$0x3FAF] =	sst s5  }
0xe: {  	[smem:$0x3FB0] =	sst s6  }
0xf: {  	[smem:$0x3FB1] =	sst s7  }
0x10: {  	[smem:$0x3FB2] =	sst s8  }
0x11: {  	[smem:$0x3FB3] =	sst s9;
	s0 =	simm.s32 @!p0 $0x0  }
0x12: {  	s1 =	sld [smem:$0x3F99];
	s0 =	simm.s32 @p0 $0x1  }
0x13: {  	[smem:$0x3FB4] =	sst s0;
	s0 =	simm.s32 @!p1 $0x0  }
0x14: {  	s2 =	sld [smem:$0x3F98];
	s0 =	simm.s32 @p1 $0x1  }
0x15: {  	[smem:$0x3FB5] =	sst s0;
	s0 =	simm.s32 @!p2 $0x0  }
0x16: {  	s3 =	sld [smem:$0x3FDB];
	s0 =	simm.s32 @p2 $0x1  }
0x17: {  	s4 =	simm.s32 $0x1BF5;
	[smem:$0x3FB7] =	sst s0  }
0x18: {  	s0 =	sld [smem:$0x3F9A];
	_ =	swait.ge [sflag:s4], $0x0  }
0x19: {  	s7 =	sld [smem:$0x3F9B]  }
0x1a: {  	s8 =	sadd.s32 $0xFFFFE003, lr  }
0x1b: {  	s9 =	sadd.s32 $0xFFFFFEF7, lr;
	s5 =	simm.s32 $0xFFFFFFFF;
	p2 =	slt.u32 s8, $0xFFFFF086  }
0x1c: {  	p1 =	slt.u32 s9, $0xF7A;
	s5 =	simm.s32 @!p2 $0x0  }
0x1d: {  	s5 =	simm.s32 @p1 $0x1;
	p0 =	seq.s32 s7, s2  }
0x1e: {  	s7 =	smul.u32 @!p0 $0xF7A, s2;
	p2 =	seq.s32 @!p0 s5, $0x0  }
0x1f: {  	s9 =	smul.u32 $0xF7A, s1;
	s8 =	simm.s32 @!p0 $0x1BF5;
	p2 =	por !p2, p0  }
0x20: {  	[sflag:s8] =	ssyncset.s32 @!p0 $0xFFFFF086;
	s6 =	sadd.s32 @!p0 s3, s7;
	s7 =	simm.s32 @!p0 $0x108  }
0x21: {  	s3 =	sadd.s32 s3, s9;
	s6 =	sadd.s32 @!p0 $0x88, s6;
	s7 =	simm.s32 @p2 $0x1082  }
0x22: {  	[simem:s7], [sflag:s8] =	dma.local @!p0 [hbm:s6], $0xF7A  }
0x23: {  	s9 =	sor.u32 $0xD0000000, s2;
	s6 =	simm.s32 $0x108;
	_ =	swait.ge @!p0 [sflag:s8], $0x0  }
0x24: {  	s3 =	sadd.s32 $0x88, s3;
	s6 =	simm.s32 @!p1 $0x1082;
	[sflag:s4] =	ssyncset.s32 $0xFFFFF086  }
0x25: {  	[simem:s6], [sflag:s4] =	dma.local [hbm:s3], $0xF7A  }
0x26: {  	[smem:$0x3F9B] =	sst s1;
	(tag) =	ssettag s2;
	_ =	strace s9  }
0x27: {  	s1 =	sld [smem:$0x3FAB]  }
0x28: {  	s2 =	sld [smem:$0x3FAC]  }
0x29: {  	s4 =	sld [smem:$0x3FAE]  }
0x2a: {  	p0 =	seq.s32 s5, $0x0;
	s5 =	sld [smem:$0x3FAF]  }
0x2b: {  	s6 =	sld [smem:$0x3FB0]  }
0x2c: {  	s7 =	sld [smem:$0x3FB1]  }
0x2d: {  	s3 =	simm.s32 $0x108;
	s8 =	sld [smem:$0x3FB2]  }
0x2e: {  	s3 =	simm.s32 @!p0 $0x1082;
	s9 =	sld [smem:$0x3FB3]  }
0x2f: {  	lr =	sadd.s32 s0, s3;
	s0 =	sld [smem:$0x3FAA]  }
0x30: {  	s3 =	sld [smem:$0x3FAD]  }
0x31: {  	[smem:$0x3FB6] =	sst s10  }
0x32: {  	s10 =	sld [smem:$0x3FB4];
	_ =	sdelay $0x3  }
0x33: {  	p0 =	seq.s32 s10, $0x1;
	s10 =	sld [smem:$0x3FB6];
	_ =	sdelay $0x3  }
0x34: {  	[smem:$0x3FB6] =	sst s10  }
0x35: {  	s10 =	sld [smem:$0x3FB5];
	_ =	sdelay $0x3  }
0x36: {  	p1 =	seq.s32 s10, $0x1;
	s10 =	sld [smem:$0x3FB6];
	_ =	sdelay $0x3  }
0x37: {  	[smem:$0x3FB6] =	sst s10  }
0x38: {  	s10 =	sld [smem:$0x3FB7]  }
0x39: {  	_ = 	snop;
	(pc) =	sbr.ind lr, $3  }
0x3a: {  	_ = 	snop  }
0x3b: {  	_ = 	snop  }
0x3c: {  	p2 =	seq.s32 s10, $0x1;
	s10 =	sld [smem:$0x3FB6]  }
0x3d: {  	_ =	shalt  }
0x3e: {  	_ =	shalt  }
0x3f: {  	_ =	shalt  }
0x40: {  	_ =	shalt  }
0x41: {  	_ =	shalt  }
0x42: {  	_ =	shalt  }
0x43: {  	_ =	shalt  }
0x44: {  	_ =	shalt  }
0x45: {  	_ =	shalt  }
0x46: {  	_ =	shalt  }
0x47: {  	_ =	shalt  }
0x48: {  	_ =	shalt  }
0x49: {  	_ =	shalt  }
0x4a: {  	_ =	shalt  }
0x4b: {  	_ =	shalt  }
0x4c: {  	_ =	shalt  }
0x4d: {  	_ =	shalt  }
0x4e: {  	_ =	shalt  }
0x4f: {  	_ =	shalt  }
0x50: {  	_ =	shalt  }
0x51: {  	_ =	shalt  }
0x52: {  	_ =	shalt  }
0x53: {  	_ =	shalt  }
0x54: {  	_ =	shalt  }
0x55: {  	_ =	shalt  }
0x56: {  	_ =	shalt  }
0x57: {  	_ =	shalt  }
0x58: {  	_ =	shalt  }
0x59: {  	_ =	shalt  }
0x5a: {  	_ =	shalt  }
0x5b: {  	_ =	shalt  }
0x5c: {  	_ =	shalt  }
0x5d: {  	_ =	shalt  }
0x5e: {  	_ =	shalt  }
0x5f: {  	_ =	shalt  }
0x60: {  	_ =	shalt  }
0x61: {  	_ =	shalt  }
0x62: {  	_ =	shalt  }
0x63: {  	_ =	shalt  }
0x64: {  	_ =	shalt  }
0x65: {  	_ =	shalt  }
0x66: {  	_ =	shalt  }
0x67: {  	_ =	shalt  }
0x68: {  	_ =	shalt  }
0x69: {  	_ =	shalt  }
0x6a: {  	_ =	shalt  }
0x6b: {  	_ =	shalt  }
0x6c: {  	_ =	shalt  }
0x6d: {  	_ =	shalt  }
0x6e: {  	_ =	shalt  }
0x6f: {  	_ =	shalt  }
0x70: {  	_ =	shalt  }
0x71: {  	_ =	shalt  }
0x72: {  	_ =	shalt  }
0x73: {  	_ =	shalt  }
0x74: {  	_ =	shalt  }
0x75: {  	_ =	shalt  }
0x76: {  	_ =	shalt  }
0x77: {  	_ =	shalt  }
0x78: {  	_ =	shalt  }
0x79: {  	_ =	shalt  }
0x7a: {  	_ =	shalt  }
0x7b: {  	_ =	shalt  }
0x7c: {  	_ =	shalt  }
0x7d: {  	_ =	shalt  }
0x7e: {  	_ =	shalt  }
0x7f: {  	_ =	shalt  }
0x80: {  	_ =	shalt  }
0x81: {  	_ =	shalt  }
0x82: {  	_ =	shalt  }
0x83: {  	_ =	shalt  }
0x84: {  	_ =	shalt  }
0x85: {  	_ =	shalt  }
0x86: {  	_ =	shalt  }
0x87: {  	_ =	shalt  }
.Lfunc_end0:
.L_simem_size_0:
called_computation_lowered:
.L_overlay_start_0:
0x88: {  	s2 =	sld [smem:$0x3FD9]  }
0x89: {  	s3 =	sld [smem:$0x3FFE];
	_ =	sdelay $0x1  }
0x8a: {  	s1 =	srdreg.scid  }
0x8b: {  	s0 =	sand.u32 $0x1, s1  }
0x8c: {  	s17 =	sshll.u32 s0, $0xA;
	s2 =	sadd.s32 s3, s2  }
0x8d: {  	s2 =	sadd.s32 s2, s17  }
0x8e: {  	[smem:$0x3FC2] =	sst s2  }
0x8f: {  	_ = 	snop  }
0x90: {  	s2 =	sld [smem:$0x3FC8]  }
0x91: {  	s18 =	sld [smem:$0x3FC7]  }
0x92: {  	s4 =	sld [smem:$0x3FC5]  }
0x93: {  	s5 =	sld [smem:$0x3FD0];
	(tm) =	ssettm $0x1  }
0x94: {  	s6 =	sld [smem:$0x3FFB];
	_ =	sdelay $0x3  }
0x95: {  	_ =	strace s6  }
0x96: {  	s6 =	sld [smem:$0x3FFC];
	_ =	sdelay $0x3  }
0x97: {  	_ =	strace s6  }
0x98: {  	s6 =	sld [smem:$0x3FFD];
	_ =	sdelay $0x3  }
0x99: {  	_ =	strace s6  }
0x9a: {  	_ =	strace $0x8FFFFFFF  }
0x9b: {  	s19 =	sld [smem:$0x3FDB];
	_ =	sdelay $0x1  }
0x9c: {  	s7 =	simm.s32 $_scs_section_size  }
0x9d: {  	s8 =	simm.s32 $_size__tile_overlayer_lowered;
	s9 =	simm.s32 $_tile_overlayer_lowered  }
0x9e: {  	s22 =	simm.s32 $0x1BFF;
	s21 =	sshll.u32 s9, $0x1;
	s6 =	sadd.s32 s7, s19  }
0x9f: {  	s10 =	simm.s32 $0x0;
	s20 =	sshll.u32 s8, $0x1;
	s8 =	sadd.s32 s21, s6  }
0xa0: {  	[timem:s10], [sflag:s22] =	dma.local [hbm:s8], s20  }
0xa1: {  	_ =	swait.ge [sflag:s22], s20  }
0xa2: {  	s7 =	ssub.s32 $0x0, s20;
	[sflag:s22] =	ssyncset.done $0x0  }
0xa3: {  	[sflag:s22] =	ssyncadd.s32 s7;
	_ =	sdelay $0x1  }
0xa4: {  	s23 =	simm.s32 $0x1B8B  }
0xa5: {  	_ =	swait.ge [sflag:s23], $0x1  }
0xa6: {  	[sflag:s23] =	ssyncset.done $0x0  }
0xa7: {  	s25 =	simm.s32 $0x1B8E;
	s24 =	sld [smem:$0x3FFE];
	[sflag:s23] =	ssyncadd.s32 $0xFFFFFFFF  }
0xa8: {  	s26 =	simm.s32 $execute0_lowered;
	[smem:$0x3FD2] =	sst s25  }
0xa9: {  	s8 =	sshll.u32 s26, $0x1;
	_ =	strace $0x80000046;
	[dreg:$0x1] =	wrdreg $0xFFFFFFFF  }
0xaa: {  	s28 =	simm.s32 $_size_execute0_lowered;
	s6 =	sadd.s32 s6, s8;
	[dreg:$0x0] =	wrdreg $0x0  }
0xab: {  	s8 =	sshll.u32 s28, $0x1;
	[dreg:$0x2] =	wrdreg s6  }
0xac: {  	[dreg:$0x3] =	wrdreg s8  }
0xad: {  	[dreg:$0x4] =	wrdreg $0xC0  }
0xae: {  	_ =	task [dreg:s10], $0x5FFFF  }
0xaf: {  	[dreg:$0x1] =	wrdreg $0xFFFFFFFF  }
0xb0: {  	[dreg:$0x0] =	wrdreg $0x60  }
0xb1: {  	[dreg:$0x2] =	wrdreg s24  }
0xb2: {  	[dreg:$0x3] =	wrdreg s2  }
0xb3: {  	[dreg:$0x4] =	wrdreg s18  }
0xb4: {  	[dreg:$0x5] =	wrdreg s4  }
0xb5: {  	[dreg:$0x6] =	wrdreg s5  }
0xb6: {  	[dreg:$0x7] =	wrdreg $0x153800  }
0xb7: {  	[dreg:$0x8] =	wrdreg $0x9  }
0xb8: {  	_ =	task.clear_ibuf [dreg:s10], $0x9FFFF;
	_ =	strace $0x90000046  }
0xb9: {  	s29 =	simm.s32 $0x9;
	_ =	strace $0x80000048  }
0xba: {  	_ =	swait.ge [sflag:s29], $0x1  }
0xbb: {  	[sflag:s29] =	ssyncadd.s32 $0xFFFFFFFF  }
0xbc: {  	_ =	strace $0x90000048  }
0xbd: {  	_ =	sfence  }
0xbe: {  	s30 =	sld [smem:$0x0];
	_ =	sdelay $0x2  }
0xbf: {  	s31 =	sshll.u32 s1, $0xD;
	s1 =	sshrl.u32 s1, $0x2  }
0xc0: {  	s3 =	sand.u32 $0x4000, s31;
	s1 =	sadd.s32 s1, s30  }
0xc1: {  	s0 =	sor.u32 s3, s0;
	s1 =	sshll.u32 s1, $0x11  }
0xc2: {  	s0 =	sor.u32 s1, s0  }
0xc3: {  	s0 =	sadd.s32 $0x8F2B, s0  }
0xc4: {  	[sflag:s0] =	ssyncadd.remote.s32 $0x1  }
0xc5: {  	_ =	sfence.sel $0xFFFF  }
0xc6: {  	[dreg:$0x0] =	wrdreg $0xFFFFFFFF;
	(pc) =	sbr.abs _section_cstart, $3  }
0xc7: {  	[dreg:$0x1] =	wrdreg $0xFFFFFFFF  }
0xc8: {  	_ =	task.clear_ibuf [dreg:s10], $0x2FFFF;
	_ =	strace $0x9FFFFFFF  }
0xc9: {  	(tm) =	ssettm $0x7FFFFFFF  }
tec
execute0_lowered:
.L_overlay_start_1:
0x0: {  	(tag) =	ssettag $0x1  }
0x1: {  	s0 =	rddreg [dreg:$0x0]  }
0x2: {  	s17 =	rddreg [dreg:$0x4]  }
0x3: {  	s1 =	rddreg [dreg:$0x5];
	s6 =	simm.s32 $0x0;
	s16 =	stileid.u32  }
0x4: {  	s2 =	srdreg.scid;
	s30 =	simm.s32 $0x1;
	s31 =	simm.s32 $0xD240  }
0x5: {  	[smem:$0x7FF] =	sst s6;
	s3 =	smul.u32 $0x1388, s16;
	s2 =	sand.u32 $0x1, s2  }
0x6: {  	s7 =	sadd.s32 $0x16000, s0;
	s8 =	sadd.s32 $0x600, s0;
	s9 =	sshllo.u32 s16, $0x2  }
0x7: {  	s10 =	sshll.u32 s16, $0xF;
	s20 =	sadd.s32 $0x8, s17;
	s22 =	sadd.s32 $0x10, s17  }
0x8: {  	_ =	strace $0x80000047;
	s4 =	ssub.s32 $0x2, s2;
	s28 =	sshll.u32 s2, $0xA  }
0x9: {  	s2 =	sshll.u32 s2, $0xD;
	s12 =	sadd.s32 s10, s1;
	s25 =	sshll.u32 s9, $0xD  }
0xa: {  	s10 =	simm.s32 $0x2;
	v0 =	vmov s9;
	s9 =	simm.s32 $0x6;
	s3 =	sadd.s32 s3, s0  }
0xb: {  	s5 =	sshrl.u32 s4, $0x1;
	s15 =	sadd.s32 s25, s1;
	s26 =	sor.u32 $0x100, s2  }
0xc: {  	s25 =	simm.s32 $0x80;
	s23 =	ssub.s32 s4, s5;
	s5 =	sshll.u32 s16, $0x2  }
0xd: {  	s4 =	sadd.s32 s7, s28;
	s3 =	sadd.s32 $0x2600, s3;
	[dreg:$0xa] =	wrdreg s26  }
0xe: {  	s28 =	sshll.u32 s16, $0x9;
	s16 =	simm.s32 $0x13240;
	[dreg:$0x8] =	wrdreg s3  }
0xf: {  	[dreg:$0x7] =	wrdreg s4;
	s29 =	sadd.s32 $0x10, s4;
	s4 =	sor.u32 $0x1, s5  }
0x10: {  	s21 =	sor.u32 $0x2, s5;
	s18 =	sor.u32 s28, s2;
	s19 =	sadd.s32 s28, s1  }
0x11: {  	v2 =	vlaneseq.u32;
	s0 =	smax.u32 s23, $0x1;
	s23 =	simm.s32 $0x7;
	v1 =	vmov s5;
	s5 =	simm.s32 $0x11240  }
0x12: {  	v2 =	vmul.u32 $0x80, v2;
	s3 =	simm.s32 $0xC0;
	[dreg:$0x9] =	wrdreg s29;
	s24 =	sshll.u32 s4, $0xD  }
0x13: {  	s11 =	sshll.u32 s21, $0xD;
	s29 =	sor.u32 $0x180, s2;
	[dreg:$0xc] =	wrdreg s0  }
0x14: {  	v5 =	vimm.s32 $0x0;
	v6 =	vor.u32 $0x800, v2;
	v3 =	vmov s4;
	s2 =	simm.s32 $0x152C0;
	s0 =	simm.s32 $0x5;
	s4 =	simm.s32 $0x40  }
0x15: {  	v7 =	vor.u32 $0x1000, v2;
	v4 =	vmov s21;
	v1 =	vbroadcast v1, $0x0;
	s21 =	simm.s32 $0x0;
	s13 =	sadd.s32 s24, s1;
	s14 =	sadd.s32 s11, s1  }
0x16: {  	v8 =	vor.u32 $0x1800, v2;
	[dreg:$0xb] =	wrdreg s29;
	s11 =	simm.s32 $0x4;
	s1 =	simm.s32 $0x15240;
	v3 =	vbroadcast v3, $0x0;
	v4 =	vbroadcast v4, $0x0  }
.LBB2_1:
0x17: {  	[dreg:$0xd] =	wrdreg s21  }
0x18: {  	s17 =	rddreg [dreg:$0x8]  }
0x19: {  	[tilespmem:s6], [sflag:$0x7] =	stream.linear.gather [hbm4b:s17+s6], $0x9C40, $0x38;
	[tilespmem:$0x1D380] =	vst v63  }
0x1a: {  	_ =	swait.ge [sflag:s23], $0x9C40  }
0x1b: {  	[sflag:s23] =	ssyncset.done $0x0  }
0x1c: {  	[sflag:s23] =	ssyncadd.s32 $0xFFFF63C0  }
0x1d: {  	s21 =	simm.s32 $0x15340;
	s28 =	rddreg [dreg:$0x3]  }
0x1e: {  	[tilespmem:s21], [sflag:$0x7] =	stream.linear.gather [hbm4b:s28+s6], $0x40, $0x38;
	[tilespmem:$0x1D380] =	vst v63  }
0x1f: {  	_ =	swait.ge [sflag:s23], $0x40  }
0x20: {  	s24 =	simm.s32 $0x4000;
	[sflag:s23] =	ssyncset.done $0x0  }
0x21: {  	s26 =	simm.s32 $0x9C40;
	s29 =	rddreg [dreg:$0x7];
	[sflag:s23] =	ssyncadd.s32 $0xFFFFFFC0  }
0x22: {  	[tilespmem:s26], [sflag:$0x1] =	stream.strided.gather [hbm4b:s29+s25], $0x1900, s24, s25, $0x38;
	[tilespmem:$0x1D380] =	vst v63  }
0x23: {  	s28 =	rddreg [dreg:$0x9];
	s29 =	simm.s32 $0xB540  }
0x24: {  	[tilespmem:s29], [sflag:$0x2] =	stream.strided.gather [hbm4b:s28+s25], $0x1900, s24, s25, $0x38;
	[tilespmem:$0x1D380] =	vst v63  }
0x25: {  	v9 =	vld.idx.msk [tilespmem:v1+s21+$0x0], $0xffff  }
0x26: {  	v10 =	vld.idx.msk [tilespmem:v3+s21+$0x0], $0xffff  }
0x27: {  	v11 =	vld.idx.msk [tilespmem:v4+s21+$0x0], $0xffff  }
0x28: {  	s24 =	simm.s32 $0x0;
	v12 =	vld.idx.msk [tilespmem:v0+s21+$0x0], $0xffff  }
.LBB2_2:
0x29: {  	_ =	swait.ge [sflag:s30], $0x1900  }
0x2a: {  	p0 =	seq.s32 s24, $0x0;
	[sflag:s30] =	ssyncset.done $0x0  }
0x2b: {  	s17 =	simm.s32 @!p0 $0x3;
	[sflag:s30] =	ssyncadd.s32 $0xFFFFE700  }
0x2c: {  	_ =	swait.ge @!p0 [sflag:s17], $0x80  }
0x2d: {  	[sflag:s17] =	ssyncset.done @!p0 $0x0  }
0x2e: {  	[sflag:s17] =	ssyncadd.s32 @!p0 $0xFFFFFF80  }
0x2f: {  	_ =	swait.ge @!p0 [sflag:s17], $0x80  }
0x30: {  	[sflag:s17] =	ssyncset.done @!p0 $0x0  }
0x31: {  	[sflag:s17] =	ssyncadd.s32 @!p0 $0xFFFFFF80  }
0x32: {  	_ =	swait.ge @!p0 [sflag:s17], $0x80  }
0x33: {  	[sflag:s17] =	ssyncset.done @!p0 $0x0  }
0x34: {  	[sflag:s17] =	ssyncadd.s32 @!p0 $0xFFFFFF80  }
0x35: {  	_ =	swait.ge @!p0 [sflag:s17], $0x80  }
0x36: {  	s28 =	sshll.u32 s24, $0x8;
	[sflag:s17] =	ssyncset.done @!p0 $0x0  }
0x37: {  	s29 =	simm.s32 $0x0;
	s21 =	simm.s32 $0x9EC0;
	[sflag:s17] =	ssyncadd.s32 @!p0 $0xFFFFFF80  }
.LBB2_3:
0x38: {  	v19 =	vld [tilespmem:s21+$0x200]  }
0x39: {  	v20 =	vld [tilespmem:s21+$0x180]  }
0x3a: {  	v21 =	vld [tilespmem:s21+$0x100]  }
0x3b: {  	v22 =	vld [tilespmem:s21+$0x80]  }
0x3c: {  	v23 =	vld [tilespmem:s21+$0x0]  }
0x3d: {  	v24 =	vld [tilespmem:s21+$0xFFFFFF80]  }
0x3e: {  	v25 =	vld [tilespmem:s21+$0xFFFFFF00]  }
0x3f: {  	v26 =	vld [tilespmem:s21+$0xFFFFFE80]  }
0x40: {  	v27 =	vld [tilespmem:s21+$0xFFFFFE00]  }
0x41: {  	v28 =	vld [tilespmem:s21+$0xFFFFFD80]  }
0x42: {  	v13 =	vld.idx.msk [tilespmem:v19+s6+$0x0], $0xffff  }
0x43: {  	v14 =	vld.idx.msk [tilespmem:v20+s6+$0x0], $0xffff  }
0x44: {  	v15 =	vld.idx.msk [tilespmem:v21+s6+$0x0], $0xffff  }
0x45: {  	v30 =	vld.idx.msk [tilespmem:v22+s6+$0x0], $0xffff  }
0x46: {  	v31 =	vld.idx.msk [tilespmem:v23+s6+$0x0], $0xffff  }
0x47: {  	v16 =	vadd.s32 $0x2710, v19;
	v29 =	vld.idx.msk [tilespmem:v24+s6+$0x0], $0xffff  }
0x48: {  	v17 =	vadd.s32 $0x2710, v20;
	v32 =	vld.idx.msk [tilespmem:v25+s6+$0x0], $0xffff  }
0x49: {  	v18 =	vadd.s32 $0x2710, v21;
	v33 =	vld.idx.msk [tilespmem:v26+s6+$0x0], $0xffff  }
0x4a: {  	v35 =	vadd.s32 $0x2710, v22;
	v34 =	vld.idx.msk [tilespmem:v27+s6+$0x0], $0xffff  }
0x4b: {  	v37 =	vadd.s32 $0x2710, v23;
	v36 =	vld.idx.msk [tilespmem:v28+s6+$0x0], $0xffff  }
0x4c: {  	v38 =	vadd.s32 $0x2710, v24;
	v16 =	vld.idx.msk [tilespmem:v16+s6+$0x0], $0xffff  }
0x4d: {  	v39 =	vadd.s32 $0x2710, v25;
	v17 =	vld.idx.msk [tilespmem:v17+s6+$0x0], $0xffff  }
0x4e: {  	v40 =	vadd.s32 $0x2710, v26;
	v18 =	vld.idx.msk [tilespmem:v18+s6+$0x0], $0xffff  }
0x4f: {  	v41 =	vadd.s32 $0x2710, v27;
	v35 =	vld.idx.msk [tilespmem:v35+s6+$0x0], $0xffff  }
0x50: {  	v42 =	vadd.s32 $0x2710, v28;
	v37 =	vld.idx.msk [tilespmem:v37+s6+$0x0], $0xffff  }
0x51: {  	v43 =	vimm.f32 $0.0e+00;
	v44 =	vadd.s32 $0x4E20, v28;
	v38 =	vld.idx.msk [tilespmem:v38+s6+$0x0], $0xffff  }
0x52: {  	v45 =	vimm.s32 $0x0;
	v46 =	vadd.s32 $0x7530, v28;
	vm8 =	veq.s32 v19, $0x0;
	v39 =	vld.idx.msk [tilespmem:v39+s6+$0x0], $0xffff  }
0x53: {  	v47 =	vadd.s32 $0x4E20, v27;
	vm6 =	veq.s32 v21, $0x0;
	vm9 =	veq.s32 v20, $0x0;
	v40 =	vld.idx.msk [tilespmem:v40+s6+$0x0], $0xffff  }
0x54: {  	v48 =	vadd.s32 $0x7530, v27;
	vm4 =	veq.s32 v23, $0x0;
	vm7 =	veq.s32 v22, $0x0;
	v41 =	vld.idx.msk [tilespmem:v41+s6+$0x0], $0xffff  }
0x55: {  	v49 =	vadd.s32 $0x4E20, v26;
	vm2 =	veq.s32 v25, $0x0;
	vm5 =	veq.s32 v24, $0x0;
	v42 =	vld.idx.msk [tilespmem:v42+s6+$0x0], $0xffff  }
0x56: {  	vm1 =	veq.s32 v27, $0x0;
	vm3 =	veq.s32 v26, $0x0;
	v63 =	vadd.s32 $0x7530, v24;
	v44 =	vld.idx.msk [tilespmem:v44+s6+$0x0], $0xffff  }
0x57: {  	vm0 =	veq.s32 v28, $0x0;
	v50 =	vadd.s32 $0x4E20, v20;
	v26 =	vadd.s32 $0x7530, v26;
	v27 =	vld.idx.msk [tilespmem:v46+s6+$0x0], $0xffff  }
0x58: {  	v51 =	vadd.s32 $0x7530, v19;
	v52 =	vadd.s32 $0x4E20, v24;
	v28 =	vadd.s32 $0x4E20, v25;
	v47 =	vld.idx.msk [tilespmem:v47+s6+$0x0], $0xffff  }
0x59: {  	v53 =	vadd.s32 $0x4E20, v21;
	v54 =	vadd.s32 $0x7530, v20;
	v25 =	vadd.s32 $0x7530, v25;
	v48 =	vld.idx.msk [tilespmem:v48+s6+$0x0], $0xffff  }
0x5a: {  	v55 =	vadd.s32 $0x4E20, v22;
	v57 =	vadd.s32 $0x4E20, v23;
	v58 =	vadd.s32 $0x7530, v22;
	v20 =	vld.idx.msk [tilespmem:v49+s6+$0x0], $0xffff  }
0x5b: {  	v21 =	vadd.s32 $0x7530, v21;
	v23 =	vadd.s32 $0x7530, v23;
	v22 =	vsel vm9, $0x1, v5;
	v61 =	vld.idx.msk [tilespmem:v63+s6+$0x0], $0xffff  }
0x5c: {  	v46 =	vadd.s32 $0x4E20, v19;
	v56 =	vld.idx.msk [tilespmem:v26+s6+$0x0], $0xffff;
	v24 =	vadd.f32 v36, v43;
	v26 =	vadd.f32 v42, v43  }
0x5d: {  	v19 =	vsel vm8, $0x1, v5;
	v28 =	vld.idx.msk [tilespmem:v28+s6+$0x0], $0xffff;
	v59 =	vadd.f32 v44, v43;
	v27 =	vadd.f32 v27, v43  }
0x5e: {  	v49 =	vsel vm2, $0x1, v5;
	v60 =	vld.idx.msk [tilespmem:v25+s6+$0x0], $0xffff;
	v34 =	vadd.f32 v34, v24;
	v26 =	vadd.f32 v41, v26  }
0x5f: {  	v63 =	vld.idx.msk [tilespmem:v57+s6+$0x0], $0xffff;
	v57 =	vsel vm3, $0x1, v5;
	v36 =	vadd.f32 v47, v59;
	v27 =	vadd.f32 v48, v27  }
0x60: {  	v25 =	vsel vm7, $0x1, v5;
	v41 =	vld.idx.msk [tilespmem:v52+s6+$0x0], $0xffff;
	v33 =	vadd.f32 v33, v34;
	v62 =	vadd.f32 v40, v26  }
0x61: {  	v58 =	vld.idx.msk [tilespmem:v58+s6+$0x0], $0xffff;
	v24 =	vsel vm6, $0x1, v5;
	v20 =	vadd.f32 v20, v36;
	v48 =	vadd.f32 v56, v27  }
0x62: {  	v23 =	vld.idx.msk [tilespmem:v23+s6+$0x0], $0xffff;
	v59 =	vsel vm1, $0x1, v5;
	v32 =	vadd.f32 v32, v33;
	v52 =	vadd.f32 v39, v62  }
0x63: {  	v26 =	vsel vm4, $0x1, v5;
	v56 =	vld.idx.msk [tilespmem:v55+s6+$0x0], $0xffff;
	v20 =	vadd.f32 v28, v20;
	v36 =	vadd.f32 v60, v48  }
0x64: {  	v27 =	vsel vm5, $0x1, v5;
	v32 =	vadd.f32 v29, v32;
	v28 =	vld.idx.msk [tilespmem:v53+s6+$0x0], $0xffff;
	v33 =	vadd.f32 v38, v52  }
0x65: {  	v60 =	vsel vm0, $0x1, v5;
	v29 =	vld.idx.msk [tilespmem:v21+s6+$0x0], $0xffff;
	v41 =	vadd.f32 v41, v20;
	v36 =	vadd.f32 v61, v36  }
0x66: {  	v21 =	vadd.s32 v60, v45;
	v31 =	vadd.f32 v31, v32;
	v20 =	vld.idx.msk [tilespmem:v50+s6+$0x0], $0xffff;
	v61 =	vadd.f32 v37, v33  }
0x67: {  	v21 =	vadd.s32 v59, v21;
	v62 =	vadd.f32 v63, v41;
	v36 =	vadd.f32 v23, v36;
	v23 =	vld.idx.msk [tilespmem:v54+s6+$0x0], $0xffff  }
0x68: {  	v63 =	vadd.s32 v57, v21;
	v31 =	vadd.f32 v30, v31;
	v21 =	vld.idx.msk [tilespmem:v46+s6+$0x0], $0xffff;
	v32 =	vadd.f32 v35, v61  }
0x69: {  	s26 =	simm.s32 $0x0;
	s17 =	sadd.s32 $0x500, s21;
	v30 =	vld.idx.msk [tilespmem:v51+s6+$0x0], $0xffff;
	v35 =	vadd.s32 v49, v63;
	v34 =	vadd.f32 v56, v62;
	v33 =	vadd.f32 v58, v36  }
.LBB2_4:
0x6a: {  	v36 =	vld [tilespmem:s17+$0x200];
	v27 =	vadd.s32 v27, v35;
	v15 =	vadd.f32 v15, v31;
	v18 =	vadd.f32 v18, v32  }
0x6b: {  	v31 =	vld [tilespmem:s17+$0x180];
	v26 =	vadd.s32 v26, v27;
	v27 =	vadd.f32 v28, v34;
	v28 =	vadd.f32 v29, v33  }
0x6c: {  	v29 =	vld [tilespmem:s17+$0x100];
	v25 =	vadd.s32 v25, v26;
	v14 =	vadd.f32 v14, v15;
	v15 =	vadd.f32 v17, v18  }
0x6d: {  	v26 =	vld [tilespmem:s17+$0x80];
	v17 =	vadd.s32 v24, v25;
	v18 =	vadd.f32 v20, v27;
	v23 =	vadd.f32 v23, v28  }
0x6e: {  	v24 =	vld [tilespmem:s17+$0x0];
	v17 =	vadd.s32 v22, v17;
	v22 =	vadd.f32 v13, v14;
	v25 =	vadd.f32 v16, v15  }
0x6f: {  	v27 =	vld [tilespmem:s17+$0xFFFFFF80];
	v20 =	vadd.s32 v19, v17;
	v28 =	vadd.f32 v21, v18;
	v30 =	vadd.f32 v30, v23  }
0x70: {  	v19 =	vld [tilespmem:s17+$0xFFFFFF00]  }
0x71: {  	v32 =	vld [tilespmem:s17+$0xFFFFFE80]  }
0x72: {  	v33 =	vld [tilespmem:s17+$0xFFFFFE00]  }
0x73: {  	v34 =	vld [tilespmem:s17+$0xFFFFFD80]  }
0x74: {  	v13 =	vld.idx.msk [tilespmem:v36+s6+$0x0], $0xffff  }
0x75: {  	v14 =	vld.idx.msk [tilespmem:v31+s6+$0x0], $0xffff  }
0x76: {  	v15 =	vld.idx.msk [tilespmem:v29+s6+$0x0], $0xffff  }
0x77: {  	v21 =	vld.idx.msk [tilespmem:v26+s6+$0x0], $0xffff  }
0x78: {  	v23 =	vld.idx.msk [tilespmem:v24+s6+$0x0], $0xffff  }
0x79: {  	v16 =	vadd.s32 $0x2710, v36;
	v35 =	vld.idx.msk [tilespmem:v27+s6+$0x0], $0xffff  }
0x7a: {  	v17 =	vadd.s32 $0x2710, v31;
	v37 =	vld.idx.msk [tilespmem:v19+s6+$0x0], $0xffff  }
0x7b: {  	v18 =	vadd.s32 $0x2710, v29;
	v38 =	vld.idx.msk [tilespmem:v32+s6+$0x0], $0xffff  }
0x7c: {  	v40 =	vadd.s32 $0x2710, v26;
	v39 =	vld.idx.msk [tilespmem:v33+s6+$0x0], $0xffff  }
0x7d: {  	v42 =	vadd.s32 $0x2710, v24;
	v41 =	vld.idx.msk [tilespmem:v34+s6+$0x0], $0xffff  }
0x7e: {  	v43 =	vadd.s32 $0x2710, v27;
	v16 =	vld.idx.msk [tilespmem:v16+s6+$0x0], $0xffff  }
0x7f: {  	s26 =	sadd.s32 $0xA, s26;
	v44 =	vadd.s32 $0x2710, v19;
	v17 =	vld.idx.msk [tilespmem:v17+s6+$0x0], $0xffff  }
0x80: {  	p1 =	slt.u32 s26, $0x28;
	v45 =	vadd.s32 $0x2710, v32;
	v18 =	vld.idx.msk [tilespmem:v18+s6+$0x0], $0xffff  }
0x81: {  	v46 =	vadd.s32 $0x2710, v33;
	v40 =	vld.idx.msk [tilespmem:v40+s6+$0x0], $0xffff  }
0x82: {  	v47 =	vadd.s32 $0x2710, v34;
	v42 =	vld.idx.msk [tilespmem:v42+s6+$0x0], $0xffff  }
0x83: {  	v48 =	vadd.s32 $0x4E20, v34;
	v43 =	vld.idx.msk [tilespmem:v43+s6+$0x0], $0xffff  }
0x84: {  	vm9 =	veq.s32 v36, $0x0;
	v49 =	vadd.s32 $0x7530, v34;
	v44 =	vld.idx.msk [tilespmem:v44+s6+$0x0], $0xffff  }
0x85: {  	vm8 =	veq.s32 v31, $0x0;
	vm6 =	veq.s32 v29, $0x0;
	v50 =	vadd.s32 $0x4E20, v33;
	v45 =	vld.idx.msk [tilespmem:v45+s6+$0x0], $0xffff  }
0x86: {  	vm7 =	veq.s32 v26, $0x0;
	vm4 =	veq.s32 v24, $0x0;
	v51 =	vadd.s32 $0x7530, v33;
	v46 =	vld.idx.msk [tilespmem:v46+s6+$0x0], $0xffff  }
0x87: {  	vm5 =	veq.s32 v27, $0x0;
	vm3 =	veq.s32 v19, $0x0;
	v52 =	vadd.s32 $0x4E20, v32;
	v47 =	vld.idx.msk [tilespmem:v47+s6+$0x0], $0xffff  }
0x88: {  	vm2 =	veq.s32 v32, $0x0;
	vm1 =	veq.s32 v33, $0x0;
	v32 =	vadd.s32 $0x7530, v32;
	v48 =	vld.idx.msk [tilespmem:v48+s6+$0x0], $0xffff  }
0x89: {  	vm0 =	veq.s32 v34, $0x0;
	v34 =	vadd.s32 $0x4E20, v19;
	v33 =	vld.idx.msk [tilespmem:v49+s6+$0x0], $0xffff;
	v49 =	vadd.s32 $0x4E20, v36  }
0x8a: {  	v54 =	vadd.s32 $0x4E20, v31;
	v53 =	vadd.s32 $0x7530, v19;
	v36 =	vadd.s32 $0x7530, v36;
	v50 =	vld.idx.msk [tilespmem:v50+s6+$0x0], $0xffff  }
0x8b: {  	v56 =	vadd.s32 $0x4E20, v29;
	v55 =	vadd.s32 $0x4E20, v27;
	v31 =	vadd.s32 $0x7530, v31;
	v51 =	vld.idx.msk [tilespmem:v51+s6+$0x0], $0xffff  }
0x8c: {  	v57 =	vadd.s32 $0x4E20, v26;
	v29 =	vadd.s32 $0x7530, v29;
	v27 =	vadd.s32 $0x7530, v27;
	v52 =	vld.idx.msk [tilespmem:v52+s6+$0x0], $0xffff  }
0x8d: {  	v60 =	vadd.s32 $0x7530, v26;
	v58 =	vadd.s32 $0x4E20, v24;
	v59 =	vadd.s32 $0x7530, v24;
	v32 =	vld.idx.msk [tilespmem:v32+s6+$0x0], $0xffff  }
0x8e: {  	v19 =	vsel vm9, $0x1, v5;
	v24 =	vadd.f32 v41, v22;
	v25 =	vadd.f32 v47, v25;
	v34 =	vld.idx.msk [tilespmem:v34+s6+$0x0], $0xffff  }
0x8f: {  	v22 =	vsel vm8, $0x1, v5;
	v26 =	vadd.f32 v48, v28;
	v28 =	vadd.f32 v33, v30;
	v30 =	vld.idx.msk [tilespmem:v53+s6+$0x0], $0xffff  }
0x90: {  	v33 =	vadd.f32 v39, v24;
	v39 =	vadd.f32 v46, v25;
	v24 =	vsel vm6, $0x1, v5;
	v41 =	vld.idx.msk [tilespmem:v55+s6+$0x0], $0xffff  }
0x91: {  	v25 =	vsel vm7, $0x1, v5;
	v46 =	vadd.f32 v50, v26;
	v28 =	vadd.f32 v51, v28;
	v47 =	vld.idx.msk [tilespmem:v27+s6+$0x0], $0xffff  }
0x92: {  	v26 =	vsel vm4, $0x1, v5;
	v33 =	vadd.f32 v38, v33;
	v38 =	vadd.f32 v45, v39;
	v39 =	vld.idx.msk [tilespmem:v58+s6+$0x0], $0xffff  }
0x93: {  	v45 =	vadd.f32 v52, v46;
	v27 =	vsel vm5, $0x1, v5;
	v28 =	vadd.f32 v32, v28;
	v32 =	vld.idx.msk [tilespmem:v59+s6+$0x0], $0xffff  }
0x94: {  	v46 =	vsel vm3, $0x1, v5;
	v33 =	vadd.f32 v37, v33;
	v37 =	vadd.f32 v44, v38;
	v38 =	vld.idx.msk [tilespmem:v57+s6+$0x0], $0xffff  }
0x95: {  	v44 =	vsel vm2, $0x1, v5;
	v34 =	vadd.f32 v34, v45;
	v30 =	vadd.f32 v30, v28;
	v45 =	vld.idx.msk [tilespmem:v60+s6+$0x0], $0xffff  }
0x96: {  	v48 =	vsel vm1, $0x1, v5;
	v33 =	vadd.f32 v35, v33;
	v35 =	vadd.f32 v43, v37;
	v28 =	vld.idx.msk [tilespmem:v56+s6+$0x0], $0xffff  }
.Ltmp0:
0x97: {  	v37 =	vsel vm0, $0x1, v5;
	v34 =	vadd.f32 v41, v34;
	v30 =	vadd.f32 v47, v30;
	v29 =	vld.idx.msk [tilespmem:v29+s6+$0x0], $0xffff;
	(pc) =	sbr.rel @p1 .LBB2_4-.Ltmp0, $4  }
0x98: {  	v37 =	vadd.s32 v37, v20;
	v33 =	vadd.f32 v23, v33;
	v35 =	vadd.f32 v42, v35;
	v20 =	vld.idx.msk [tilespmem:v54+s6+$0x0], $0xffff  }
0x99: {  	v37 =	vadd.s32 v48, v37;
	v34 =	vadd.f32 v39, v34;
	v30 =	vadd.f32 v32, v30;
	v23 =	vld.idx.msk [tilespmem:v31+s6+$0x0], $0xffff  }
0x9a: {  	v37 =	vadd.s32 v44, v37;
	v32 =	vadd.f32 v40, v35;
	v31 =	vadd.f32 v21, v33;
	v21 =	vld.idx.msk [tilespmem:v49+s6+$0x0], $0xffff  }
0x9b: {  	s17 =	sadd.s32 $0x500, s17;
	v35 =	vadd.s32 v46, v37;
	v34 =	vadd.f32 v38, v34;
	v33 =	vadd.f32 v45, v30;
	v30 =	vld.idx.msk [tilespmem:v36+s6+$0x0], $0xffff  }
0x9c: {  	v27 =	vadd.s32 v27, v35  }
0x9d: {  	v26 =	vadd.s32 v26, v27  }
0x9e: {  	v25 =	vadd.s32 v25, v26  }
0x9f: {  	v24 =	vadd.s32 v24, v25  }
0xa0: {  	v22 =	vadd.s32 v22, v24  }
0xa1: {  	v19 =	vadd.s32 v19, v22  }
0xa2: {  	v19 =	vcvt.s32.f32 v19;
	_ =	sdelay $0x1  }
0xa3: {  	v58 =	vsub.f32 $5.000000000e+01, v19;
	_ =	sdelay $0x1  }
0xa4: {  	v22 =	vmax.f32 v58, $1.000000000e+00  }
0xa5: {  	(erf) = vrcp.f32 v22;
	_ =	sdelay $0x1  }
0xa6: {  	v15 =	vadd.f32 v15, v31  }
0xa7: {  	v18 =	vadd.f32 v18, v32  }
0xa8: {  	v59 =	vadd.f32 v28, v34;
	v14 =	vadd.f32 v14, v15  }
0xa9: {  	v15 =	vadd.f32 v29, v33;
	v17 =	vadd.f32 v17, v18  }
0xaa: {  	v60 =	vadd.f32 v20, v59;
	v13 =	vadd.f32 v13, v14;
	v14 =	vmul.f32 v19, v9  }
0xab: {  	v15 =	vadd.f32 v23, v15;
	v16 =	vadd.f32 v16, v17;
	v61 =	vmul.f32 v19, v10  }
0xac: {  	v18 =	vadd.f32 v21, v60;
	v13 =	vsub.f32 v13, v14;
	v14 =	vmul.f32 v19, v11  }
0xad: {  	s17 =	sshll.u32 s29, $0x4;
	s29 =	sadd.s32 $0x1, s29;
	v15 =	vadd.f32 v30, v15;
	v63 =	vmul.f32 v19, v12;
	v16 =	vsub.f32 v16, v61;
	v62 =	vpop (erf)  }
0xae: {  	p1 =	sne.s32 s29, $0x8;
	v14 =	vsub.f32 v18, v14;
	v13 =	vmul.f32 v62, v13  }
.Ltmp1:
0xaf: {  	s17 =	sand.u32 $0x3FFFFFF0, s17;
	v15 =	vsub.f32 v15, v63;
	v16 =	vmul.f32 v62, v16;
	(pc) =	sbr.rel @p1 .LBB2_3-.Ltmp1, $4  }
0xb0: {  	[tilespmem:s17+$0xCE40] =	vst v13;
	v13 =	vmul.f32 v62, v14  }
0xb1: {  	[tilespmem:s17+$0xCEC0] =	vst v16;
	v14 =	vmul.f32 v62, v15  }
0xb2: {  	[tilespmem:s17+$0xCF40] =	vst v13  }
0xb3: {  	s21 =	sadd.s32 $0x10, s21;
	[tilespmem:s17+$0xCFC0] =	vst v14  }
0xb4: {  	s17 =	sadd.s32 s28, s12;
	s21 =	simm.s32 $0xCE40  }
0xb5: {  	[spmem:s17] =	stream.linear.scatter [tilespmem:s21], [sflag:$0x3], $0x80, $0x38;
	[tilespmem:$0x1D380] =	vst v63  }
0xb6: {  	s26 =	sadd.s32 s28, s13;
	s29 =	simm.s32 $0xCEC0;
	p1 =	sne.s32 s24, $0x1F  }
0xb7: {  	[spmem:s26] =	stream.linear.scatter [tilespmem:s29], [sflag:$0x3], $0x80, $0x38;
	[tilespmem:$0x1D380] =	vst v63  }
.Ltmp2:
0xb8: {  	_ = 	snop;
	(pc) =	sbr.rel @p1 .LBB2_8-.Ltmp2, $4  }
0xb9: {  	s26 =	sadd.s32 s28, s14;
	s29 =	simm.s32 $0xCF40  }
0xba: {  	[spmem:s26] =	stream.linear.scatter [tilespmem:s29], [sflag:$0x3], $0x80, $0x38;
	[tilespmem:$0x1D380] =	vst v63  }
0xbb: {  	s26 =	sadd.s32 s28, s15;
	s29 =	simm.s32 $0xCFC0  }
0xbc: {  	[spmem:s26] =	stream.linear.scatter [tilespmem:s29], [sflag:$0x3], $0x80, $0x38;
	[tilespmem:$0x1D380] =	vst v63  }
.Ltmp3:
0xbd: {  	(pc) =	sbr.rel .LBB2_9-.Ltmp3, $4  }
0xbe: {  	_ = 	snop  }
0xbf: {  	_ =	swait.ge [sflag:s10], $0x1900  }
0xc0: {  	[sflag:s10] =	ssyncset.done $0x0  }
0xc1: {  	[sflag:s10] =	ssyncadd.s32 $0xFFFFE700  }
.LBB2_8:
0xc2: {  	s17 =	rddreg [dreg:$0xa]  }
0xc3: {  	s17 =	sadd.s32 s28, s17  }
0xc4: {  	s21 =	simm.s32 $0x4000;
	s17 =	sshrl.u32 s17, $0x3  }
.Ltmp4:
0xc5: {  	s26 =	simm.s32 $0x9C40;
	s17 =	sadd.s32 s7, s17;
	(pc) =	sbr.rel @p0 .LBB2_10-.Ltmp4, $4  }
0xc6: {  	[tilespmem:s26], [sflag:$0x1] =	stream.strided.gather [hbm4b:s17+s25], $0x1900, s21, s25, $0x38;
	[tilespmem:$0x1D380] =	vst v63  }
0xc7: {  	_ =	swait.ge [sflag:s10], $0x1900  }
0xc8: {  	[sflag:s10] =	ssyncset.done $0x0  }
0xc9: {  	[sflag:s10] =	ssyncadd.s32 $0xFFFFE700  }
.LBB2_9:
0xca: {  	_ =	swait.ge [sflag:s11], $0x80  }
0xcb: {  	[sflag:s11] =	ssyncset.done $0x0  }
0xcc: {  	[sflag:s11] =	ssyncadd.s32 $0xFFFFFF80  }
0xcd: {  	_ =	swait.ge [sflag:s11], $0x80  }
0xce: {  	[sflag:s11] =	ssyncset.done $0x0  }
0xcf: {  	[sflag:s11] =	ssyncadd.s32 $0xFFFFFF80  }
0xd0: {  	_ =	swait.ge [sflag:s11], $0x80  }
0xd1: {  	[sflag:s11] =	ssyncset.done $0x0  }
0xd2: {  	[sflag:s11] =	ssyncadd.s32 $0xFFFFFF80  }
0xd3: {  	_ =	swait.ge [sflag:s11], $0x80  }
0xd4: {  	[sflag:s11] =	ssyncset.done $0x0  }
0xd5: {  	[sflag:s11] =	ssyncadd.s32 $0xFFFFFF80  }
.LBB2_10:
0xd6: {  	s29 =	simm.s32 $0x0;
	s21 =	simm.s32 $0xB9C0  }
.LBB2_11:
0xd7: {  	v19 =	vld [tilespmem:s21+$0x0]  }
0xd8: {  	v20 =	vld [tilespmem:s21+$0xFFFFFF80]  }
0xd9: {  	v21 =	vld [tilespmem:s21+$0xFFFFFF00]  }
0xda: {  	v22 =	vld [tilespmem:s21+$0xFFFFFE80]  }
0xdb: {  	v23 =	vld [tilespmem:s21+$0xFFFFFE00]  }
0xdc: {  	v24 =	vld [tilespmem:s21+$0xFFFFFD80]  }
0xdd: {  	v25 =	vld [tilespmem:s21+$0xFFFFFD00]  }
0xde: {  	v26 =	vld [tilespmem:s21+$0xFFFFFC80]  }
0xdf: {  	v27 =	vld [tilespmem:s21+$0xFFFFFC00]  }
0xe0: {  	v28 =	vld [tilespmem:s21+$0xFFFFFB80]  }
0xe1: {  	v13 =	vld.idx.msk [tilespmem:v19+s6+$0x0], $0xffff  }
0xe2: {  	v14 =	vld.idx.msk [tilespmem:v20+s6+$0x0], $0xffff  }
0xe3: {  	v15 =	vld.idx.msk [tilespmem:v21+s6+$0x0], $0xffff  }
0xe4: {  	v30 =	vld.idx.msk [tilespmem:v22+s6+$0x0], $0xffff  }
0xe5: {  	v31 =	vld.idx.msk [tilespmem:v23+s6+$0x0], $0xffff  }
0xe6: {  	v16 =	vadd.s32 $0x2710, v19;
	v29 =	vld.idx.msk [tilespmem:v24+s6+$0x0], $0xffff  }
0xe7: {  	v17 =	vadd.s32 $0x2710, v20;
	v32 =	vld.idx.msk [tilespmem:v25+s6+$0x0], $0xffff  }
0xe8: {  	v18 =	vadd.s32 $0x2710, v21;
	v33 =	vld.idx.msk [tilespmem:v26+s6+$0x0], $0xffff  }
0xe9: {  	v35 =	vadd.s32 $0x2710, v22;
	v34 =	vld.idx.msk [tilespmem:v27+s6+$0x0], $0xffff  }
0xea: {  	v37 =	vadd.s32 $0x2710, v23;
	v36 =	vld.idx.msk [tilespmem:v28+s6+$0x0], $0xffff  }
0xeb: {  	v38 =	vadd.s32 $0x2710, v24;
	v16 =	vld.idx.msk [tilespmem:v16+s6+$0x0], $0xffff  }
0xec: {  	v39 =	vadd.s32 $0x2710, v25;
	v17 =	vld.idx.msk [tilespmem:v17+s6+$0x0], $0xffff  }
0xed: {  	v40 =	vadd.s32 $0x2710, v26;
	v18 =	vld.idx.msk [tilespmem:v18+s6+$0x0], $0xffff  }
0xee: {  	v41 =	vadd.s32 $0x2710, v27;
	v35 =	vld.idx.msk [tilespmem:v35+s6+$0x0], $0xffff  }
0xef: {  	v42 =	vadd.s32 $0x2710, v28;
	v37 =	vld.idx.msk [tilespmem:v37+s6+$0x0], $0xffff  }
0xf0: {  	v43 =	vimm.f32 $0.0e+00;
	v44 =	vadd.s32 $0x4E20, v28;
	v38 =	vld.idx.msk [tilespmem:v38+s6+$0x0], $0xffff  }
0xf1: {  	v45 =	vimm.s32 $0x0;
	v46 =	vadd.s32 $0x7530, v28;
	vm8 =	veq.s32 v19, $0x0;
	v39 =	vld.idx.msk [tilespmem:v39+s6+$0x0], $0xffff  }
0xf2: {  	v47 =	vadd.s32 $0x4E20, v27;
	vm6 =	veq.s32 v21, $0x0;
	vm9 =	veq.s32 v20, $0x0;
	v40 =	vld.idx.msk [tilespmem:v40+s6+$0x0], $0xffff  }
0xf3: {  	v48 =	vadd.s32 $0x7530, v27;
	vm4 =	veq.s32 v23, $0x0;
	vm7 =	veq.s32 v22, $0x0;
	v41 =	vld.idx.msk [tilespmem:v41+s6+$0x0], $0xffff  }
0xf4: {  	v49 =	vadd.s32 $0x4E20, v26;
	vm2 =	veq.s32 v25, $0x0;
	vm5 =	veq.s32 v24, $0x0;
	v42 =	vld.idx.msk [tilespmem:v42+s6+$0x0], $0xffff  }
0xf5: {  	vm1 =	veq.s32 v27, $0x0;
	vm3 =	veq.s32 v26, $0x0;
	v63 =	vadd.s32 $0x7530, v24;
	v44 =	vld.idx.msk [tilespmem:v44+s6+$0x0], $0xffff  }
0xf6: {  	vm0 =	veq.s32 v28, $0x0;
	v50 =	vadd.s32 $0x4E20, v20;
	v26 =	vadd.s32 $0x7530, v26;
	v27 =	vld.idx.msk [tilespmem:v46+s6+$0x0], $0xffff  }
0xf7: {  	v51 =	vadd.s32 $0x7530, v19;
	v52 =	vadd.s32 $0x4E20, v24;
	v28 =	vadd.s32 $0x4E20, v25;
	v47 =	vld.idx.msk [tilespmem:v47+s6+$0x0], $0xffff  }
0xf8: {  	v53 =	vadd.s32 $0x4E20, v21;
	v54 =	vadd.s32 $0x7530, v20;
	v25 =	vadd.s32 $0x7530, v25;
	v48 =	vld.idx.msk [tilespmem:v48+s6+$0x0], $0xffff  }
0xf9: {  	v55 =	vadd.s32 $0x4E20, v22;
	v57 =	vadd.s32 $0x4E20, v23;
	v58 =	vadd.s32 $0x7530, v22;
	v20 =	vld.idx.msk [tilespmem:v49+s6+$0x0], $0xffff  }
0xfa: {  	v21 =	vadd.s32 $0x7530, v21;
	v23 =	vadd.s32 $0x7530, v23;
	v22 =	vsel vm9, $0x1, v5;
	v61 =	vld.idx.msk [tilespmem:v63+s6+$0x0], $0xffff  }
0xfb: {  	v46 =	vadd.s32 $0x4E20, v19;
	v56 =	vld.idx.msk [tilespmem:v26+s6+$0x0], $0xffff;
	v24 =	vadd.f32 v36, v43;
	v26 =	vadd.f32 v42, v43  }
0xfc: {  	v19 =	vsel vm8, $0x1, v5;
	v28 =	vld.idx.msk [tilespmem:v28+s6+$0x0], $0xffff;
	v59 =	vadd.f32 v44, v43;
	v27 =	vadd.f32 v27, v43  }
0xfd: {  	v49 =	vsel vm2, $0x1, v5;
	v60 =	vld.idx.msk [tilespmem:v25+s6+$0x0], $0xffff;
	v34 =	vadd.f32 v34, v24;
	v26 =	vadd.f32 v41, v26  }
0xfe: {  	v63 =	vld.idx.msk [tilespmem:v57+s6+$0x0], $0xffff;
	v57 =	vsel vm3, $0x1, v5;
	v36 =	vadd.f32 v47, v59;
	v27 =	vadd.f32 v48, v27  }
0xff: {  	v25 =	vsel vm7, $0x1, v5;
	v41 =	vld.idx.msk [tilespmem:v52+s6+$0x0], $0xffff;
	v33 =	vadd.f32 v33, v34;
	v62 =	vadd.f32 v40, v26  }
0x100: {  	v58 =	vld.idx.msk [tilespmem:v58+s6+$0x0], $0xffff;
	v24 =	vsel vm6, $0x1, v5;
	v20 =	vadd.f32 v20, v36;
	v48 =	vadd.f32 v56, v27  }
0x101: {  	v23 =	vld.idx.msk [tilespmem:v23+s6+$0x0], $0xffff;
	v59 =	vsel vm1, $0x1, v5;
	v32 =	vadd.f32 v32, v33;
	v52 =	vadd.f32 v39, v62  }
0x102: {  	v26 =	vsel vm4, $0x1, v5;
	v56 =	vld.idx.msk [tilespmem:v55+s6+$0x0], $0xffff;
	v20 =	vadd.f32 v28, v20;
	v36 =	vadd.f32 v60, v48  }
0x103: {  	v27 =	vsel vm5, $0x1, v5;
	v32 =	vadd.f32 v29, v32;
	v28 =	vld.idx.msk [tilespmem:v53+s6+$0x0], $0xffff;
	v33 =	vadd.f32 v38, v52  }
0x104: {  	v60 =	vsel vm0, $0x1, v5;
	v29 =	vld.idx.msk [tilespmem:v21+s6+$0x0], $0xffff;
	v41 =	vadd.f32 v41, v20;
	v36 =	vadd.f32 v61, v36  }
0x105: {  	v21 =	vadd.s32 v60, v45;
	v31 =	vadd.f32 v31, v32;
	v20 =	vld.idx.msk [tilespmem:v50+s6+$0x0], $0xffff;
	v61 =	vadd.f32 v37, v33  }
0x106: {  	v21 =	vadd.s32 v59, v21;
	v62 =	vadd.f32 v63, v41;
	v36 =	vadd.f32 v23, v36;
	v23 =	vld.idx.msk [tilespmem:v54+s6+$0x0], $0xffff  }
0x107: {  	v63 =	vadd.s32 v57, v21;
	v31 =	vadd.f32 v30, v31;
	v21 =	vld.idx.msk [tilespmem:v46+s6+$0x0], $0xffff;
	v32 =	vadd.f32 v35, v61  }
0x108: {  	s26 =	simm.s32 $0x0;
	s17 =	sadd.s32 $0x500, s21;
	v30 =	vld.idx.msk [tilespmem:v51+s6+$0x0], $0xffff;
	v35 =	vadd.s32 v49, v63;
	v34 =	vadd.f32 v56, v62;
	v33 =	vadd.f32 v58, v36  }
.LBB2_12:
0x109: {  	v36 =	vld [tilespmem:s17+$0x0];
	v27 =	vadd.s32 v27, v35;
	v15 =	vadd.f32 v15, v31;
	v18 =	vadd.f32 v18, v32  }
0x10a: {  	v31 =	vld [tilespmem:s17+$0xFFFFFF80];
	v26 =	vadd.s32 v26, v27;
	v27 =	vadd.f32 v28, v34;
	v28 =	vadd.f32 v29, v33  }
0x10b: {  	v29 =	vld [tilespmem:s17+$0xFFFFFF00];
	v25 =	vadd.s32 v25, v26;
	v14 =	vadd.f32 v14, v15;
	v15 =	vadd.f32 v17, v18  }
0x10c: {  	v26 =	vld [tilespmem:s17+$0xFFFFFE80];
	v17 =	vadd.s32 v24, v25;
	v18 =	vadd.f32 v20, v27;
	v23 =	vadd.f32 v23, v28  }
0x10d: {  	v24 =	vld [tilespmem:s17+$0xFFFFFE00];
	v17 =	vadd.s32 v22, v17;
	v22 =	vadd.f32 v13, v14;
	v25 =	vadd.f32 v16, v15  }
0x10e: {  	v27 =	vld [tilespmem:s17+$0xFFFFFD80];
	v20 =	vadd.s32 v19, v17;
	v28 =	vadd.f32 v21, v18;
	v30 =	vadd.f32 v30, v23  }
0x10f: {  	v19 =	vld [tilespmem:s17+$0xFFFFFD00]  }
0x110: {  	v32 =	vld [tilespmem:s17+$0xFFFFFC80]  }
0x111: {  	v33 =	vld [tilespmem:s17+$0xFFFFFC00]  }
0x112: {  	v34 =	vld [tilespmem:s17+$0xFFFFFB80]  }
0x113: {  	v13 =	vld.idx.msk [tilespmem:v36+s6+$0x0], $0xffff  }
0x114: {  	v14 =	vld.idx.msk [tilespmem:v31+s6+$0x0], $0xffff  }
0x115: {  	v15 =	vld.idx.msk [tilespmem:v29+s6+$0x0], $0xffff  }
0x116: {  	v21 =	vld.idx.msk [tilespmem:v26+s6+$0x0], $0xffff  }
0x117: {  	v23 =	vld.idx.msk [tilespmem:v24+s6+$0x0], $0xffff  }
0x118: {  	v16 =	vadd.s32 $0x2710, v36;
	v35 =	vld.idx.msk [tilespmem:v27+s6+$0x0], $0xffff  }
0x119: {  	v17 =	vadd.s32 $0x2710, v31;
	v37 =	vld.idx.msk [tilespmem:v19+s6+$0x0], $0xffff  }
0x11a: {  	v18 =	vadd.s32 $0x2710, v29;
	v38 =	vld.idx.msk [tilespmem:v32+s6+$0x0], $0xffff  }
0x11b: {  	v40 =	vadd.s32 $0x2710, v26;
	v39 =	vld.idx.msk [tilespmem:v33+s6+$0x0], $0xffff  }
0x11c: {  	v42 =	vadd.s32 $0x2710, v24;
	v41 =	vld.idx.msk [tilespmem:v34+s6+$0x0], $0xffff  }
0x11d: {  	v43 =	vadd.s32 $0x2710, v27;
	v16 =	vld.idx.msk [tilespmem:v16+s6+$0x0], $0xffff  }
0x11e: {  	s26 =	sadd.s32 $0xA, s26;
	v44 =	vadd.s32 $0x2710, v19;
	v17 =	vld.idx.msk [tilespmem:v17+s6+$0x0], $0xffff  }
0x11f: {  	p0 =	slt.u32 s26, $0x28;
	v45 =	vadd.s32 $0x2710, v32;
	v18 =	vld.idx.msk [tilespmem:v18+s6+$0x0], $0xffff  }
0x120: {  	v46 =	vadd.s32 $0x2710, v33;
	v40 =	vld.idx.msk [tilespmem:v40+s6+$0x0], $0xffff  }
0x121: {  	v47 =	vadd.s32 $0x2710, v34;
	v42 =	vld.idx.msk [tilespmem:v42+s6+$0x0], $0xffff  }
0x122: {  	v48 =	vadd.s32 $0x4E20, v34;
	v43 =	vld.idx.msk [tilespmem:v43+s6+$0x0], $0xffff  }
0x123: {  	vm9 =	veq.s32 v36, $0x0;
	v49 =	vadd.s32 $0x7530, v34;
	v44 =	vld.idx.msk [tilespmem:v44+s6+$0x0], $0xffff  }
0x124: {  	vm8 =	veq.s32 v31, $0x0;
	vm6 =	veq.s32 v29, $0x0;
	v50 =	vadd.s32 $0x4E20, v33;
	v45 =	vld.idx.msk [tilespmem:v45+s6+$0x0], $0xffff  }
0x125: {  	vm7 =	veq.s32 v26, $0x0;
	vm4 =	veq.s32 v24, $0x0;
	v51 =	vadd.s32 $0x7530, v33;
	v46 =	vld.idx.msk [tilespmem:v46+s6+$0x0], $0xffff  }
0x126: {  	vm5 =	veq.s32 v27, $0x0;
	vm3 =	veq.s32 v19, $0x0;
	v52 =	vadd.s32 $0x4E20, v32;
	v47 =	vld.idx.msk [tilespmem:v47+s6+$0x0], $0xffff  }
0x127: {  	vm2 =	veq.s32 v32, $0x0;
	vm1 =	veq.s32 v33, $0x0;
	v32 =	vadd.s32 $0x7530, v32;
	v48 =	vld.idx.msk [tilespmem:v48+s6+$0x0], $0xffff  }
0x128: {  	vm0 =	veq.s32 v34, $0x0;
	v34 =	vadd.s32 $0x4E20, v19;
	v33 =	vld.idx.msk [tilespmem:v49+s6+$0x0], $0xffff;
	v49 =	vadd.s32 $0x4E20, v36  }
0x129: {  	v54 =	vadd.s32 $0x4E20, v31;
	v53 =	vadd.s32 $0x7530, v19;
	v36 =	vadd.s32 $0x7530, v36;
	v50 =	vld.idx.msk [tilespmem:v50+s6+$0x0], $0xffff  }
0x12a: {  	v56 =	vadd.s32 $0x4E20, v29;
	v55 =	vadd.s32 $0x4E20, v27;
	v31 =	vadd.s32 $0x7530, v31;
	v51 =	vld.idx.msk [tilespmem:v51+s6+$0x0], $0xffff  }
0x12b: {  	v57 =	vadd.s32 $0x4E20, v26;
	v29 =	vadd.s32 $0x7530, v29;
	v27 =	vadd.s32 $0x7530, v27;
	v52 =	vld.idx.msk [tilespmem:v52+s6+$0x0], $0xffff  }
0x12c: {  	v60 =	vadd.s32 $0x7530, v26;
	v58 =	vadd.s32 $0x4E20, v24;
	v59 =	vadd.s32 $0x7530, v24;
	v32 =	vld.idx.msk [tilespmem:v32+s6+$0x0], $0xffff  }
0x12d: {  	v19 =	vsel vm9, $0x1, v5;
	v24 =	vadd.f32 v41, v22;
	v25 =	vadd.f32 v47, v25;
	v34 =	vld.idx.msk [tilespmem:v34+s6+$0x0], $0xffff  }
0x12e: {  	v22 =	vsel vm8, $0x1, v5;
	v26 =	vadd.f32 v48, v28;
	v28 =	vadd.f32 v33, v30;
	v30 =	vld.idx.msk [tilespmem:v53+s6+$0x0], $0xffff  }
0x12f: {  	v33 =	vadd.f32 v39, v24;
	v39 =	vadd.f32 v46, v25;
	v24 =	vsel vm6, $0x1, v5;
	v41 =	vld.idx.msk [tilespmem:v55+s6+$0x0], $0xffff  }
0x130: {  	v25 =	vsel vm7, $0x1, v5;
	v46 =	vadd.f32 v50, v26;
	v28 =	vadd.f32 v51, v28;
	v47 =	vld.idx.msk [tilespmem:v27+s6+$0x0], $0xffff  }
0x131: {  	v26 =	vsel vm4, $0x1, v5;
	v33 =	vadd.f32 v38, v33;
	v38 =	vadd.f32 v45, v39;
	v39 =	vld.idx.msk [tilespmem:v58+s6+$0x0], $0xffff  }
0x132: {  	v45 =	vadd.f32 v52, v46;
	v27 =	vsel vm5, $0x1, v5;
	v28 =	vadd.f32 v32, v28;
	v32 =	vld.idx.msk [tilespmem:v59+s6+$0x0], $0xffff  }
0x133: {  	v46 =	vsel vm3, $0x1, v5;
	v33 =	vadd.f32 v37, v33;
	v37 =	vadd.f32 v44, v38;
	v38 =	vld.idx.msk [tilespmem:v57+s6+$0x0], $0xffff  }
0x134: {  	v44 =	vsel vm2, $0x1, v5;
	v34 =	vadd.f32 v34, v45;
	v30 =	vadd.f32 v30, v28;
	v45 =	vld.idx.msk [tilespmem:v60+s6+$0x0], $0xffff  }
0x135: {  	v48 =	vsel vm1, $0x1, v5;
	v33 =	vadd.f32 v35, v33;
	v35 =	vadd.f32 v43, v37;
	v28 =	vld.idx.msk [tilespmem:v56+s6+$0x0], $0xffff  }
.Ltmp5:
0x136: {  	v37 =	vsel vm0, $0x1, v5;
	v34 =	vadd.f32 v41, v34;
	v30 =	vadd.f32 v47, v30;
	v29 =	vld.idx.msk [tilespmem:v29+s6+$0x0], $0xffff;
	(pc) =	sbr.rel @p0 .LBB2_12-.Ltmp5, $4  }
0x137: {  	v37 =	vadd.s32 v37, v20;
	v33 =	vadd.f32 v23, v33;
	v35 =	vadd.f32 v42, v35;
	v20 =	vld.idx.msk [tilespmem:v54+s6+$0x0], $0xffff  }
0x138: {  	v37 =	vadd.s32 v48, v37;
	v34 =	vadd.f32 v39, v34;
	v30 =	vadd.f32 v32, v30;
	v23 =	vld.idx.msk [tilespmem:v31+s6+$0x0], $0xffff  }
0x139: {  	v37 =	vadd.s32 v44, v37;
	v32 =	vadd.f32 v40, v35;
	v31 =	vadd.f32 v21, v33;
	v21 =	vld.idx.msk [tilespmem:v49+s6+$0x0], $0xffff  }
0x13a: {  	s17 =	sadd.s32 $0x500, s17;
	v35 =	vadd.s32 v46, v37;
	v34 =	vadd.f32 v38, v34;
	v33 =	vadd.f32 v45, v30;
	v30 =	vld.idx.msk [tilespmem:v36+s6+$0x0], $0xffff  }
0x13b: {  	v27 =	vadd.s32 v27, v35  }
0x13c: {  	v26 =	vadd.s32 v26, v27  }
0x13d: {  	v25 =	vadd.s32 v25, v26  }
0x13e: {  	v24 =	vadd.s32 v24, v25  }
0x13f: {  	v22 =	vadd.s32 v22, v24  }
0x140: {  	v19 =	vadd.s32 v19, v22  }
0x141: {  	v19 =	vcvt.s32.f32 v19;
	_ =	sdelay $0x1  }
0x142: {  	v58 =	vsub.f32 $5.000000000e+01, v19;
	_ =	sdelay $0x1  }
0x143: {  	v22 =	vmax.f32 v58, $1.000000000e+00  }
0x144: {  	(erf) = vrcp.f32 v22;
	_ =	sdelay $0x1  }
0x145: {  	v15 =	vadd.f32 v15, v31  }
0x146: {  	v18 =	vadd.f32 v18, v32  }
0x147: {  	v59 =	vadd.f32 v28, v34;
	v14 =	vadd.f32 v14, v15  }
0x148: {  	v15 =	vadd.f32 v29, v33;
	v17 =	vadd.f32 v17, v18  }
0x149: {  	v60 =	vadd.f32 v20, v59;
	v13 =	vadd.f32 v13, v14;
	v14 =	vmul.f32 v19, v9  }
0x14a: {  	v15 =	vadd.f32 v23, v15;
	v16 =	vadd.f32 v16, v17;
	v61 =	vmul.f32 v19, v10  }
0x14b: {  	v18 =	vadd.f32 v21, v60;
	v13 =	vsub.f32 v13, v14;
	v14 =	vmul.f32 v19, v11  }
0x14c: {  	s17 =	sshll.u32 s29, $0x4;
	s29 =	sadd.s32 $0x1, s29;
	v15 =	vadd.f32 v30, v15;
	v63 =	vmul.f32 v19, v12;
	v16 =	vsub.f32 v16, v61;
	v62 =	vpop (erf)  }
0x14d: {  	p0 =	sne.s32 s29, $0x8;
	v14 =	vsub.f32 v18, v14;
	v13 =	vmul.f32 v62, v13  }
.Ltmp6:
0x14e: {  	s17 =	sand.u32 $0x3FFFFFF0, s17;
	v15 =	vsub.f32 v15, v63;
	v16 =	vmul.f32 v62, v16;
	(pc) =	sbr.rel @p0 .LBB2_11-.Ltmp6, $4  }
0x14f: {  	[tilespmem:s17+$0xD040] =	vst v13;
	v13 =	vmul.f32 v62, v14  }
0x150: {  	[tilespmem:s17+$0xD0C0] =	vst v16;
	v14 =	vmul.f32 v62, v15  }
0x151: {  	[tilespmem:s17+$0xD140] =	vst v13  }
0x152: {  	s21 =	sadd.s32 $0x10, s21;
	[tilespmem:s17+$0xD1C0] =	vst v14  }
0x153: {  	s17 =	sor.u32 $0x80, s28  }
0x154: {  	s26 =	simm.s32 $0xD040;
	s21 =	sadd.s32 s17, s12  }
0x155: {  	[spmem:s21] =	stream.linear.scatter [tilespmem:s26], [sflag:$0x4], $0x80, $0x38;
	[tilespmem:$0x1D380] =	vst v63  }
0x156: {  	s29 =	simm.s32 $0xD0C0;
	p0 =	seq.s32 s24, $0x1F;
	s26 =	sadd.s32 s17, s13  }
0x157: {  	[spmem:s26] =	stream.linear.scatter [tilespmem:s29], [sflag:$0x4], $0x80, $0x38;
	[tilespmem:$0x1D380] =	vst v63  }
.Ltmp7:
0x158: {  	_ = 	snop;
	(pc) =	sbr.rel @p0 .LBB2_16-.Ltmp7, $4  }
0x159: {  	s26 =	sadd.s32 s17, s14;
	s29 =	simm.s32 $0xD140  }
0x15a: {  	[spmem:s26] =	stream.linear.scatter [tilespmem:s29], [sflag:$0x4], $0x80, $0x38;
	[tilespmem:$0x1D380] =	vst v63  }
0x15b: {  	s17 =	sadd.s32 s17, s15;
	s29 =	simm.s32 $0xD1C0  }
0x15c: {  	[spmem:s17] =	stream.linear.scatter [tilespmem:s29], [sflag:$0x4], $0x80, $0x38;
	[tilespmem:$0x1D380] =	vst v63  }
.Ltmp8:
0x15d: {  	s17 =	rddreg [dreg:$0xb];
	(pc) =	sbr.rel .LBB2_2-.Ltmp8, $4  }
0x15e: {  	s17 =	sadd.s32 s28, s17  }
0x15f: {  	s21 =	simm.s32 $0x4000;
	s17 =	sshrl.u32 s17, $0x3  }
0x160: {  	s26 =	simm.s32 $0xB540;
	s24 =	sadd.s32 $0x1, s24;
	s17 =	sadd.s32 s7, s17  }
0x161: {  	[tilespmem:s26], [sflag:$0x2] =	stream.strided.gather [hbm4b:s17+s25], $0x1900, s21, s25, $0x38;
	[tilespmem:$0x1D380] =	vst v63  }
.LBB2_16:
0x162: {  	s17 =	simm.s32 $0x3  }
0x163: {  	_ =	swait.ge [sflag:s17], $0x80  }
0x164: {  	[sflag:s17] =	ssyncset.done $0x0  }
0x165: {  	[sflag:s17] =	ssyncadd.s32 $0xFFFFFF80  }
0x166: {  	_ =	swait.ge [sflag:s17], $0x80  }
0x167: {  	[sflag:s17] =	ssyncset.done $0x0  }
0x168: {  	[sflag:s17] =	ssyncadd.s32 $0xFFFFFF80  }
0x169: {  	_ =	swait.ge [sflag:s17], $0x80  }
0x16a: {  	[sflag:s17] =	ssyncset.done $0x0  }
0x16b: {  	[sflag:s17] =	ssyncadd.s32 $0xFFFFFF80  }
0x16c: {  	_ =	swait.ge [sflag:s17], $0x80  }
0x16d: {  	[sflag:s17] =	ssyncset.done $0x0  }
0x16e: {  	[sflag:s17] =	ssyncadd.s32 $0xFFFFFF80  }
0x16f: {  	_ =	swait.ge [sflag:s11], $0x80  }
0x170: {  	[sflag:s11] =	ssyncset.done $0x0  }
0x171: {  	[sflag:s11] =	ssyncadd.s32 $0xFFFFFF80  }
0x172: {  	_ =	swait.ge [sflag:s11], $0x80  }
0x173: {  	[sflag:s11] =	ssyncset.done $0x0  }
0x174: {  	[sflag:s11] =	ssyncadd.s32 $0xFFFFFF80  }
0x175: {  	_ =	swait.ge [sflag:s11], $0x80  }
0x176: {  	[sflag:s11] =	ssyncset.done $0x0  }
0x177: {  	[sflag:s11] =	ssyncadd.s32 $0xFFFFFF80  }
0x178: {  	_ =	swait.ge [sflag:s11], $0x80  }
0x179: {  	[sflag:s11] =	ssyncset.done $0x0  }
0x17a: {  	[sflag:s11] =	ssyncadd.s32 $0xFFFFFF80  }
0x17b: {  	s21 =	simm.s32 $0x0;
	s17 =	simm.s32 $0x0;
	[bflag:$0x0] =	sbarrier.arrive $0xFFFF  }
.LBB2_17:
0x17c: {  	s26 =	sshll.u32 s21, $0x7  }
0x17d: {  	s24 =	sor.u32 s26, s18  }
0x17e: {  	s29 =	rddreg [dreg:$0x1];
	s28 =	sshrl.u32 s24, $0x3  }
0x17f: {  	s29 =	sadd.s32 s29, s28  }
0x180: {  	[tilespmem:s1], [sflag:$0x7] =	stream.linear.gather [hbm4b:s29+s17], $0x80, $0x38;
	[tilespmem:$0x1D380] =	vst v63  }
0x181: {  	_ =	swait.ge [sflag:s23], $0x80  }
0x182: {  	[sflag:s23] =	ssyncset.done $0x0  }
0x183: {  	[sflag:s23] =	ssyncadd.s32 $0xFFFFFF80  }
0x184: {  	s29 =	rddreg [dreg:$0x2]  }
0x185: {  	s28 =	sadd.s32 s29, s28  }
0x186: {  	[tilespmem:s2], [sflag:$0x7] =	stream.linear.gather [hbm4b:s28+s17], $0x80, $0x38;
	[tilespmem:$0x1D380] =	vst v63  }
0x187: {  	_ =	swait.ge [sflag:s23], $0x80  }
0x188: {  	[sflag:s23] =	ssyncset.done $0x0  }
0x189: {  	v9 =	vmov s17;
	[sflag:s23] =	ssyncadd.s32 $0xFFFFFF80  }
0x18a: {  	v9 =	vand.u32 $0x7F, v9;
	[tilespmem:s5], [sflag:$0x5] =	stream.indirect.gather [hbm4b:s8+s25], $0x40, s1, s25, $0xb8;
	[tilespmem:$0x1D380] =	vst v63  }
0x18b: {  	v9 =	vbroadcast v9, $0x0  }
0x18c: {  	[tilespmem:s16], [sflag:$0x5] =	stream.indirect.gather [hbm4b:s8+s25], $0x40, s2, s25, $0xb8;
	[tilespmem:$0x1D380] =	vst v63  }
0x18d: {  	s26 =	sadd.s32 s26, s19;
	v10 =	vor.u32 v2, v9;
	s28 =	simm.s32 $0x2000  }
0x18e: {  	[tilespmem:s31], [sflag:$0x7] =	stream.strided.gather [spmem:s26], $0x2000, s28, s25, $0x38;
	[tilespmem:$0x1D380] =	vst v63  }
0x18f: {  	_ =	swait.ge [sflag:s23], $0x2000  }
0x190: {  	[sflag:s23] =	ssyncset.done $0x0  }
0x191: {  	[sflag:s23] =	ssyncadd.s32 $0xFFFFE000  }
0x192: {  	v10 =	vld.idx.msk [tilespmem:v10+s31+$0x0], $0xffff  }
0x193: {  	v11 =	vor.u32 v6, v9;
	_ =	sdelay $0x2  }
0x194: {  	s26 =	simm.s32 $0xF260  }
0x195: {  	[tilespmem:s26+$0xFFFFFFE0] =	vst v10  }
0x196: {  	v10 =	vld.idx.msk [tilespmem:v11+s31+$0x0], $0xffff  }
0x197: {  	v11 =	vor.u32 v7, v9;
	_ =	sdelay $0x3  }
0x198: {  	[tilespmem:s26+$0xFFFFFFF0] =	vst v10  }
0x199: {  	v10 =	vld.idx.msk [tilespmem:v11+s31+$0x0], $0xffff  }
0x19a: {  	v9 =	vor.u32 v8, v9;
	_ =	sdelay $0x1  }
0x19b: {  	s28 =	simm.s32 $0x1  }
0x19c: {  	v11 =	vmov s28;
	s28 =	simm.s32 $0x2  }
.LBB2_18:
0x19d: {  	p0 =	sne.s32 s28, $0x7F;
	v11 =	vand.u32 $0x7F, v11;
	[tilespmem:s26+$0x0] =	vst v10  }
0x19e: {  	v11 =	vbroadcast v11, $0x0;
	v9 =	vld.idx.msk [tilespmem:v9+s31+$0x0], $0xffff;
	_ =	sdelay $0x1  }
0x19f: {  	v10 =	vor.u32 v2, v11;
	_ =	sdelay $0x3  }
0x1a0: {  	[tilespmem:s26+$0x10] =	vst v9  }
0x1a1: {  	v9 =	vld.idx.msk [tilespmem:v10+s31+$0x0], $0xffff;
	_ =	sdelay $0x1  }
0x1a2: {  	v10 =	vor.u32 v6, v11;
	_ =	sdelay $0x2  }
0x1a3: {  	s26 =	sadd.s32 $0x40, s26  }
0x1a4: {  	[tilespmem:s26+$0xFFFFFFE0] =	vst v9  }
0x1a5: {  	v9 =	vld.idx.msk [tilespmem:v10+s31+$0x0], $0xffff;
	_ =	sdelay $0x1  }
0x1a6: {  	v10 =	vor.u32 v7, v11;
	_ =	sdelay $0x3  }
0x1a7: {  	[tilespmem:s26+$0xFFFFFFF0] =	vst v9  }
0x1a8: {  	v10 =	vld.idx.msk [tilespmem:v10+s31+$0x0], $0xffff  }
.Ltmp9:
0x1a9: {  	(pc) =	sbr.rel @p0 .LBB2_18-.Ltmp9, $2  }
0x1aa: {  	v9 =	vor.u32 v8, v11;
	_ =	sdelay $0x2  }
0x1ab: {  	v11 =	vmov s28;
	s28 =	sadd.s32 $0x1, s28  }
0x1ac: {  	_ =	sdelay $0x1  }
0x1ad: {  	v11 =	vand.u32 $0x7F, v11  }
0x1ae: {  	[tilespmem:s26+$0x0] =	vst v10;
	v10 =	vbroadcast v11, $0x0  }
0x1af: {  	v9 =	vld.idx.msk [tilespmem:v9+s31+$0x0], $0xffff  }
0x1b0: {  	v11 =	vor.u32 v2, v10;
	_ =	sdelay $0x3  }
0x1b1: {  	[tilespmem:s26+$0x10] =	vst v9  }
0x1b2: {  	v9 =	vld.idx.msk [tilespmem:v11+s31+$0x0], $0xffff  }
0x1b3: {  	v11 =	vor.u32 v6, v10;
	_ =	sdelay $0x2  }
0x1b4: {  	s29 =	sadd.s32 $0x40, s26  }
0x1b5: {  	[tilespmem:s29+$0xFFFFFFE0] =	vst v9  }
0x1b6: {  	v9 =	vld.idx.msk [tilespmem:v11+s31+$0x0], $0xffff  }
0x1b7: {  	v11 =	vor.u32 v7, v10;
	_ =	sdelay $0x3  }
0x1b8: {  	[tilespmem:s29+$0xFFFFFFF0] =	vst v9  }
0x1b9: {  	v9 =	vld.idx.msk [tilespmem:v11+s31+$0x0], $0xffff  }
0x1ba: {  	v10 =	vor.u32 v8, v10;
	_ =	sdelay $0x3  }
0x1bb: {  	[tilespmem:s29+$0x0] =	vst v9  }
0x1bc: {  	v9 =	vld.idx.msk [tilespmem:v10+s31+$0x0], $0xffff;
	_ =	sdelay $0x4  }
0x1bd: {  	[tilespmem:s29+$0x10] =	vst v9  }
0x1be: {  	_ =	swait.ge [sflag:s0], $0x2000  }
0x1bf: {  	[sflag:s0] =	ssyncset.done $0x0  }
0x1c0: {  	[sflag:s0] =	ssyncadd.s32 $0xFFFFE000  }
0x1c1: {  	_ =	swait.ge [sflag:s0], $0x2000  }
0x1c2: {  	[sflag:s0] =	ssyncset.done $0x0  }
0x1c3: {  	s24 =	smul.u32 $0x18, s24;
	[sflag:s0] =	ssyncadd.s32 $0xFFFFE000  }
0x1c4: {  	s28 =	rddreg [dreg:$0x4]  }
0x1c5: {  	s26 =	sadd.s32 s28, s24;
	s28 =	simm.s32 $0xF240  }
0x1c6: {  	[hbm4b:s26+s4] =	stream.strided.scatter [tilespmem:s28], [sflag:$0x6], $0x2000, s3, s4, $0x38;
	[tilespmem:$0x1D380] =	vst v63  }
0x1c7: {  	s29 =	sadd.s32 s24, s20  }
0x1c8: {  	[hbm4b:s29+s4] =	stream.strided.scatter [tilespmem:s5], [sflag:$0x6], $0x2000, s3, s4, $0x38;
	[tilespmem:$0x1D380] =	vst v63  }
0x1c9: {  	s24 =	sadd.s32 s24, s22  }
0x1ca: {  	[hbm4b:s24+s4] =	stream.strided.scatter [tilespmem:s16], [sflag:$0x6], $0x2000, s3, s4, $0x38;
	[tilespmem:$0x1D380] =	vst v63  }
0x1cb: {  	_ =	swait.ge [sflag:s9], $0x2000  }
0x1cc: {  	[sflag:s9] =	ssyncset.done $0x0  }
0x1cd: {  	s21 =	sadd.s32 $0x1, s21;
	[sflag:s9] =	ssyncadd.s32 $0xFFFFE000  }
0x1ce: {  	p0 =	sne.s32 s21, $0x4;
	_ =	swait.ge [sflag:s9], $0x2000  }
.Ltmp10:
0x1cf: {  	[sflag:s9] =	ssyncset.done $0x0;
	(pc) =	sbr.rel @p0 .LBB2_17-.Ltmp10, $4  }
0x1d0: {  	[sflag:s9] =	ssyncadd.s32 $0xFFFFE000  }
0x1d1: {  	_ =	swait.ge [sflag:s9], $0x2000  }
0x1d2: {  	[sflag:s9] =	ssyncset.done $0x0  }
0x1d3: {  	[sflag:s9] =	ssyncadd.s32 $0xFFFFE000  }
0x1d4: {  	s21 =	rddreg [dreg:$0xd]  }
0x1d5: {  	s17 =	rddreg [dreg:$0xc];
	s21 =	sadd.s32 $0x1, s21  }
0x1d6: {  	p0 =	sne.s32 s21, s17  }
.Ltmp11:
0x1d7: {  	_ = 	snop;
	(pc) =	sbr.rel @p0 .LBB2_1-.Ltmp11, $1  }
0x1d8: {  	_ =	sdelay $0x3  }
0x1d9: {  	_ =	sfence.sel $0x180000  }
0x1da: {  	[bflag:$0x0] =	sbarrier.arrive $0xFFFF  }
0x1db: {  	_ =	strace $0x90000047  }
0x1dc: {  	s0 =	stileid.u32;
	[bflag:$0x2] =	sbarrier.arrive $0xFFFF  }
0x1dd: {  	p0 =	sne.s32 s0, $0x0;
	s0 =	rddreg [dreg:$0x6]  }
0x1de: {  	s0 =	sadd.s32 @!p0 $0x100000, s0  }
0x1df: {  	[sflag:s0] =	ssyncadd.tile.s32 @!p0 $0x1;
	_ =	shalt  }
.Lfunc_end2:
_tile_overlayer_lowered:
.L_overlay_start_2:
0x1e0: {  	(tag) =	ssettag $0x2  }
0x1e1: {  	s0 =	rddreg [dreg:$0x0];
	s2 =	stileid.u32  }
0x1e2: {  	s1 =	rddreg [dreg:$0x1];
	p0 =	sne.s32 s2, $0x0  }
0x1e3: {  	s3 =	rddreg [dreg:$0x2];
	[bflag:$0x3] =	sbarrier.arrive $0xFFFF;
	s2 =	simm.s32 @!p0 $0x1C07  }
0x1e4: {  	[timem:s3], [sflag:s2] =	dma.local @!p0 [hbm:s0], s1  }
0x1e5: {  	s0 =	simm.s32 @!p0 $0x7  }
0x1e6: {  	_ =	swait.ge @!p0 [sflag:s0], s1  }
0x1e7: {  	s1 =	ssub.s32 @!p0 $0x0, s1;
	[sflag:s0] =	ssyncset.done @!p0 $0x0  }
0x1e8: {  	[sflag:s0] =	ssyncadd.s32 @!p0 s1  }
0x1e9: {  	[bflag:$0x3] =	sbarrier.arrive $0xFFFF  }
0x1ea: {  	_ =	shalt  }

</sc_bundles>
